<compile_context>
chip_gen: v7x
topology: tpu7x:2x2x1
jax: 0.10.2.dev20260603
libtpu: 0.0.44.dev20260713+nightly
codegen_flags: <defaults>
</compile_context>

<pallas_src>
import functools

import jax
import jax.numpy as jnp
from jax import lax
from jax.experimental import pallas as pl
from jax.experimental.pallas import tpu as pltpu
from jax.experimental.pallas import tpu_sc as plsc


def _make_sc_kernel(B, D_NUM, N_CAT, D_TOKEN, D_BIAS, N_EMB):
    info = plsc.get_sparse_core_info()
    NC, NS, L = info.num_cores, info.num_subcores, info.num_lanes
    NW = NC * NS
    assert B % NW == 0
    BPT = B // NW
    G = 4
    assert BPT % G == 0
    NG = BPT // G
    assert NG % 2 == 0
    E_TILE = BPT * N_CAT
    E_GRP = G * N_CAT
    assert E_GRP % 8 == 0 and E_GRP <= 128
    assert L < N_CAT <= 2 * L
    LCH = D_TOKEN // L
    ROWS_G = G * D_BIAS
    OUT_G = ROWS_G * D_TOKEN

    mesh = plsc.VectorSubcoreMesh(core_axis_name="c", subcore_axis_name="s")

    @functools.partial(
        pl.kernel,
        mesh=mesh,
        out_type=jax.ShapeDtypeStruct((B * D_BIAS * D_TOKEN,), jnp.float32),
        scratch_types=[
            pltpu.VMEM((BPT * D_NUM + L,), jnp.float32),
            pltpu.VMEM((E_TILE,), jnp.int32),
            pltpu.VMEM((E_TILE,), jnp.int32),
            pltpu.VMEM((2 * L,), jnp.int32),
            pltpu.VMEM((D_NUM, D_TOKEN), jnp.float32),
            pltpu.VMEM((D_BIAS, D_TOKEN), jnp.float32),
            pltpu.VMEM((E_GRP, D_TOKEN), jnp.float32),
            pltpu.VMEM((E_GRP, D_TOKEN), jnp.float32),
            pltpu.VMEM((OUT_G,), jnp.float32),
            pltpu.VMEM((OUT_G,), jnp.float32),
            pltpu.SemaphoreType.DMA,
            pltpu.SemaphoreType.DMA,
            pltpu.SemaphoreType.DMA,
            pltpu.SemaphoreType.DMA,
        ],
    )
    def tok_kernel(xnum_hbm, xcat_hbm, w_hbm, bias_hbm, off_hbm, table_hbm,
                   out_hbm, xnum_v, xcat_v, idx_v, off_v, w_v, bias_v,
                   cat0_v, cat1_v, ob0_v, ob1_v,
                   gsem0, gsem1, osem0, osem1):
        wid = lax.axis_index("s") * NC + lax.axis_index("c")
        b0 = wid * BPT
        pltpu.sync_copy(xnum_hbm.at[pl.ds(b0 * D_NUM, BPT * D_NUM)],
                        xnum_v.at[pl.ds(0, BPT * D_NUM)])
        pltpu.sync_copy(xcat_hbm.at[pl.ds(b0 * N_CAT, E_TILE)], xcat_v)
        pltpu.sync_copy(w_hbm, w_v)
        pltpu.sync_copy(bias_hbm, bias_v)
        pltpu.sync_copy(off_hbm, off_v.at[pl.ds(0, N_CAT)])

        off_lo = off_v[pl.ds(0, L)]
        off_hi = off_v[pl.ds(N_CAT - L, L)]

        def idx_body(b, carry):
            e0 = b * N_CAT
            idx_v[pl.ds(e0, L)] = xcat_v[pl.ds(e0, L)] + off_lo
            idx_v[pl.ds(e0 + N_CAT - L, L)] = (
                xcat_v[pl.ds(e0 + N_CAT - L, L)] + off_hi)
            return carry

        lax.fori_loop(0, BPT, idx_body, 0)

        cats = (cat0_v, cat1_v)
        obufs = (ob0_v, ob1_v)
        gsems = (gsem0, gsem1)
        osems = (osem0, osem1)

        def gather_copy(g, cat_v, gsem):
            eg = pl.multiple_of(g * E_GRP, 8)
            return pltpu.make_async_copy(
                table_hbm.at[idx_v.at[pl.ds(eg, E_GRP)]], cat_v, gsem)

        def out_copy(g, obuf_v, osem):
            o0 = b0 * D_BIAS * D_TOKEN + g * OUT_G
            return pltpu.make_async_copy(
                obuf_v, out_hbm.at[pl.ds(o0, OUT_G)], osem)

        def compute_group(g, cat_v, obuf_v):
            def num_body(i, c2):
                svals = [xnum_v[pl.ds((g * G + k) * D_NUM + i, L)][0]
                         for k in range(G)]
                for l in range(LCH):
                    wv = w_v[i, pl.ds(l * L, L)]
                    bv = bias_v[i, pl.ds(l * L, L)]
                    for k in range(G):
                        obuf_v[pl.ds((k * D_BIAS + i) * D_TOKEN + l * L, L)] = (
                            svals[k] * wv + bv)
                return c2

            lax.fori_loop(0, D_NUM, num_body, 0)

            def cat_body(j, c2):
                for l in range(LCH):
                    bv = bias_v[D_NUM + j, pl.ds(l * L, L)]
                    for k in range(G):
                        v = cat_v[k * N_CAT + j, pl.ds(l * L, L)]
                        obuf_v[pl.ds((k * D_BIAS + D_NUM + j) * D_TOKEN + l * L,
                                     L)] = v + bv
                return c2

            lax.fori_loop(0, N_CAT, cat_body, 0)

        gather_copy(0, cats[0], gsems[0]).start()

        def pair_body(h, carry):
            for par in range(2):
                g = 2 * h + par
                cat_v, obuf_v = cats[par], obufs[par]

                @pl.when(g + 1 < NG)
                def _():
                    gather_copy(g + 1, cats[1 - par], gsems[1 - par]).start()

                gather_copy(g, cat_v, gsems[par]).wait()

                @pl.when(g >= 2)
                def _():
                    out_copy(g - 2, obuf_v, osems[par]).wait()

                compute_group(g, cat_v, obuf_v)
                out_copy(g, obuf_v, osems[par]).start()
            return carry

        lax.fori_loop(0, NG // 2, pair_body, 0)
        out_copy(NG - 2, obufs[0], osems[0]).wait()
        out_copy(NG - 1, obufs[1], osems[1]).wait()

    return tok_kernel


def kernel(x_num, x_cat, weight, bias, emb_table, category_offsets):
    B, _, D_NUM = x_num.shape
    N_CAT = x_cat.shape[2]
    D_TOKEN = weight.shape[1]
    D_BIAS = bias.shape[0]
    N_EMB = emb_table.shape[0]
    f = _make_sc_kernel(B, D_NUM, N_CAT, D_TOKEN, D_BIAS, N_EMB)
    out = f(x_num.reshape(B * D_NUM), x_cat.reshape(B * N_CAT),
            weight, bias, category_offsets.astype(jnp.int32), emb_table)
    return out.reshape(B, 1, D_BIAS, D_TOKEN)

# --- scband reference (transcript-rebuilt; emitter-appended) ---
"""Pipeline reference for scband-tokenizer-6081673691636 (READ-ONLY COPY).

The authoritative reference and input builder live on the scoring server;
editing this copy changes nothing except your own understanding.
"""

import jax, jax.numpy as jnp
import numpy as np

B = 4096
D_NUM = 13
N_CAT = 26
CARD = 1000
D_TOKEN = 128
D_BIAS = D_NUM + N_CAT
N_EMB = N_CAT * CARD + 1


def setup_inputs(seed: int = 0) -> dict:
    key = jax.random.key(seed)
    k1, k2, k3, k4, k5 = jax.random.split(key, 5)
    x_num = jax.random.normal(k1, (B, 1, D_NUM), dtype=jnp.float32)
    x_cat = jax.random.randint(k2, (B, 1, N_CAT), 0, CARD, dtype=jnp.int32)
    # category_offsets = cumsum([0] + categories[:-1])
    category_offsets = jnp.cumsum(jnp.array([0] + [CARD] * (N_CAT - 1), dtype=jnp.int32))
    # learned parameters (kaiming-uniform in torch; random init here, same shapes)
    emb_table = (jax.random.uniform(k3, (N_EMB, D_TOKEN), dtype=jnp.float32) * 2.0 - 1.0) * 0.1
    weight = (jax.random.uniform(k4, (D_NUM, D_TOKEN), dtype=jnp.float32) * 2.0 - 1.0) * 0.3
    bias = (jax.random.uniform(k5, (D_BIAS, D_TOKEN), dtype=jnp.float32) * 2.0 - 1.0) * 0.1
    return {
        "x_num": x_num,
        "x_cat": x_cat,
        "weight": weight,
        "bias": bias,
        "emb_table": emb_table,
        "category_offsets": category_offsets,
    }


def reference(x_num, x_cat, weight, bias, emb_table, category_offsets):
    # x = weight.T * x_num  -> [B, d_token, d_num]
    x = weight.T * x_num
    # x[:, np.newaxis, :, :] -> [B, 1, d_token, d_num]
    x = x[:, None, :, :]
    # permute(0, 1, 3, 2) -> [B, 1, d_num, d_token]
    x = jnp.transpose(x, (0, 1, 3, 2))
    # embedding lookup with per-field offsets -> [B, 1, n_cat, d_token]
    idx = x_cat + category_offsets[None]
    cat_emb = jnp.take(emb_table, idx, axis=0)
    # cat along token dim -> [B, 1, d_num + n_cat, d_token]
    x = jnp.concatenate([x, cat_emb], axis=2)
    # add bias -> broadcast over batch
    x = x + bias[None]
    return x

if __name__ == "__main__":
    import jax
    _d = setup_inputs()
    print(jax.jit(kernel)(*tuple(_d.values())))

</pallas_src>

<mosaic_0001>
#map = affine_map<(d0, d1) -> (0)>
#map1 = affine_map<(d0, d1) -> (0, 0)>
module attributes {stable_mosaic.version = 14 : i64} {
  func.func @tok_kernel(%arg0: i32, %arg1: i32, %arg2: memref<53248xf32, #tpu.memory_space<hbm>>, %arg3: memref<106496xi32, #tpu.memory_space<hbm>>, %arg4: memref<13x128xf32, #tpu.memory_space<hbm>>, %arg5: memref<39x128xf32, #tpu.memory_space<hbm>>, %arg6: memref<26xi32, #tpu.memory_space<hbm>>, %arg7: memref<26001x128xf32, #tpu.memory_space<hbm>>, %arg8: memref<20447232xf32, #tpu.memory_space<hbm>>, %arg9: memref<1680xf32, #tpu.memory_space<vmem>>, %arg10: memref<3328xi32, #tpu.memory_space<vmem>>, %arg11: memref<3328xi32, #tpu.memory_space<vmem>>, %arg12: memref<32xi32, #tpu.memory_space<vmem>>, %arg13: memref<13x128xf32, #tpu.memory_space<vmem>>, %arg14: memref<39x128xf32, #tpu.memory_space<vmem>>, %arg15: memref<104x128xf32, #tpu.memory_space<vmem>>, %arg16: memref<104x128xf32, #tpu.memory_space<vmem>>, %arg17: memref<19968xf32, #tpu.memory_space<vmem>>, %arg18: memref<19968xf32, #tpu.memory_space<vmem>>, %arg19: memref<!tpu.dma_semaphore, #tpu.memory_space<semaphore_mem>>, %arg20: memref<!tpu.dma_semaphore, #tpu.memory_space<semaphore_mem>>, %arg21: memref<!tpu.dma_semaphore, #tpu.memory_space<semaphore_mem>>, %arg22: memref<!tpu.dma_semaphore, #tpu.memory_space<semaphore_mem>>) attributes {dimension_semantics = [#tpu.dimension_semantics<core_parallel>, #tpu.dimension_semantics<subcore_parallel>], iteration_bounds = array<i64: 2, 16>, scalar_prefetch = 0 : i64, scratch_operands = 14 : i64, tpu.core_type = #tpu.core_type<sc_vector_subcore>, window_params = [{transform_indices = #map}, {transform_indices = #map}, {transform_indices = #map1}, {transform_indices = #map1}, {transform_indices = #map}, {transform_indices = #map1}, {transform_indices = #map}]} {
    %mul3A = arith.constant 2 : i32
    %mul3A_0 = arith.muli %arg1, %mul3A : i32
    %add3A = arith.addi %mul3A_0, %arg0 : i32
    %mul3A_1 = arith.constant 128 : i32
    %mul3A_2 = arith.muli %add3A, %mul3A_1 : i32
    %mul3A_3 = arith.constant 13 : i32
    %mul3A_4 = arith.muli %mul3A_2, %mul3A_3 : i32
    "tpu.region"() ({
      %run_scoped3A = tpu.sem_alloc : memref<!tpu.dma_semaphore, #tpu.memory_space<semaphore_mem>>
      %dma_start3A_42 = arith.constant 0 : i32
      %dma_start3A_43 = tpu.memref_slice %arg9[%dma_start3A_42] : memref<1680xf32, #tpu.memory_space<vmem>> -> memref<1664xf32, #tpu.memory_space<vmem>>
      %dma_start3A_44 = tpu.memref_slice %arg2[%mul3A_4] : memref<53248xf32, #tpu.memory_space<hbm>> -> memref<1664xf32, #tpu.memory_space<hbm>>
      %dma_start3A_45 = arith.constant 0 : i32
      %dma_start3A_46 = tpu.memref_slice %arg9[%dma_start3A_45] : memref<1680xf32, #tpu.memory_space<vmem>> -> memref<1664xf32, #tpu.memory_space<vmem>>
      %dma_start3A_47 = tpu.memref_slice %arg2[%mul3A_4] : memref<53248xf32, #tpu.memory_space<hbm>> -> memref<1664xf32, #tpu.memory_space<hbm>>
      tpu.enqueue_dma source(%dma_start3A_47 : memref<1664xf32, #tpu.memory_space<hbm>>) target(%dma_start3A_46 : memref<1664xf32, #tpu.memory_space<vmem>>) target_semaphore(%run_scoped3A : memref<!tpu.dma_semaphore, #tpu.memory_space<semaphore_mem>>)
      %dma_wait3A_48 = arith.constant 0 : i32
      %dma_wait3A_49 = tpu.memref_slice %arg9[%dma_wait3A_48] : memref<1680xf32, #tpu.memory_space<vmem>> -> memref<1664xf32, #tpu.memory_space<vmem>>
      %dma_wait3A_50 = tpu.memref_slice %arg2[%mul3A_4] : memref<53248xf32, #tpu.memory_space<hbm>> -> memref<1664xf32, #tpu.memory_space<hbm>>
      %dma_wait3A_51 = arith.constant 0 : i32
      %dma_wait3A_52 = tpu.memref_slice %arg9[%dma_wait3A_51] : memref<1680xf32, #tpu.memory_space<vmem>> -> memref<1664xf32, #tpu.memory_space<vmem>>
      %dma_wait3A_53 = tpu.memref_slice %arg2[%mul3A_4] : memref<53248xf32, #tpu.memory_space<hbm>> -> memref<1664xf32, #tpu.memory_space<hbm>>
      tpu.wait_dma2 semaphore(%run_scoped3A : memref<!tpu.dma_semaphore, #tpu.memory_space<semaphore_mem>>) src(%dma_wait3A_53 : memref<1664xf32, #tpu.memory_space<hbm>>) dst(%dma_wait3A_52 : memref<1664xf32, #tpu.memory_space<vmem>>)
      tpu.yield
    }) : () -> ()
    %mul3A_5 = arith.constant 26 : i32
    %mul3A_6 = arith.muli %mul3A_2, %mul3A_5 : i32
    "tpu.region"() ({
      %run_scoped3A = tpu.sem_alloc : memref<!tpu.dma_semaphore, #tpu.memory_space<semaphore_mem>>
      %dma_start3A_42 = tpu.memref_slice %arg3[%mul3A_6] : memref<106496xi32, #tpu.memory_space<hbm>> -> memref<3328xi32, #tpu.memory_space<hbm>>
      %dma_start3A_43 = tpu.memref_slice %arg3[%mul3A_6] : memref<106496xi32, #tpu.memory_space<hbm>> -> memref<3328xi32, #tpu.memory_space<hbm>>
      tpu.enqueue_dma source(%dma_start3A_43 : memref<3328xi32, #tpu.memory_space<hbm>>) target(%arg10 : memref<3328xi32, #tpu.memory_space<vmem>>) target_semaphore(%run_scoped3A : memref<!tpu.dma_semaphore, #tpu.memory_space<semaphore_mem>>)
      %dma_wait3A_44 = tpu.memref_slice %arg3[%mul3A_6] : memref<106496xi32, #tpu.memory_space<hbm>> -> memref<3328xi32, #tpu.memory_space<hbm>>
      %dma_wait3A_45 = tpu.memref_slice %arg3[%mul3A_6] : memref<106496xi32, #tpu.memory_space<hbm>> -> memref<3328xi32, #tpu.memory_space<hbm>>
      tpu.wait_dma2 semaphore(%run_scoped3A : memref<!tpu.dma_semaphore, #tpu.memory_space<semaphore_mem>>) src(%dma_wait3A_45 : memref<3328xi32, #tpu.memory_space<hbm>>) dst(%arg10 : memref<3328xi32, #tpu.memory_space<vmem>>)
      tpu.yield
    }) : () -> ()
    "tpu.region"() ({
      %run_scoped3A = tpu.sem_alloc : memref<!tpu.dma_semaphore, #tpu.memory_space<semaphore_mem>>
      tpu.enqueue_dma source(%arg4 : memref<13x128xf32, #tpu.memory_space<hbm>>) target(%arg13 : memref<13x128xf32, #tpu.memory_space<vmem>>) target_semaphore(%run_scoped3A : memref<!tpu.dma_semaphore, #tpu.memory_space<semaphore_mem>>)
      tpu.wait_dma2 semaphore(%run_scoped3A : memref<!tpu.dma_semaphore, #tpu.memory_space<semaphore_mem>>) src(%arg4 : memref<13x128xf32, #tpu.memory_space<hbm>>) dst(%arg13 : memref<13x128xf32, #tpu.memory_space<vmem>>)
      tpu.yield
    }) : () -> ()
    "tpu.region"() ({
      %run_scoped3A = tpu.sem_alloc : memref<!tpu.dma_semaphore, #tpu.memory_space<semaphore_mem>>
      tpu.enqueue_dma source(%arg5 : memref<39x128xf32, #tpu.memory_space<hbm>>) target(%arg14 : memref<39x128xf32, #tpu.memory_space<vmem>>) target_semaphore(%run_scoped3A : memref<!tpu.dma_semaphore, #tpu.memory_space<semaphore_mem>>)
      tpu.wait_dma2 semaphore(%run_scoped3A : memref<!tpu.dma_semaphore, #tpu.memory_space<semaphore_mem>>) src(%arg5 : memref<39x128xf32, #tpu.memory_space<hbm>>) dst(%arg14 : memref<39x128xf32, #tpu.memory_space<vmem>>)
      tpu.yield
    }) : () -> ()
    "tpu.region"() ({
      %run_scoped3A = tpu.sem_alloc : memref<!tpu.dma_semaphore, #tpu.memory_space<semaphore_mem>>
      %dma_start3A_42 = arith.constant 0 : i32
      %dma_start3A_43 = tpu.memref_slice %arg12[%dma_start3A_42] : memref<32xi32, #tpu.memory_space<vmem>> -> memref<26xi32, #tpu.memory_space<vmem>>
      %dma_start3A_44 = arith.constant 0 : i32
      %dma_start3A_45 = tpu.memref_slice %arg12[%dma_start3A_44] : memref<32xi32, #tpu.memory_space<vmem>> -> memref<26xi32, #tpu.memory_space<vmem>>
      tpu.enqueue_dma source(%arg6 : memref<26xi32, #tpu.memory_space<hbm>>) target(%dma_start3A_45 : memref<26xi32, #tpu.memory_space<vmem>>) target_semaphore(%run_scoped3A : memref<!tpu.dma_semaphore, #tpu.memory_space<semaphore_mem>>)
      %dma_wait3A_46 = arith.constant 0 : i32
      %dma_wait3A_47 = tpu.memref_slice %arg12[%dma_wait3A_46] : memref<32xi32, #tpu.memory_space<vmem>> -> memref<26xi32, #tpu.memory_space<vmem>>
      %dma_wait3A_48 = arith.constant 0 : i32
      %dma_wait3A_49 = tpu.memref_slice %arg12[%dma_wait3A_48] : memref<32xi32, #tpu.memory_space<vmem>> -> memref<26xi32, #tpu.memory_space<vmem>>
      tpu.wait_dma2 semaphore(%run_scoped3A : memref<!tpu.dma_semaphore, #tpu.memory_space<semaphore_mem>>) src(%arg6 : memref<26xi32, #tpu.memory_space<hbm>>) dst(%dma_wait3A_49 : memref<26xi32, #tpu.memory_space<vmem>>)
      tpu.yield
    }) : () -> ()
    %get3A = arith.constant 0 : index
    %get3A_7 = tpu.vector_load %arg12[%get3A] {strides = array<i32>} : memref<32xi32, #tpu.memory_space<vmem>>, vector<16xi32>,
    %get3A_8 = vector.shape_cast %get3A_7 : vector<16xi32> to vector<16xi32>
    %get3A_9 = arith.constant 10 : index
    %get3A_10 = tpu.vector_load %arg12[%get3A_9] {strides = array<i32>} : memref<32xi32, #tpu.memory_space<vmem>>, vector<16xi32>,
    %get3A_11 = vector.shape_cast %get3A_10 : vector<16xi32> to vector<16xi32>
    %scan3A = arith.constant 0 : i32
    %scan3A_12 = arith.constant 0 : i32
    %scan3A_13 = arith.constant 128 : i32
    %scan3A_14 = arith.addi %scan3A_12, %scan3A_13 : i32
    %scan3A_15 = arith.constant 1 : i32
    scf.for %scan3A_42 = %scan3A_12 to %scan3A_14 step %scan3A_15  : i32 {
      %mul3A_43 = arith.constant 26 : i32
      %mul3A_44 = arith.muli %scan3A_42, %mul3A_43 : i32
      %get3A_45 = arith.index_cast %mul3A_44 : i32 to index
      %get3A_46 = tpu.vector_load %arg10[%get3A_45] {strides = array<i32>} : memref<3328xi32, #tpu.memory_space<vmem>>, vector<16xi32>,
      %get3A_47 = vector.shape_cast %get3A_46 : vector<16xi32> to vector<16xi32>
      %add3A_48 = arith.addi %get3A_47, %get3A_8 : vector<16xi32>
      %swap3A = arith.index_cast %mul3A_44 : i32 to index
      %swap3A_49 = tpu.vector_load %arg11[%swap3A] {strides = array<i32>} : memref<3328xi32, #tpu.memory_space<vmem>>, vector<16xi32>,
      %swap3A_50 = vector.shape_cast %swap3A_49 : vector<16xi32> to vector<16xi32>
      %swap3A_51 = vector.shape_cast %add3A_48 : vector<16xi32> to vector<16xi32>
      tpu.vector_store %arg11[%swap3A], %swap3A_51 {strides = array<i32>} : memref<3328xi32, #tpu.memory_space<vmem>>, vector<16xi32>,
      %add3A_52 = arith.constant 26 : i32
      %add3A_53 = arith.addi %mul3A_44, %add3A_52 : i32
      %sub3A = arith.constant 16 : i32
      %sub3A_54 = arith.subi %add3A_53, %sub3A : i32
      %get3A_55 = arith.index_cast %sub3A_54 : i32 to index
      %get3A_56 = tpu.vector_load %arg10[%get3A_55] {strides = array<i32>} : memref<3328xi32, #tpu.memory_space<vmem>>, vector<16xi32>,
      %get3A_57 = vector.shape_cast %get3A_56 : vector<16xi32> to vector<16xi32>
      %add3A_58 = arith.addi %get3A_57, %get3A_11 : vector<16xi32>
      %add3A_59 = arith.constant 26 : i32
      %add3A_60 = arith.addi %mul3A_44, %add3A_59 : i32
      %sub3A_61 = arith.constant 16 : i32
      %sub3A_62 = arith.subi %add3A_60, %sub3A_61 : i32
      %swap3A_63 = arith.index_cast %sub3A_62 : i32 to index
      %swap3A_64 = tpu.vector_load %arg11[%swap3A_63] {strides = array<i32>} : memref<3328xi32, #tpu.memory_space<vmem>>, vector<16xi32>,
      %swap3A_65 = vector.shape_cast %swap3A_64 : vector<16xi32> to vector<16xi32>
      %swap3A_66 = vector.shape_cast %add3A_58 : vector<16xi32> to vector<16xi32>
      tpu.vector_store %arg11[%swap3A_63], %swap3A_66 {strides = array<i32>} : memref<3328xi32, #tpu.memory_space<vmem>>, vector<16xi32>,
    }
    %scan3A_16 = arith.constant 128 : i32
    %multiple_of3A = arith.constant 0 : i32
    %multiple_of3A_17 = tpu.assume_multiple %multiple_of3A, 8 : i32
    %dma_start3A = tpu.memref_slice %arg11[%multiple_of3A_17] : memref<3328xi32, #tpu.memory_space<vmem>> -> memref<104xi32, #tpu.memory_space<vmem>>
    %dma_start3A_18 = arith.constant 0 : i32
    %dma_start3A_19 = arith.constant 0 : i32
    %dma_start3A_20 = tpu.memref_slice %arg7[%dma_start3A_18, %dma_start3A_19] : memref<26001x128xf32, #tpu.memory_space<hbm>> -> memref<26001x128xf32, #tpu.memory_space<hbm>>
    tpu.enqueue_indirect_dma source(%dma_start3A_20 : memref<26001x128xf32, #tpu.memory_space<hbm>>) target(%arg15 : memref<104x128xf32, #tpu.memory_space<vmem>>) offsets(%dma_start3A : memref<104xi32, #tpu.memory_space<vmem>>) semaphore(%arg19 : memref<!tpu.dma_semaphore, #tpu.memory_space<semaphore_mem>>)
    %scan3A_21 = arith.constant 0 : i32
    %scan3A_22 = arith.constant 0 : i32
    %scan3A_23 = arith.constant 16 : i32
    %scan3A_24 = arith.addi %scan3A_22, %scan3A_23 : i32
    %scan3A_25 = arith.constant 1 : i32
    scf.for %scan3A_42 = %scan3A_22 to %scan3A_24 step %scan3A_25  : i32 {
      %mul3A_43 = arith.constant 2 : i32
      %mul3A_44 = arith.muli %mul3A_43, %scan3A_42 : i32
      %add3A_45 = arith.constant 0 : i32
      %add3A_46 = arith.addi %mul3A_44, %add3A_45 : i32
      %add3A_47 = arith.constant 1 : i32
      %add3A_48 = arith.addi %add3A_46, %add3A_47 : i32
      %lt3A = arith.constant 32 : i32
      %lt3A_49 = arith.cmpi slt, %add3A_48, %lt3A : i32
      %convert_element_type3A = arith.extui %lt3A_49 : i1 to i32
      %cond3A = arith.constant 0 : i32
      %cond3A_50 = arith.cmpi ne, %convert_element_type3A, %cond3A : i32
      scf.if %cond3A_50 {
        %add3A_127 = arith.constant 1 : i32
        %add3A_128 = arith.addi %add3A_46, %add3A_127 : i32
        %mul3A_129 = arith.constant 104 : i32
        %mul3A_130 = arith.muli %add3A_128, %mul3A_129 : i32
        %multiple_of3A_131 = tpu.assume_multiple %mul3A_130, 8 : i32
        %dma_start3A_132 = tpu.memref_slice %arg11[%multiple_of3A_131] : memref<3328xi32, #tpu.memory_space<vmem>> -> memref<104xi32, #tpu.memory_space<vmem>>
        %dma_start3A_133 = arith.constant 0 : i32
        %dma_start3A_134 = arith.constant 0 : i32
        %dma_start3A_135 = tpu.memref_slice %arg7[%dma_start3A_133, %dma_start3A_134] : memref<26001x128xf32, #tpu.memory_space<hbm>> -> memref<26001x128xf32, #tpu.memory_space<hbm>>
        tpu.enqueue_indirect_dma source(%dma_start3A_135 : memref<26001x128xf32, #tpu.memory_space<hbm>>) target(%arg16 : memref<104x128xf32, #tpu.memory_space<vmem>>) offsets(%dma_start3A_132 : memref<104xi32, #tpu.memory_space<vmem>>) semaphore(%arg20 : memref<!tpu.dma_semaphore, #tpu.memory_space<semaphore_mem>>)
      } else {
      }
      %mul3A_51 = arith.constant 104 : i32
      %mul3A_52 = arith.muli %add3A_46, %mul3A_51 : i32
      %multiple_of3A_53 = tpu.assume_multiple %mul3A_52, 8 : i32
      %dma_wait3A_54 = tpu.memref_slice %arg11[%multiple_of3A_53] : memref<3328xi32, #tpu.memory_space<vmem>> -> memref<104xi32, #tpu.memory_space<vmem>>
      %dma_wait3A_55 = arith.constant 0 : i32
      %dma_wait3A_56 = arith.constant 0 : i32
      %dma_wait3A_57 = tpu.memref_slice %arg7[%dma_wait3A_55, %dma_wait3A_56] : memref<26001x128xf32, #tpu.memory_space<hbm>> -> memref<26001x128xf32, #tpu.memory_space<hbm>>
      tpu.wait_indirect_dma semaphore(%arg19 : memref<!tpu.dma_semaphore, #tpu.memory_space<semaphore_mem>>) src(%dma_wait3A_57 : memref<26001x128xf32, #tpu.memory_space<hbm>>) dst(%arg15 : memref<104x128xf32, #tpu.memory_space<vmem>>)
      %ge3A = arith.constant 2 : i32
      %ge3A_58 = arith.cmpi sge, %add3A_46, %ge3A : i32
      %convert_element_type3A_59 = arith.extui %ge3A_58 : i1 to i32
      %cond3A_60 = arith.constant 0 : i32
      %cond3A_61 = arith.cmpi ne, %convert_element_type3A_59, %cond3A_60 : i32
      scf.if %cond3A_61 {
        %sub3A = arith.constant 2 : i32
        %sub3A_127 = arith.subi %add3A_46, %sub3A : i32
        %mul3A_128 = arith.constant 39 : i32
        %mul3A_129 = arith.muli %mul3A_2, %mul3A_128 : i32
        %mul3A_130 = arith.constant 128 : i32
        %mul3A_131 = arith.muli %mul3A_129, %mul3A_130 : i32
        %mul3A_132 = arith.constant 19968 : i32
        %mul3A_133 = arith.muli %sub3A_127, %mul3A_132 : i32
        %add3A_134 = arith.addi %mul3A_131, %mul3A_133 : i32
        %dma_wait3A_135 = tpu.memref_slice %arg8[%add3A_134] : memref<20447232xf32, #tpu.memory_space<hbm>> -> memref<19968xf32, #tpu.memory_space<hbm>>
        %dma_wait3A_136 = tpu.memref_slice %arg8[%add3A_134] : memref<20447232xf32, #tpu.memory_space<hbm>> -> memref<19968xf32, #tpu.memory_space<hbm>>
        tpu.wait_dma2 semaphore(%arg21 : memref<!tpu.dma_semaphore, #tpu.memory_space<semaphore_mem>>) src(%arg17 : memref<19968xf32, #tpu.memory_space<vmem>>) dst(%dma_wait3A_136 : memref<19968xf32, #tpu.memory_space<hbm>>)
      } else {
      }
      %scan3A_62 = arith.constant 0 : i32
      %scan3A_63 = arith.constant 0 : i32
      %scan3A_64 = arith.constant 13 : i32
      %scan3A_65 = arith.addi %scan3A_63, %scan3A_64 : i32
      %scan3A_66 = arith.constant 1 : i32
      scf.for %scan3A_127 = %scan3A_63 to %scan3A_65 step %scan3A_66  : i32 {
        %mul3A_128 = arith.constant 4 : i32
        %mul3A_129 = arith.muli %add3A_46, %mul3A_128 : i32
        %add3A_130 = arith.constant 0 : i32
        %add3A_131 = arith.addi %mul3A_129, %add3A_130 : i32
        %mul3A_132 = arith.constant 13 : i32
        %mul3A_133 = arith.muli %add3A_131, %mul3A_132 : i32
        %add3A_134 = arith.addi %mul3A_133, %scan3A_127 : i32
        %get3A_135 = arith.index_cast %add3A_134 : i32 to index
        %get3A_136 = tpu.vector_load %arg9[%get3A_135] {strides = array<i32>} : memref<1680xf32, #tpu.memory_space<vmem>>, vector<16xf32>,
        %get3A_137 = vector.shape_cast %get3A_136 : vector<16xf32> to vector<16xf32>
        %slice3A = vector.extract_strided_slice %get3A_137 {offsets = [0], sizes = [1], strides = [1]} : vector<16xf32> to vector<1xf32>
        %squeeze3A = vector.extract %slice3A[0] : f32 from vector<1xf32>
        %mul3A_138 = arith.constant 4 : i32
        %mul3A_139 = arith.muli %add3A_46, %mul3A_138 : i32
        %add3A_140 = arith.constant 1 : i32
        %add3A_141 = arith.addi %mul3A_139, %add3A_140 : i32
        %mul3A_142 = arith.constant 13 : i32
        %mul3A_143 = arith.muli %add3A_141, %mul3A_142 : i32
        %add3A_144 = arith.addi %mul3A_143, %scan3A_127 : i32
        %get3A_145 = arith.index_cast %add3A_144 : i32 to index
        %get3A_146 = tpu.vector_load %arg9[%get3A_145] {strides = array<i32>} : memref<1680xf32, #tpu.memory_space<vmem>>, vector<16xf32>,
        %get3A_147 = vector.shape_cast %get3A_146 : vector<16xf32> to vector<16xf32>
        %slice3A_148 = vector.extract_strided_slice %get3A_147 {offsets = [0], sizes = [1], strides = [1]} : vector<16xf32> to vector<1xf32>
        %squeeze3A_149 = vector.extract %slice3A_148[0] : f32 from vector<1xf32>
        %mul3A_150 = arith.constant 4 : i32
        %mul3A_151 = arith.muli %add3A_46, %mul3A_150 : i32
        %add3A_152 = arith.constant 2 : i32
        %add3A_153 = arith.addi %mul3A_151, %add3A_152 : i32
        %mul3A_154 = arith.constant 13 : i32
        %mul3A_155 = arith.muli %add3A_153, %mul3A_154 : i32
        %add3A_156 = arith.addi %mul3A_155, %scan3A_127 : i32
        %get3A_157 = arith.index_cast %add3A_156 : i32 to index
        %get3A_158 = tpu.vector_load %arg9[%get3A_157] {strides = array<i32>} : memref<1680xf32, #tpu.memory_space<vmem>>, vector<16xf32>,
        %get3A_159 = vector.shape_cast %get3A_158 : vector<16xf32> to vector<16xf32>
        %slice3A_160 = vector.extract_strided_slice %get3A_159 {offsets = [0], sizes = [1], strides = [1]} : vector<16xf32> to vector<1xf32>
        %squeeze3A_161 = vector.extract %slice3A_160[0] : f32 from vector<1xf32>
        %mul3A_162 = arith.constant 4 : i32
        %mul3A_163 = arith.muli %add3A_46, %mul3A_162 : i32
        %add3A_164 = arith.constant 3 : i32
        %add3A_165 = arith.addi %mul3A_163, %add3A_164 : i32
        %mul3A_166 = arith.constant 13 : i32
        %mul3A_167 = arith.muli %add3A_165, %mul3A_166 : i32
        %add3A_168 = arith.addi %mul3A_167, %scan3A_127 : i32
        %get3A_169 = arith.index_cast %add3A_168 : i32 to index
        %get3A_170 = tpu.vector_load %arg9[%get3A_169] {strides = array<i32>} : memref<1680xf32, #tpu.memory_space<vmem>>, vector<16xf32>,
        %get3A_171 = vector.shape_cast %get3A_170 : vector<16xf32> to vector<16xf32>
        %slice3A_172 = vector.extract_strided_slice %get3A_171 {offsets = [0], sizes = [1], strides = [1]} : vector<16xf32> to vector<1xf32>
        %squeeze3A_173 = vector.extract %slice3A_172[0] : f32 from vector<1xf32>
        %get3A_174 = arith.index_cast %scan3A_127 : i32 to index
        %get3A_175 = arith.constant 0 : index
        %get3A_176 = tpu.vector_load %arg13[%get3A_174, %get3A_175] {strides = array<i32>} : memref<13x128xf32, #tpu.memory_space<vmem>>, vector<1x16xf32>,
        %get3A_177 = vector.shape_cast %get3A_176 : vector<1x16xf32> to vector<16xf32>
        %get3A_178 = arith.index_cast %scan3A_127 : i32 to index
        %get3A_179 = arith.constant 0 : index
        %get3A_180 = tpu.vector_load %arg14[%get3A_178, %get3A_179] {strides = array<i32>} : memref<39x128xf32, #tpu.memory_space<vmem>>, vector<1x16xf32>,
        %get3A_181 = vector.shape_cast %get3A_180 : vector<1x16xf32> to vector<16xf32>
        %mul3A_182 = vector.broadcast %squeeze3A : f32 to vector<16xf32>
        %mul3A_183 = arith.mulf %mul3A_182, %get3A_177 : vector<16xf32>
        %add3A_184 = arith.addf %mul3A_183, %get3A_181 : vector<16xf32>
        %add3A_185 = arith.constant 0 : i32
        %add3A_186 = arith.addi %add3A_185, %scan3A_127 : i32
        %mul3A_187 = arith.constant 128 : i32
        %mul3A_188 = arith.muli %add3A_186, %mul3A_187 : i32
        %add3A_189 = arith.constant 0 : i32
        %add3A_190 = arith.addi %mul3A_188, %add3A_189 : i32
        %swap3A = arith.index_cast %add3A_190 : i32 to index
        %swap3A_191 = tpu.vector_load %arg17[%swap3A] {strides = array<i32>} : memref<19968xf32, #tpu.memory_space<vmem>>, vector<16xf32>,
        %swap3A_192 = vector.shape_cast %swap3A_191 : vector<16xf32> to vector<16xf32>
        %swap3A_193 = vector.shape_cast %add3A_184 : vector<16xf32> to vector<16xf32>
        tpu.vector_store %arg17[%swap3A], %swap3A_193 {strides = array<i32>} : memref<19968xf32, #tpu.memory_space<vmem>>, vector<16xf32>,
        %mul3A_194 = vector.broadcast %squeeze3A_149 : f32 to vector<16xf32>
        %mul3A_195 = arith.mulf %mul3A_194, %get3A_177 : vector<16xf32>
        %add3A_196 = arith.addf %mul3A_195, %get3A_181 : vector<16xf32>
        %add3A_197 = arith.constant 39 : i32
        %add3A_198 = arith.addi %add3A_197, %scan3A_127 : i32
        %mul3A_199 = arith.constant 128 : i32
        %mul3A_200 = arith.muli %add3A_198, %mul3A_199 : i32
        %add3A_201 = arith.constant 0 : i32
        %add3A_202 = arith.addi %mul3A_200, %add3A_201 : i32
        %swap3A_203 = arith.index_cast %add3A_202 : i32 to index
        %swap3A_204 = tpu.vector_load %arg17[%swap3A_203] {strides = array<i32>} : memref<19968xf32, #tpu.memory_space<vmem>>, vector<16xf32>,
        %swap3A_205 = vector.shape_cast %swap3A_204 : vector<16xf32> to vector<16xf32>
        %swap3A_206 = vector.shape_cast %add3A_196 : vector<16xf32> to vector<16xf32>
        tpu.vector_store %arg17[%swap3A_203], %swap3A_206 {strides = array<i32>} : memref<19968xf32, #tpu.memory_space<vmem>>, vector<16xf32>,
        %mul3A_207 = vector.broadcast %squeeze3A_161 : f32 to vector<16xf32>
        %mul3A_208 = arith.mulf %mul3A_207, %get3A_177 : vector<16xf32>
        %add3A_209 = arith.addf %mul3A_208, %get3A_181 : vector<16xf32>
        %add3A_210 = arith.constant 78 : i32
        %add3A_211 = arith.addi %add3A_210, %scan3A_127 : i32
        %mul3A_212 = arith.constant 128 : i32
        %mul3A_213 = arith.muli %add3A_211, %mul3A_212 : i32
        %add3A_214 = arith.constant 0 : i32
        %add3A_215 = arith.addi %mul3A_213, %add3A_214 : i32
        %swap3A_216 = arith.index_cast %add3A_215 : i32 to index
        %swap3A_217 = tpu.vector_load %arg17[%swap3A_216] {strides = array<i32>} : memref<19968xf32, #tpu.memory_space<vmem>>, vector<16xf32>,
        %swap3A_218 = vector.shape_cast %swap3A_217 : vector<16xf32> to vector<16xf32>
        %swap3A_219 = vector.shape_cast %add3A_209 : vector<16xf32> to vector<16xf32>
        tpu.vector_store %arg17[%swap3A_216], %swap3A_219 {strides = array<i32>} : memref<19968xf32, #tpu.memory_space<vmem>>, vector<16xf32>,
        %mul3A_220 = vector.broadcast %squeeze3A_173 : f32 to vector<16xf32>
        %mul3A_221 = arith.mulf %mul3A_220, %get3A_177 : vector<16xf32>
        %add3A_222 = arith.addf %mul3A_221, %get3A_181 : vector<16xf32>
        %add3A_223 = arith.constant 117 : i32
        %add3A_224 = arith.addi %add3A_223, %scan3A_127 : i32
        %mul3A_225 = arith.constant 128 : i32
        %mul3A_226 = arith.muli %add3A_224, %mul3A_225 : i32
        %add3A_227 = arith.constant 0 : i32
        %add3A_228 = arith.addi %mul3A_226, %add3A_227 : i32
        %swap3A_229 = arith.index_cast %add3A_228 : i32 to index
        %swap3A_230 = tpu.vector_load %arg17[%swap3A_229] {strides = array<i32>} : memref<19968xf32, #tpu.memory_space<vmem>>, vector<16xf32>,
        %swap3A_231 = vector.shape_cast %swap3A_230 : vector<16xf32> to vector<16xf32>
        %swap3A_232 = vector.shape_cast %add3A_222 : vector<16xf32> to vector<16xf32>
        tpu.vector_store %arg17[%swap3A_229], %swap3A_232 {strides = array<i32>} : memref<19968xf32, #tpu.memory_space<vmem>>, vector<16xf32>,
        %get3A_233 = arith.index_cast %scan3A_127 : i32 to index
        %get3A_234 = arith.constant 16 : index
        %get3A_235 = tpu.vector_load %arg13[%get3A_233, %get3A_234] {strides = array<i32>} : memref<13x128xf32, #tpu.memory_space<vmem>>, vector<1x16xf32>,
        %get3A_236 = vector.shape_cast %get3A_235 : vector<1x16xf32> to vector<16xf32>
        %get3A_237 = arith.index_cast %scan3A_127 : i32 to index
        %get3A_238 = arith.constant 16 : index
        %get3A_239 = tpu.vector_load %arg14[%get3A_237, %get3A_238] {strides = array<i32>} : memref<39x128xf32, #tpu.memory_space<vmem>>, vector<1x16xf32>,
        %get3A_240 = vector.shape_cast %get3A_239 : vector<1x16xf32> to vector<16xf32>
        %mul3A_241 = vector.broadcast %squeeze3A : f32 to vector<16xf32>
        %mul3A_242 = arith.mulf %mul3A_241, %get3A_236 : vector<16xf32>
        %add3A_243 = arith.addf %mul3A_242, %get3A_240 : vector<16xf32>
        %add3A_244 = arith.constant 0 : i32
        %add3A_245 = arith.addi %add3A_244, %scan3A_127 : i32
        %mul3A_246 = arith.constant 128 : i32
        %mul3A_247 = arith.muli %add3A_245, %mul3A_246 : i32
        %add3A_248 = arith.constant 16 : i32
        %add3A_249 = arith.addi %mul3A_247, %add3A_248 : i32
        %swap3A_250 = arith.index_cast %add3A_249 : i32 to index
        %swap3A_251 = tpu.vector_load %arg17[%swap3A_250] {strides = array<i32>} : memref<19968xf32, #tpu.memory_space<vmem>>, vector<16xf32>,
        %swap3A_252 = vector.shape_cast %swap3A_251 : vector<16xf32> to vector<16xf32>
        %swap3A_253 = vector.shape_cast %add3A_243 : vector<16xf32> to vector<16xf32>
        tpu.vector_store %arg17[%swap3A_250], %swap3A_253 {strides = array<i32>} : memref<19968xf32, #tpu.memory_space<vmem>>, vector<16xf32>,
        %mul3A_254 = vector.broadcast %squeeze3A_149 : f32 to vector<16xf32>
        %mul3A_255 = arith.mulf %mul3A_254, %get3A_236 : vector<16xf32>
        %add3A_256 = arith.addf %mul3A_255, %get3A_240 : vector<16xf32>
        %add3A_257 = arith.constant 39 : i32
        %add3A_258 = arith.addi %add3A_257, %scan3A_127 : i32
        %mul3A_259 = arith.constant 128 : i32
        %mul3A_260 = arith.muli %add3A_258, %mul3A_259 : i32
        %add3A_261 = arith.constant 16 : i32
        %add3A_262 = arith.addi %mul3A_260, %add3A_261 : i32
        %swap3A_263 = arith.index_cast %add3A_262 : i32 to index
        %swap3A_264 = tpu.vector_load %arg17[%swap3A_263] {strides = array<i32>} : memref<19968xf32, #tpu.memory_space<vmem>>, vector<16xf32>,
        %swap3A_265 = vector.shape_cast %swap3A_264 : vector<16xf32> to vector<16xf32>
        %swap3A_266 = vector.shape_cast %add3A_256 : vector<16xf32> to vector<16xf32>
        tpu.vector_store %arg17[%swap3A_263], %swap3A_266 {strides = array<i32>} : memref<19968xf32, #tpu.memory_space<vmem>>, vector<16xf32>,
        %mul3A_267 = vector.broadcast %squeeze3A_161 : f32 to vector<16xf32>
        %mul3A_268 = arith.mulf %mul3A_267, %get3A_236 : vector<16xf32>
        %add3A_269 = arith.addf %mul3A_268, %get3A_240 : vector<16xf32>
        %add3A_270 = arith.constant 78 : i32
        %add3A_271 = arith.addi %add3A_270, %scan3A_127 : i32
        %mul3A_272 = arith.constant 128 : i32
        %mul3A_273 = arith.muli %add3A_271, %mul3A_272 : i32
        %add3A_274 = arith.constant 16 : i32
        %add3A_275 = arith.addi %mul3A_273, %add3A_274 : i32
        %swap3A_276 = arith.index_cast %add3A_275 : i32 to index
        %swap3A_277 = tpu.vector_load %arg17[%swap3A_276] {strides = array<i32>} : memref<19968xf32, #tpu.memory_space<vmem>>, vector<16xf32>,
        %swap3A_278 = vector.shape_cast %swap3A_277 : vector<16xf32> to vector<16xf32>
        %swap3A_279 = vector.shape_cast %add3A_269 : vector<16xf32> to vector<16xf32>
        tpu.vector_store %arg17[%swap3A_276], %swap3A_279 {strides = array<i32>} : memref<19968xf32, #tpu.memory_space<vmem>>, vector<16xf32>,
        %mul3A_280 = vector.broadcast %squeeze3A_173 : f32 to vector<16xf32>
        %mul3A_281 = arith.mulf %mul3A_280, %get3A_236 : vector<16xf32>
        %add3A_282 = arith.addf %mul3A_281, %get3A_240 : vector<16xf32>
        %add3A_283 = arith.constant 117 : i32
        %add3A_284 = arith.addi %add3A_283, %scan3A_127 : i32
        %mul3A_285 = arith.constant 128 : i32
        %mul3A_286 = arith.muli %add3A_284, %mul3A_285 : i32
        %add3A_287 = arith.constant 16 : i32
        %add3A_288 = arith.addi %mul3A_286, %add3A_287 : i32
        %swap3A_289 = arith.index_cast %add3A_288 : i32 to index
        %swap3A_290 = tpu.vector_load %arg17[%swap3A_289] {strides = array<i32>} : memref<19968xf32, #tpu.memory_space<vmem>>, vector<16xf32>,
        %swap3A_291 = vector.shape_cast %swap3A_290 : vector<16xf32> to vector<16xf32>
        %swap3A_292 = vector.shape_cast %add3A_282 : vector<16xf32> to vector<16xf32>
        tpu.vector_store %arg17[%swap3A_289], %swap3A_292 {strides = array<i32>} : memref<19968xf32, #tpu.memory_space<vmem>>, vector<16xf32>,
        %get3A_293 = arith.index_cast %scan3A_127 : i32 to index
        %get3A_294 = arith.constant 32 : index
        %get3A_295 = tpu.vector_load %arg13[%get3A_293, %get3A_294] {strides = array<i32>} : memref<13x128xf32, #tpu.memory_space<vmem>>, vector<1x16xf32>,
        %get3A_296 = vector.shape_cast %get3A_295 : vector<1x16xf32> to vector<16xf32>
        %get3A_297 = arith.index_cast %scan3A_127 : i32 to index
        %get3A_298 = arith.constant 32 : index
        %get3A_299 = tpu.vector_load %arg14[%get3A_297, %get3A_298] {strides = array<i32>} : memref<39x128xf32, #tpu.memory_space<vmem>>, vector<1x16xf32>,
        %get3A_300 = vector.shape_cast %get3A_299 : vector<1x16xf32> to vector<16xf32>
        %mul3A_301 = vector.broadcast %squeeze3A : f32 to vector<16xf32>
        %mul3A_302 = arith.mulf %mul3A_301, %get3A_296 : vector<16xf32>
        %add3A_303 = arith.addf %mul3A_302, %get3A_300 : vector<16xf32>
        %add3A_304 = arith.constant 0 : i32
        %add3A_305 = arith.addi %add3A_304, %scan3A_127 : i32
        %mul3A_306 = arith.constant 128 : i32
        %mul3A_307 = arith.muli %add3A_305, %mul3A_306 : i32
        %add3A_308 = arith.constant 32 : i32
        %add3A_309 = arith.addi %mul3A_307, %add3A_308 : i32
        %swap3A_310 = arith.index_cast %add3A_309 : i32 to index
        %swap3A_311 = tpu.vector_load %arg17[%swap3A_310] {strides = array<i32>} : memref<19968xf32, #tpu.memory_space<vmem>>, vector<16xf32>,
        %swap3A_312 = vector.shape_cast %swap3A_311 : vector<16xf32> to vector<16xf32>
        %swap3A_313 = vector.shape_cast %add3A_303 : vector<16xf32> to vector<16xf32>
        tpu.vector_store %arg17[%swap3A_310], %swap3A_313 {strides = array<i32>} : memref<19968xf32, #tpu.memory_space<vmem>>, vector<16xf32>,
        %mul3A_314 = vector.broadcast %squeeze3A_149 : f32 to vector<16xf32>
        %mul3A_315 = arith.mulf %mul3A_314, %get3A_296 : vector<16xf32>
        %add3A_316 = arith.addf %mul3A_315, %get3A_300 : vector<16xf32>
        %add3A_317 = arith.constant 39 : i32
        %add3A_318 = arith.addi %add3A_317, %scan3A_127 : i32
        %mul3A_319 = arith.constant 128 : i32
        %mul3A_320 = arith.muli %add3A_318, %mul3A_319 : i32
        %add3A_321 = arith.constant 32 : i32
        %add3A_322 = arith.addi %mul3A_320, %add3A_321 : i32
        %swap3A_323 = arith.index_cast %add3A_322 : i32 to index
        %swap3A_324 = tpu.vector_load %arg17[%swap3A_323] {strides = array<i32>} : memref<19968xf32, #tpu.memory_space<vmem>>, vector<16xf32>,
        %swap3A_325 = vector.shape_cast %swap3A_324 : vector<16xf32> to vector<16xf32>
        %swap3A_326 = vector.shape_cast %add3A_316 : vector<16xf32> to vector<16xf32>
        tpu.vector_store %arg17[%swap3A_323], %swap3A_326 {strides = array<i32>} : memref<19968xf32, #tpu.memory_space<vmem>>, vector<16xf32>,
        %mul3A_327 = vector.broadcast %squeeze3A_161 : f32 to vector<16xf32>
        %mul3A_328 = arith.mulf %mul3A_327, %get3A_296 : vector<16xf32>
        %add3A_329 = arith.addf %mul3A_328, %get3A_300 : vector<16xf32>
        %add3A_330 = arith.constant 78 : i32
        %add3A_331 = arith.addi %add3A_330, %scan3A_127 : i32
        %mul3A_332 = arith.constant 128 : i32
        %mul3A_333 = arith.muli %add3A_331, %mul3A_332 : i32
        %add3A_334 = arith.constant 32 : i32
        %add3A_335 = arith.addi %mul3A_333, %add3A_334 : i32
        %swap3A_336 = arith.index_cast %add3A_335 : i32 to index
        %swap3A_337 = tpu.vector_load %arg17[%swap3A_336] {strides = array<i32>} : memref<19968xf32, #tpu.memory_space<vmem>>, vector<16xf32>,
        %swap3A_338 = vector.shape_cast %swap3A_337 : vector<16xf32> to vector<16xf32>
        %swap3A_339 = vector.shape_cast %add3A_329 : vector<16xf32> to vector<16xf32>
        tpu.vector_store %arg17[%swap3A_336], %swap3A_339 {strides = array<i32>} : memref<19968xf32, #tpu.memory_space<vmem>>, vector<16xf32>,
        %mul3A_340 = vector.broadcast %squeeze3A_173 : f32 to vector<16xf32>
        %mul3A_341 = arith.mulf %mul3A_340, %get3A_296 : vector<16xf32>
        %add3A_342 = arith.addf %mul3A_341, %get3A_300 : vector<16xf32>
        %add3A_343 = arith.constant 117 : i32
        %add3A_344 = arith.addi %add3A_343, %scan3A_127 : i32
        %mul3A_345 = arith.constant 128 : i32
        %mul3A_346 = arith.muli %add3A_344, %mul3A_345 : i32
        %add3A_347 = arith.constant 32 : i32
        %add3A_348 = arith.addi %mul3A_346, %add3A_347 : i32
        %swap3A_349 = arith.index_cast %add3A_348 : i32 to index
        %swap3A_350 = tpu.vector_load %arg17[%swap3A_349] {strides = array<i32>} : memref<19968xf32, #tpu.memory_space<vmem>>, vector<16xf32>,
        %swap3A_351 = vector.shape_cast %swap3A_350 : vector<16xf32> to vector<16xf32>
        %swap3A_352 = vector.shape_cast %add3A_342 : vector<16xf32> to vector<16xf32>
        tpu.vector_store %arg17[%swap3A_349], %swap3A_352 {strides = array<i32>} : memref<19968xf32, #tpu.memory_space<vmem>>, vector<16xf32>,
        %get3A_353 = arith.index_cast %scan3A_127 : i32 to index
        %get3A_354 = arith.constant 48 : index
        %get3A_355 = tpu.vector_load %arg13[%get3A_353, %get3A_354] {strides = array<i32>} : memref<13x128xf32, #tpu.memory_space<vmem>>, vector<1x16xf32>,
        %get3A_356 = vector.shape_cast %get3A_355 : vector<1x16xf32> to vector<16xf32>
        %get3A_357 = arith.index_cast %scan3A_127 : i32 to index
        %get3A_358 = arith.constant 48 : index
        %get3A_359 = tpu.vector_load %arg14[%get3A_357, %get3A_358] {strides = array<i32>} : memref<39x128xf32, #tpu.memory_space<vmem>>, vector<1x16xf32>,
        %get3A_360 = vector.shape_cast %get3A_359 : vector<1x16xf32> to vector<16xf32>
        %mul3A_361 = vector.broadcast %squeeze3A : f32 to vector<16xf32>
        %mul3A_362 = arith.mulf %mul3A_361, %get3A_356 : vector<16xf32>
        %add3A_363 = arith.addf %mul3A_362, %get3A_360 : vector<16xf32>
        %add3A_364 = arith.constant 0 : i32
        %add3A_365 = arith.addi %add3A_364, %scan3A_127 : i32
        %mul3A_366 = arith.constant 128 : i32
        %mul3A_367 = arith.muli %add3A_365, %mul3A_366 : i32
        %add3A_368 = arith.constant 48 : i32
        %add3A_369 = arith.addi %mul3A_367, %add3A_368 : i32
        %swap3A_370 = arith.index_cast %add3A_369 : i32 to index
        %swap3A_371 = tpu.vector_load %arg17[%swap3A_370] {strides = array<i32>} : memref<19968xf32, #tpu.memory_space<vmem>>, vector<16xf32>,
        %swap3A_372 = vector.shape_cast %swap3A_371 : vector<16xf32> to vector<16xf32>
        %swap3A_373 = vector.shape_cast %add3A_363 : vector<16xf32> to vector<16xf32>
        tpu.vector_store %arg17[%swap3A_370], %swap3A_373 {strides = array<i32>} : memref<19968xf32, #tpu.memory_space<vmem>>, vector<16xf32>,
        %mul3A_374 = vector.broadcast %squeeze3A_149 : f32 to vector<16xf32>
        %mul3A_375 = arith.mulf %mul3A_374, %get3A_356 : vector<16xf32>
        %add3A_376 = arith.addf %mul3A_375, %get3A_360 : vector<16xf32>
        %add3A_377 = arith.constant 39 : i32
        %add3A_378 = arith.addi %add3A_377, %scan3A_127 : i32
        %mul3A_379 = arith.constant 128 : i32
        %mul3A_380 = arith.muli %add3A_378, %mul3A_379 : i32
        %add3A_381 = arith.constant 48 : i32
        %add3A_382 = arith.addi %mul3A_380, %add3A_381 : i32
        %swap3A_383 = arith.index_cast %add3A_382 : i32 to index
        %swap3A_384 = tpu.vector_load %arg17[%swap3A_383] {strides = array<i32>} : memref<19968xf32, #tpu.memory_space<vmem>>, vector<16xf32>,
        %swap3A_385 = vector.shape_cast %swap3A_384 : vector<16xf32> to vector<16xf32>
        %swap3A_386 = vector.shape_cast %add3A_376 : vector<16xf32> to vector<16xf32>
        tpu.vector_store %arg17[%swap3A_383], %swap3A_386 {strides = array<i32>} : memref<19968xf32, #tpu.memory_space<vmem>>, vector<16xf32>,
        %mul3A_387 = vector.broadcast %squeeze3A_161 : f32 to vector<16xf32>
        %mul3A_388 = arith.mulf %mul3A_387, %get3A_356 : vector<16xf32>
        %add3A_389 = arith.addf %mul3A_388, %get3A_360 : vector<16xf32>
        %add3A_390 = arith.constant 78 : i32
        %add3A_391 = arith.addi %add3A_390, %scan3A_127 : i32
        %mul3A_392 = arith.constant 128 : i32
        %mul3A_393 = arith.muli %add3A_391, %mul3A_392 : i32
        %add3A_394 = arith.constant 48 : i32
        %add3A_395 = arith.addi %mul3A_393, %add3A_394 : i32
        %swap3A_396 = arith.index_cast %add3A_395 : i32 to index
        %swap3A_397 = tpu.vector_load %arg17[%swap3A_396] {strides = array<i32>} : memref<19968xf32, #tpu.memory_space<vmem>>, vector<16xf32>,
        %swap3A_398 = vector.shape_cast %swap3A_397 : vector<16xf32> to vector<16xf32>
        %swap3A_399 = vector.shape_cast %add3A_389 : vector<16xf32> to vector<16xf32>
        tpu.vector_store %arg17[%swap3A_396], %swap3A_399 {strides = array<i32>} : memref<19968xf32, #tpu.memory_space<vmem>>, vector<16xf32>,
        %mul3A_400 = vector.broadcast %squeeze3A_173 : f32 to vector<16xf32>
        %mul3A_401 = arith.mulf %mul3A_400, %get3A_356 : vector<16xf32>
        %add3A_402 = arith.addf %mul3A_401, %get3A_360 : vector<16xf32>
        %add3A_403 = arith.constant 117 : i32
        %add3A_404 = arith.addi %add3A_403, %scan3A_127 : i32
        %mul3A_405 = arith.constant 128 : i32
        %mul3A_406 = arith.muli %add3A_404, %mul3A_405 : i32
        %add3A_407 = arith.constant 48 : i32
        %add3A_408 = arith.addi %mul3A_406, %add3A_407 : i32
        %swap3A_409 = arith.index_cast %add3A_408 : i32 to index
        %swap3A_410 = tpu.vector_load %arg17[%swap3A_409] {strides = array<i32>} : memref<19968xf32, #tpu.memory_space<vmem>>, vector<16xf32>,
        %swap3A_411 = vector.shape_cast %swap3A_410 : vector<16xf32> to vector<16xf32>
        %swap3A_412 = vector.shape_cast %add3A_402 : vector<16xf32> to vector<16xf32>
        tpu.vector_store %arg17[%swap3A_409], %swap3A_412 {strides = array<i32>} : memref<19968xf32, #tpu.memory_space<vmem>>, vector<16xf32>,
        %get3A_413 = arith.index_cast %scan3A_127 : i32 to index
        %get3A_414 = arith.constant 64 : index
        %get3A_415 = tpu.vector_load %arg13[%get3A_413, %get3A_414] {strides = array<i32>} : memref<13x128xf32, #tpu.memory_space<vmem>>, vector<1x16xf32>,
        %get3A_416 = vector.shape_cast %get3A_415 : vector<1x16xf32> to vector<16xf32>
        %get3A_417 = arith.index_cast %scan3A_127 : i32 to index
        %get3A_418 = arith.constant 64 : index
        %get3A_419 = tpu.vector_load %arg14[%get3A_417, %get3A_418] {strides = array<i32>} : memref<39x128xf32, #tpu.memory_space<vmem>>, vector<1x16xf32>,
        %get3A_420 = vector.shape_cast %get3A_419 : vector<1x16xf32> to vector<16xf32>
        %mul3A_421 = vector.broadcast %squeeze3A : f32 to vector<16xf32>
        %mul3A_422 = arith.mulf %mul3A_421, %get3A_416 : vector<16xf32>
        %add3A_423 = arith.addf %mul3A_422, %get3A_420 : vector<16xf32>
        %add3A_424 = arith.constant 0 : i32
        %add3A_425 = arith.addi %add3A_424, %scan3A_127 : i32
        %mul3A_426 = arith.constant 128 : i32
        %mul3A_427 = arith.muli %add3A_425, %mul3A_426 : i32
        %add3A_428 = arith.constant 64 : i32
        %add3A_429 = arith.addi %mul3A_427, %add3A_428 : i32
        %swap3A_430 = arith.index_cast %add3A_429 : i32 to index
        %swap3A_431 = tpu.vector_load %arg17[%swap3A_430] {strides = array<i32>} : memref<19968xf32, #tpu.memory_space<vmem>>, vector<16xf32>,
        %swap3A_432 = vector.shape_cast %swap3A_431 : vector<16xf32> to vector<16xf32>
        %swap3A_433 = vector.shape_cast %add3A_423 : vector<16xf32> to vector<16xf32>
        tpu.vector_store %arg17[%swap3A_430], %swap3A_433 {strides = array<i32>} : memref<19968xf32, #tpu.memory_space<vmem>>, vector<16xf32>,
        %mul3A_434 = vector.broadcast %squeeze3A_149 : f32 to vector<16xf32>
        %mul3A_435 = arith.mulf %mul3A_434, %get3A_416 : vector<16xf32>
        %add3A_436 = arith.addf %mul3A_435, %get3A_420 : vector<16xf32>
        %add3A_437 = arith.constant 39 : i32
        %add3A_438 = arith.addi %add3A_437, %scan3A_127 : i32
        %mul3A_439 = arith.constant 128 : i32
        %mul3A_440 = arith.muli %add3A_438, %mul3A_439 : i32
        %add3A_441 = arith.constant 64 : i32
        %add3A_442 = arith.addi %mul3A_440, %add3A_441 : i32
        %swap3A_443 = arith.index_cast %add3A_442 : i32 to index
        %swap3A_444 = tpu.vector_load %arg17[%swap3A_443] {strides = array<i32>} : memref<19968xf32, #tpu.memory_space<vmem>>, vector<16xf32>,
        %swap3A_445 = vector.shape_cast %swap3A_444 : vector<16xf32> to vector<16xf32>
        %swap3A_446 = vector.shape_cast %add3A_436 : vector<16xf32> to vector<16xf32>
        tpu.vector_store %arg17[%swap3A_443], %swap3A_446 {strides = array<i32>} : memref<19968xf32, #tpu.memory_space<vmem>>, vector<16xf32>,
        %mul3A_447 = vector.broadcast %squeeze3A_161 : f32 to vector<16xf32>
        %mul3A_448 = arith.mulf %mul3A_447, %get3A_416 : vector<16xf32>
        %add3A_449 = arith.addf %mul3A_448, %get3A_420 : vector<16xf32>
        %add3A_450 = arith.constant 78 : i32
        %add3A_451 = arith.addi %add3A_450, %scan3A_127 : i32
        %mul3A_452 = arith.constant 128 : i32
        %mul3A_453 = arith.muli %add3A_451, %mul3A_452 : i32
        %add3A_454 = arith.constant 64 : i32
        %add3A_455 = arith.addi %mul3A_453, %add3A_454 : i32
        %swap3A_456 = arith.index_cast %add3A_455 : i32 to index
        %swap3A_457 = tpu.vector_load %arg17[%swap3A_456] {strides = array<i32>} : memref<19968xf32, #tpu.memory_space<vmem>>, vector<16xf32>,
        %swap3A_458 = vector.shape_cast %swap3A_457 : vector<16xf32> to vector<16xf32>
        %swap3A_459 = vector.shape_cast %add3A_449 : vector<16xf32> to vector<16xf32>
        tpu.vector_store %arg17[%swap3A_456], %swap3A_459 {strides = array<i32>} : memref<19968xf32, #tpu.memory_space<vmem>>, vector<16xf32>,
        %mul3A_460 = vector.broadcast %squeeze3A_173 : f32 to vector<16xf32>
        %mul3A_461 = arith.mulf %mul3A_460, %get3A_416 : vector<16xf32>
        %add3A_462 = arith.addf %mul3A_461, %get3A_420 : vector<16xf32>
        %add3A_463 = arith.constant 117 : i32
        %add3A_464 = arith.addi %add3A_463, %scan3A_127 : i32
        %mul3A_465 = arith.constant 128 : i32
        %mul3A_466 = arith.muli %add3A_464, %mul3A_465 : i32
        %add3A_467 = arith.constant 64 : i32
        %add3A_468 = arith.addi %mul3A_466, %add3A_467 : i32
        %swap3A_469 = arith.index_cast %add3A_468 : i32 to index
        %swap3A_470 = tpu.vector_load %arg17[%swap3A_469] {strides = array<i32>} : memref<19968xf32, #tpu.memory_space<vmem>>, vector<16xf32>,
        %swap3A_471 = vector.shape_cast %swap3A_470 : vector<16xf32> to vector<16xf32>
        %swap3A_472 = vector.shape_cast %add3A_462 : vector<16xf32> to vector<16xf32>
        tpu.vector_store %arg17[%swap3A_469], %swap3A_472 {strides = array<i32>} : memref<19968xf32, #tpu.memory_space<vmem>>, vector<16xf32>,
        %get3A_473 = arith.index_cast %scan3A_127 : i32 to index
        %get3A_474 = arith.constant 80 : index
        %get3A_475 = tpu.vector_load %arg13[%get3A_473, %get3A_474] {strides = array<i32>} : memref<13x128xf32, #tpu.memory_space<vmem>>, vector<1x16xf32>,
        %get3A_476 = vector.shape_cast %get3A_475 : vector<1x16xf32> to vector<16xf32>
        %get3A_477 = arith.index_cast %scan3A_127 : i32 to index
        %get3A_478 = arith.constant 80 : index
        %get3A_479 = tpu.vector_load %arg14[%get3A_477, %get3A_478] {strides = array<i32>} : memref<39x128xf32, #tpu.memory_space<vmem>>, vector<1x16xf32>,
        %get3A_480 = vector.shape_cast %get3A_479 : vector<1x16xf32> to vector<16xf32>
        %mul3A_481 = vector.broadcast %squeeze3A : f32 to vector<16xf32>
        %mul3A_482 = arith.mulf %mul3A_481, %get3A_476 : vector<16xf32>
        %add3A_483 = arith.addf %mul3A_482, %get3A_480 : vector<16xf32>
        %add3A_484 = arith.constant 0 : i32
        %add3A_485 = arith.addi %add3A_484, %scan3A_127 : i32
        %mul3A_486 = arith.constant 128 : i32
        %mul3A_487 = arith.muli %add3A_485, %mul3A_486 : i32
        %add3A_488 = arith.constant 80 : i32
        %add3A_489 = arith.addi %mul3A_487, %add3A_488 : i32
        %swap3A_490 = arith.index_cast %add3A_489 : i32 to index
        %swap3A_491 = tpu.vector_load %arg17[%swap3A_490] {strides = array<i32>} : memref<19968xf32, #tpu.memory_space<vmem>>, vector<16xf32>,
        %swap3A_492 = vector.shape_cast %swap3A_491 : vector<16xf32> to vector<16xf32>
        %swap3A_493 = vector.shape_cast %add3A_483 : vector<16xf32> to vector<16xf32>
        tpu.vector_store %arg17[%swap3A_490], %swap3A_493 {strides = array<i32>} : memref<19968xf32, #tpu.memory_space<vmem>>, vector<16xf32>,
        %mul3A_494 = vector.broadcast %squeeze3A_149 : f32 to vector<16xf32>
        %mul3A_495 = arith.mulf %mul3A_494, %get3A_476 : vector<16xf32>
        %add3A_496 = arith.addf %mul3A_495, %get3A_480 : vector<16xf32>
        %add3A_497 = arith.constant 39 : i32
        %add3A_498 = arith.addi %add3A_497, %scan3A_127 : i32
        %mul3A_499 = arith.constant 128 : i32
        %mul3A_500 = arith.muli %add3A_498, %mul3A_499 : i32
        %add3A_501 = arith.constant 80 : i32
        %add3A_502 = arith.addi %mul3A_500, %add3A_501 : i32
        %swap3A_503 = arith.index_cast %add3A_502 : i32 to index
        %swap3A_504 = tpu.vector_load %arg17[%swap3A_503] {strides = array<i32>} : memref<19968xf32, #tpu.memory_space<vmem>>, vector<16xf32>,
        %swap3A_505 = vector.shape_cast %swap3A_504 : vector<16xf32> to vector<16xf32>
        %swap3A_506 = vector.shape_cast %add3A_496 : vector<16xf32> to vector<16xf32>
        tpu.vector_store %arg17[%swap3A_503], %swap3A_506 {strides = array<i32>} : memref<19968xf32, #tpu.memory_space<vmem>>, vector<16xf32>,
        %mul3A_507 = vector.broadcast %squeeze3A_161 : f32 to vector<16xf32>
        %mul3A_508 = arith.mulf %mul3A_507, %get3A_476 : vector<16xf32>
        %add3A_509 = arith.addf %mul3A_508, %get3A_480 : vector<16xf32>
        %add3A_510 = arith.constant 78 : i32
        %add3A_511 = arith.addi %add3A_510, %scan3A_127 : i32
        %mul3A_512 = arith.constant 128 : i32
        %mul3A_513 = arith.muli %add3A_511, %mul3A_512 : i32
        %add3A_514 = arith.constant 80 : i32
        %add3A_515 = arith.addi %mul3A_513, %add3A_514 : i32
        %swap3A_516 = arith.index_cast %add3A_515 : i32 to index
        %swap3A_517 = tpu.vector_load %arg17[%swap3A_516] {strides = array<i32>} : memref<19968xf32, #tpu.memory_space<vmem>>, vector<16xf32>,
        %swap3A_518 = vector.shape_cast %swap3A_517 : vector<16xf32> to vector<16xf32>
        %swap3A_519 = vector.shape_cast %add3A_509 : vector<16xf32> to vector<16xf32>
        tpu.vector_store %arg17[%swap3A_516], %swap3A_519 {strides = array<i32>} : memref<19968xf32, #tpu.memory_space<vmem>>, vector<16xf32>,
        %mul3A_520 = vector.broadcast %squeeze3A_173 : f32 to vector<16xf32>
        %mul3A_521 = arith.mulf %mul3A_520, %get3A_476 : vector<16xf32>
        %add3A_522 = arith.addf %mul3A_521, %get3A_480 : vector<16xf32>
        %add3A_523 = arith.constant 117 : i32
        %add3A_524 = arith.addi %add3A_523, %scan3A_127 : i32
        %mul3A_525 = arith.constant 128 : i32
        %mul3A_526 = arith.muli %add3A_524, %mul3A_525 : i32
        %add3A_527 = arith.constant 80 : i32
        %add3A_528 = arith.addi %mul3A_526, %add3A_527 : i32
        %swap3A_529 = arith.index_cast %add3A_528 : i32 to index
        %swap3A_530 = tpu.vector_load %arg17[%swap3A_529] {strides = array<i32>} : memref<19968xf32, #tpu.memory_space<vmem>>, vector<16xf32>,
        %swap3A_531 = vector.shape_cast %swap3A_530 : vector<16xf32> to vector<16xf32>
        %swap3A_532 = vector.shape_cast %add3A_522 : vector<16xf32> to vector<16xf32>
        tpu.vector_store %arg17[%swap3A_529], %swap3A_532 {strides = array<i32>} : memref<19968xf32, #tpu.memory_space<vmem>>, vector<16xf32>,
        %get3A_533 = arith.index_cast %scan3A_127 : i32 to index
        %get3A_534 = arith.constant 96 : index
        %get3A_535 = tpu.vector_load %arg13[%get3A_533, %get3A_534] {strides = array<i32>} : memref<13x128xf32, #tpu.memory_space<vmem>>, vector<1x16xf32>,
        %get3A_536 = vector.shape_cast %get3A_535 : vector<1x16xf32> to vector<16xf32>
        %get3A_537 = arith.index_cast %scan3A_127 : i32 to index
        %get3A_538 = arith.constant 96 : index
        %get3A_539 = tpu.vector_load %arg14[%get3A_537, %get3A_538] {strides = array<i32>} : memref<39x128xf32, #tpu.memory_space<vmem>>, vector<1x16xf32>,
        %get3A_540 = vector.shape_cast %get3A_539 : vector<1x16xf32> to vector<16xf32>
        %mul3A_541 = vector.broadcast %squeeze3A : f32 to vector<16xf32>
        %mul3A_542 = arith.mulf %mul3A_541, %get3A_536 : vector<16xf32>
        %add3A_543 = arith.addf %mul3A_542, %get3A_540 : vector<16xf32>
        %add3A_544 = arith.constant 0 : i32
        %add3A_545 = arith.addi %add3A_544, %scan3A_127 : i32
        %mul3A_546 = arith.constant 128 : i32
        %mul3A_547 = arith.muli %add3A_545, %mul3A_546 : i32
        %add3A_548 = arith.constant 96 : i32
        %add3A_549 = arith.addi %mul3A_547, %add3A_548 : i32
        %swap3A_550 = arith.index_cast %add3A_549 : i32 to index
        %swap3A_551 = tpu.vector_load %arg17[%swap3A_550] {strides = array<i32>} : memref<19968xf32, #tpu.memory_space<vmem>>, vector<16xf32>,
        %swap3A_552 = vector.shape_cast %swap3A_551 : vector<16xf32> to vector<16xf32>
        %swap3A_553 = vector.shape_cast %add3A_543 : vector<16xf32> to vector<16xf32>
        tpu.vector_store %arg17[%swap3A_550], %swap3A_553 {strides = array<i32>} : memref<19968xf32, #tpu.memory_space<vmem>>, vector<16xf32>,
        %mul3A_554 = vector.broadcast %squeeze3A_149 : f32 to vector<16xf32>
        %mul3A_555 = arith.mulf %mul3A_554, %get3A_536 : vector<16xf32>
        %add3A_556 = arith.addf %mul3A_555, %get3A_540 : vector<16xf32>
        %add3A_557 = arith.constant 39 : i32
        %add3A_558 = arith.addi %add3A_557, %scan3A_127 : i32
        %mul3A_559 = arith.constant 128 : i32
        %mul3A_560 = arith.muli %add3A_558, %mul3A_559 : i32
        %add3A_561 = arith.constant 96 : i32
        %add3A_562 = arith.addi %mul3A_560, %add3A_561 : i32
        %swap3A_563 = arith.index_cast %add3A_562 : i32 to index
        %swap3A_564 = tpu.vector_load %arg17[%swap3A_563] {strides = array<i32>} : memref<19968xf32, #tpu.memory_space<vmem>>, vector<16xf32>,
        %swap3A_565 = vector.shape_cast %swap3A_564 : vector<16xf32> to vector<16xf32>
        %swap3A_566 = vector.shape_cast %add3A_556 : vector<16xf32> to vector<16xf32>
        tpu.vector_store %arg17[%swap3A_563], %swap3A_566 {strides = array<i32>} : memref<19968xf32, #tpu.memory_space<vmem>>, vector<16xf32>,
        %mul3A_567 = vector.broadcast %squeeze3A_161 : f32 to vector<16xf32>
        %mul3A_568 = arith.mulf %mul3A_567, %get3A_536 : vector<16xf32>
        %add3A_569 = arith.addf %mul3A_568, %get3A_540 : vector<16xf32>
        %add3A_570 = arith.constant 78 : i32
        %add3A_571 = arith.addi %add3A_570, %scan3A_127 : i32
        %mul3A_572 = arith.constant 128 : i32
        %mul3A_573 = arith.muli %add3A_571, %mul3A_572 : i32
        %add3A_574 = arith.constant 96 : i32
        %add3A_575 = arith.addi %mul3A_573, %add3A_574 : i32
        %swap3A_576 = arith.index_cast %add3A_575 : i32 to index
        %swap3A_577 = tpu.vector_load %arg17[%swap3A_576] {strides = array<i32>} : memref<19968xf32, #tpu.memory_space<vmem>>, vector<16xf32>,
        %swap3A_578 = vector.shape_cast %swap3A_577 : vector<16xf32> to vector<16xf32>
        %swap3A_579 = vector.shape_cast %add3A_569 : vector<16xf32> to vector<16xf32>
        tpu.vector_store %arg17[%swap3A_576], %swap3A_579 {strides = array<i32>} : memref<19968xf32, #tpu.memory_space<vmem>>, vector<16xf32>,
        %mul3A_580 = vector.broadcast %squeeze3A_173 : f32 to vector<16xf32>
        %mul3A_581 = arith.mulf %mul3A_580, %get3A_536 : vector<16xf32>
        %add3A_582 = arith.addf %mul3A_581, %get3A_540 : vector<16xf32>
        %add3A_583 = arith.constant 117 : i32
        %add3A_584 = arith.addi %add3A_583, %scan3A_127 : i32
        %mul3A_585 = arith.constant 128 : i32
        %mul3A_586 = arith.muli %add3A_584, %mul3A_585 : i32
        %add3A_587 = arith.constant 96 : i32
        %add3A_588 = arith.addi %mul3A_586, %add3A_587 : i32
        %swap3A_589 = arith.index_cast %add3A_588 : i32 to index
        %swap3A_590 = tpu.vector_load %arg17[%swap3A_589] {strides = array<i32>} : memref<19968xf32, #tpu.memory_space<vmem>>, vector<16xf32>,
        %swap3A_591 = vector.shape_cast %swap3A_590 : vector<16xf32> to vector<16xf32>
        %swap3A_592 = vector.shape_cast %add3A_582 : vector<16xf32> to vector<16xf32>
        tpu.vector_store %arg17[%swap3A_589], %swap3A_592 {strides = array<i32>} : memref<19968xf32, #tpu.memory_space<vmem>>, vector<16xf32>,
        %get3A_593 = arith.index_cast %scan3A_127 : i32 to index
        %get3A_594 = arith.constant 112 : index
        %get3A_595 = tpu.vector_load %arg13[%get3A_593, %get3A_594] {strides = array<i32>} : memref<13x128xf32, #tpu.memory_space<vmem>>, vector<1x16xf32>,
        %get3A_596 = vector.shape_cast %get3A_595 : vector<1x16xf32> to vector<16xf32>
        %get3A_597 = arith.index_cast %scan3A_127 : i32 to index
        %get3A_598 = arith.constant 112 : index
        %get3A_599 = tpu.vector_load %arg14[%get3A_597, %get3A_598] {strides = array<i32>} : memref<39x128xf32, #tpu.memory_space<vmem>>, vector<1x16xf32>,
        %get3A_600 = vector.shape_cast %get3A_599 : vector<1x16xf32> to vector<16xf32>
        %mul3A_601 = vector.broadcast %squeeze3A : f32 to vector<16xf32>
        %mul3A_602 = arith.mulf %mul3A_601, %get3A_596 : vector<16xf32>
        %add3A_603 = arith.addf %mul3A_602, %get3A_600 : vector<16xf32>
        %add3A_604 = arith.constant 0 : i32
        %add3A_605 = arith.addi %add3A_604, %scan3A_127 : i32
        %mul3A_606 = arith.constant 128 : i32
        %mul3A_607 = arith.muli %add3A_605, %mul3A_606 : i32
        %add3A_608 = arith.constant 112 : i32
        %add3A_609 = arith.addi %mul3A_607, %add3A_608 : i32
        %swap3A_610 = arith.index_cast %add3A_609 : i32 to index
        %swap3A_611 = tpu.vector_load %arg17[%swap3A_610] {strides = array<i32>} : memref<19968xf32, #tpu.memory_space<vmem>>, vector<16xf32>,
        %swap3A_612 = vector.shape_cast %swap3A_611 : vector<16xf32> to vector<16xf32>
        %swap3A_613 = vector.shape_cast %add3A_603 : vector<16xf32> to vector<16xf32>
        tpu.vector_store %arg17[%swap3A_610], %swap3A_613 {strides = array<i32>} : memref<19968xf32, #tpu.memory_space<vmem>>, vector<16xf32>,
        %mul3A_614 = vector.broadcast %squeeze3A_149 : f32 to vector<16xf32>
        %mul3A_615 = arith.mulf %mul3A_614, %get3A_596 : vector<16xf32>
        %add3A_616 = arith.addf %mul3A_615, %get3A_600 : vector<16xf32>
        %add3A_617 = arith.constant 39 : i32
        %add3A_618 = arith.addi %add3A_617, %scan3A_127 : i32
        %mul3A_619 = arith.constant 128 : i32
        %mul3A_620 = arith.muli %add3A_618, %mul3A_619 : i32
        %add3A_621 = arith.constant 112 : i32
        %add3A_622 = arith.addi %mul3A_620, %add3A_621 : i32
        %swap3A_623 = arith.index_cast %add3A_622 : i32 to index
        %swap3A_624 = tpu.vector_load %arg17[%swap3A_623] {strides = array<i32>} : memref<19968xf32, #tpu.memory_space<vmem>>, vector<16xf32>,
        %swap3A_625 = vector.shape_cast %swap3A_624 : vector<16xf32> to vector<16xf32>
        %swap3A_626 = vector.shape_cast %add3A_616 : vector<16xf32> to vector<16xf32>
        tpu.vector_store %arg17[%swap3A_623], %swap3A_626 {strides = array<i32>} : memref<19968xf32, #tpu.memory_space<vmem>>, vector<16xf32>,
        %mul3A_627 = vector.broadcast %squeeze3A_161 : f32 to vector<16xf32>
        %mul3A_628 = arith.mulf %mul3A_627, %get3A_596 : vector<16xf32>
        %add3A_629 = arith.addf %mul3A_628, %get3A_600 : vector<16xf32>
        %add3A_630 = arith.constant 78 : i32
        %add3A_631 = arith.addi %add3A_630, %scan3A_127 : i32
        %mul3A_632 = arith.constant 128 : i32
        %mul3A_633 = arith.muli %add3A_631, %mul3A_632 : i32
        %add3A_634 = arith.constant 112 : i32
        %add3A_635 = arith.addi %mul3A_633, %add3A_634 : i32
        %swap3A_636 = arith.index_cast %add3A_635 : i32 to index
        %swap3A_637 = tpu.vector_load %arg17[%swap3A_636] {strides = array<i32>} : memref<19968xf32, #tpu.memory_space<vmem>>, vector<16xf32>,
        %swap3A_638 = vector.shape_cast %swap3A_637 : vector<16xf32> to vector<16xf32>
        %swap3A_639 = vector.shape_cast %add3A_629 : vector<16xf32> to vector<16xf32>
        tpu.vector_store %arg17[%swap3A_636], %swap3A_639 {strides = array<i32>} : memref<19968xf32, #tpu.memory_space<vmem>>, vector<16xf32>,
        %mul3A_640 = vector.broadcast %squeeze3A_173 : f32 to vector<16xf32>
        %mul3A_641 = arith.mulf %mul3A_640, %get3A_596 : vector<16xf32>
        %add3A_642 = arith.addf %mul3A_641, %get3A_600 : vector<16xf32>
        %add3A_643 = arith.constant 117 : i32
        %add3A_644 = arith.addi %add3A_643, %scan3A_127 : i32
        %mul3A_645 = arith.constant 128 : i32
        %mul3A_646 = arith.muli %add3A_644, %mul3A_645 : i32
        %add3A_647 = arith.constant 112 : i32
        %add3A_648 = arith.addi %mul3A_646, %add3A_647 : i32
        %swap3A_649 = arith.index_cast %add3A_648 : i32 to index
        %swap3A_650 = tpu.vector_load %arg17[%swap3A_649] {strides = array<i32>} : memref<19968xf32, #tpu.memory_space<vmem>>, vector<16xf32>,
        %swap3A_651 = vector.shape_cast %swap3A_650 : vector<16xf32> to vector<16xf32>
        %swap3A_652 = vector.shape_cast %add3A_642 : vector<16xf32> to vector<16xf32>
        tpu.vector_store %arg17[%swap3A_649], %swap3A_652 {strides = array<i32>} : memref<19968xf32, #tpu.memory_space<vmem>>, vector<16xf32>,
      }
      %scan3A_67 = arith.constant 13 : i32
      %scan3A_68 = arith.constant 0 : i32
      %scan3A_69 = arith.constant 0 : i32
      %scan3A_70 = arith.constant 26 : i32
      %scan3A_71 = arith.addi %scan3A_69, %scan3A_70 : i32
      %scan3A_72 = arith.constant 1 : i32
      scf.for %scan3A_127 = %scan3A_69 to %scan3A_71 step %scan3A_72  : i32 {
        %add3A_128 = arith.constant 13 : i32
        %add3A_129 = arith.addi %add3A_128, %scan3A_127 : i32
        %get3A_130 = arith.index_cast %add3A_129 : i32 to index
        %get3A_131 = arith.constant 0 : index
        %get3A_132 = tpu.vector_load %arg14[%get3A_130, %get3A_131] {strides = array<i32>} : memref<39x128xf32, #tpu.memory_space<vmem>>, vector<1x16xf32>,
        %get3A_133 = vector.shape_cast %get3A_132 : vector<1x16xf32> to vector<16xf32>
        %add3A_134 = arith.constant 0 : i32
        %add3A_135 = arith.addi %add3A_134, %scan3A_127 : i32
        %get3A_136 = arith.index_cast %add3A_135 : i32 to index
        %get3A_137 = arith.constant 0 : index
        %get3A_138 = tpu.vector_load %arg15[%get3A_136, %get3A_137] {strides = array<i32>} : memref<104x128xf32, #tpu.memory_space<vmem>>, vector<1x16xf32>,
        %get3A_139 = vector.shape_cast %get3A_138 : vector<1x16xf32> to vector<16xf32>
        %add3A_140 = arith.addf %get3A_139, %get3A_133 : vector<16xf32>
        %add3A_141 = arith.constant 13 : i32
        %add3A_142 = arith.addi %add3A_141, %scan3A_127 : i32
        %mul3A_143 = arith.constant 128 : i32
        %mul3A_144 = arith.muli %add3A_142, %mul3A_143 : i32
        %add3A_145 = arith.constant 0 : i32
        %add3A_146 = arith.addi %mul3A_144, %add3A_145 : i32
        %swap3A = arith.index_cast %add3A_146 : i32 to index
        %swap3A_147 = tpu.vector_load %arg17[%swap3A] {strides = array<i32>} : memref<19968xf32, #tpu.memory_space<vmem>>, vector<16xf32>,
        %swap3A_148 = vector.shape_cast %swap3A_147 : vector<16xf32> to vector<16xf32>
        %swap3A_149 = vector.shape_cast %add3A_140 : vector<16xf32> to vector<16xf32>
        tpu.vector_store %arg17[%swap3A], %swap3A_149 {strides = array<i32>} : memref<19968xf32, #tpu.memory_space<vmem>>, vector<16xf32>,
        %add3A_150 = arith.constant 26 : i32
        %add3A_151 = arith.addi %add3A_150, %scan3A_127 : i32
        %get3A_152 = arith.index_cast %add3A_151 : i32 to index
        %get3A_153 = arith.constant 0 : index
        %get3A_154 = tpu.vector_load %arg15[%get3A_152, %get3A_153] {strides = array<i32>} : memref<104x128xf32, #tpu.memory_space<vmem>>, vector<1x16xf32>,
        %get3A_155 = vector.shape_cast %get3A_154 : vector<1x16xf32> to vector<16xf32>
        %add3A_156 = arith.addf %get3A_155, %get3A_133 : vector<16xf32>
        %add3A_157 = arith.constant 52 : i32
        %add3A_158 = arith.addi %add3A_157, %scan3A_127 : i32
        %mul3A_159 = arith.constant 128 : i32
        %mul3A_160 = arith.muli %add3A_158, %mul3A_159 : i32
        %add3A_161 = arith.constant 0 : i32
        %add3A_162 = arith.addi %mul3A_160, %add3A_161 : i32
        %swap3A_163 = arith.index_cast %add3A_162 : i32 to index
        %swap3A_164 = tpu.vector_load %arg17[%swap3A_163] {strides = array<i32>} : memref<19968xf32, #tpu.memory_space<vmem>>, vector<16xf32>,
        %swap3A_165 = vector.shape_cast %swap3A_164 : vector<16xf32> to vector<16xf32>
        %swap3A_166 = vector.shape_cast %add3A_156 : vector<16xf32> to vector<16xf32>
        tpu.vector_store %arg17[%swap3A_163], %swap3A_166 {strides = array<i32>} : memref<19968xf32, #tpu.memory_space<vmem>>, vector<16xf32>,
        %add3A_167 = arith.constant 52 : i32
        %add3A_168 = arith.addi %add3A_167, %scan3A_127 : i32
        %get3A_169 = arith.index_cast %add3A_168 : i32 to index
        %get3A_170 = arith.constant 0 : index
        %get3A_171 = tpu.vector_load %arg15[%get3A_169, %get3A_170] {strides = array<i32>} : memref<104x128xf32, #tpu.memory_space<vmem>>, vector<1x16xf32>,
        %get3A_172 = vector.shape_cast %get3A_171 : vector<1x16xf32> to vector<16xf32>
        %add3A_173 = arith.addf %get3A_172, %get3A_133 : vector<16xf32>
        %add3A_174 = arith.constant 91 : i32
        %add3A_175 = arith.addi %add3A_174, %scan3A_127 : i32
        %mul3A_176 = arith.constant 128 : i32
        %mul3A_177 = arith.muli %add3A_175, %mul3A_176 : i32
        %add3A_178 = arith.constant 0 : i32
        %add3A_179 = arith.addi %mul3A_177, %add3A_178 : i32
        %swap3A_180 = arith.index_cast %add3A_179 : i32 to index
        %swap3A_181 = tpu.vector_load %arg17[%swap3A_180] {strides = array<i32>} : memref<19968xf32, #tpu.memory_space<vmem>>, vector<16xf32>,
        %swap3A_182 = vector.shape_cast %swap3A_181 : vector<16xf32> to vector<16xf32>
        %swap3A_183 = vector.shape_cast %add3A_173 : vector<16xf32> to vector<16xf32>
        tpu.vector_store %arg17[%swap3A_180], %swap3A_183 {strides = array<i32>} : memref<19968xf32, #tpu.memory_space<vmem>>, vector<16xf32>,
        %add3A_184 = arith.constant 78 : i32
        %add3A_185 = arith.addi %add3A_184, %scan3A_127 : i32
        %get3A_186 = arith.index_cast %add3A_185 : i32 to index
        %get3A_187 = arith.constant 0 : index
        %get3A_188 = tpu.vector_load %arg15[%get3A_186, %get3A_187] {strides = array<i32>} : memref<104x128xf32, #tpu.memory_space<vmem>>, vector<1x16xf32>,
        %get3A_189 = vector.shape_cast %get3A_188 : vector<1x16xf32> to vector<16xf32>
        %add3A_190 = arith.addf %get3A_189, %get3A_133 : vector<16xf32>
        %add3A_191 = arith.constant 130 : i32
        %add3A_192 = arith.addi %add3A_191, %scan3A_127 : i32
        %mul3A_193 = arith.constant 128 : i32
        %mul3A_194 = arith.muli %add3A_192, %mul3A_193 : i32
        %add3A_195 = arith.constant 0 : i32
        %add3A_196 = arith.addi %mul3A_194, %add3A_195 : i32
        %swap3A_197 = arith.index_cast %add3A_196 : i32 to index
        %swap3A_198 = tpu.vector_load %arg17[%swap3A_197] {strides = array<i32>} : memref<19968xf32, #tpu.memory_space<vmem>>, vector<16xf32>,
        %swap3A_199 = vector.shape_cast %swap3A_198 : vector<16xf32> to vector<16xf32>
        %swap3A_200 = vector.shape_cast %add3A_190 : vector<16xf32> to vector<16xf32>
        tpu.vector_store %arg17[%swap3A_197], %swap3A_200 {strides = array<i32>} : memref<19968xf32, #tpu.memory_space<vmem>>, vector<16xf32>,
        %add3A_201 = arith.constant 13 : i32
        %add3A_202 = arith.addi %add3A_201, %scan3A_127 : i32
        %get3A_203 = arith.index_cast %add3A_202 : i32 to index
        %get3A_204 = arith.constant 16 : index
        %get3A_205 = tpu.vector_load %arg14[%get3A_203, %get3A_204] {strides = array<i32>} : memref<39x128xf32, #tpu.memory_space<vmem>>, vector<1x16xf32>,
        %get3A_206 = vector.shape_cast %get3A_205 : vector<1x16xf32> to vector<16xf32>
        %add3A_207 = arith.constant 0 : i32
        %add3A_208 = arith.addi %add3A_207, %scan3A_127 : i32
        %get3A_209 = arith.index_cast %add3A_208 : i32 to index
        %get3A_210 = arith.constant 16 : index
        %get3A_211 = tpu.vector_load %arg15[%get3A_209, %get3A_210] {strides = array<i32>} : memref<104x128xf32, #tpu.memory_space<vmem>>, vector<1x16xf32>,
        %get3A_212 = vector.shape_cast %get3A_211 : vector<1x16xf32> to vector<16xf32>
        %add3A_213 = arith.addf %get3A_212, %get3A_206 : vector<16xf32>
        %add3A_214 = arith.constant 13 : i32
        %add3A_215 = arith.addi %add3A_214, %scan3A_127 : i32
        %mul3A_216 = arith.constant 128 : i32
        %mul3A_217 = arith.muli %add3A_215, %mul3A_216 : i32
        %add3A_218 = arith.constant 16 : i32
        %add3A_219 = arith.addi %mul3A_217, %add3A_218 : i32
        %swap3A_220 = arith.index_cast %add3A_219 : i32 to index
        %swap3A_221 = tpu.vector_load %arg17[%swap3A_220] {strides = array<i32>} : memref<19968xf32, #tpu.memory_space<vmem>>, vector<16xf32>,
        %swap3A_222 = vector.shape_cast %swap3A_221 : vector<16xf32> to vector<16xf32>
        %swap3A_223 = vector.shape_cast %add3A_213 : vector<16xf32> to vector<16xf32>
        tpu.vector_store %arg17[%swap3A_220], %swap3A_223 {strides = array<i32>} : memref<19968xf32, #tpu.memory_space<vmem>>, vector<16xf32>,
        %add3A_224 = arith.constant 26 : i32
        %add3A_225 = arith.addi %add3A_224, %scan3A_127 : i32
        %get3A_226 = arith.index_cast %add3A_225 : i32 to index
        %get3A_227 = arith.constant 16 : index
        %get3A_228 = tpu.vector_load %arg15[%get3A_226, %get3A_227] {strides = array<i32>} : memref<104x128xf32, #tpu.memory_space<vmem>>, vector<1x16xf32>,
        %get3A_229 = vector.shape_cast %get3A_228 : vector<1x16xf32> to vector<16xf32>
        %add3A_230 = arith.addf %get3A_229, %get3A_206 : vector<16xf32>
        %add3A_231 = arith.constant 52 : i32
        %add3A_232 = arith.addi %add3A_231, %scan3A_127 : i32
        %mul3A_233 = arith.constant 128 : i32
        %mul3A_234 = arith.muli %add3A_232, %mul3A_233 : i32
        %add3A_235 = arith.constant 16 : i32
        %add3A_236 = arith.addi %mul3A_234, %add3A_235 : i32
        %swap3A_237 = arith.index_cast %add3A_236 : i32 to index
        %swap3A_238 = tpu.vector_load %arg17[%swap3A_237] {strides = array<i32>} : memref<19968xf32, #tpu.memory_space<vmem>>, vector<16xf32>,
        %swap3A_239 = vector.shape_cast %swap3A_238 : vector<16xf32> to vector<16xf32>
        %swap3A_240 = vector.shape_cast %add3A_230 : vector<16xf32> to vector<16xf32>
        tpu.vector_store %arg17[%swap3A_237], %swap3A_240 {strides = array<i32>} : memref<19968xf32, #tpu.memory_space<vmem>>, vector<16xf32>,
        %add3A_241 = arith.constant 52 : i32
        %add3A_242 = arith.addi %add3A_241, %scan3A_127 : i32
        %get3A_243 = arith.index_cast %add3A_242 : i32 to index
        %get3A_244 = arith.constant 16 : index
        %get3A_245 = tpu.vector_load %arg15[%get3A_243, %get3A_244] {strides = array<i32>} : memref<104x128xf32, #tpu.memory_space<vmem>>, vector<1x16xf32>,
        %get3A_246 = vector.shape_cast %get3A_245 : vector<1x16xf32> to vector<16xf32>
        %add3A_247 = arith.addf %get3A_246, %get3A_206 : vector<16xf32>
        %add3A_248 = arith.constant 91 : i32
        %add3A_249 = arith.addi %add3A_248, %scan3A_127 : i32
        %mul3A_250 = arith.constant 128 : i32
        %mul3A_251 = arith.muli %add3A_249, %mul3A_250 : i32
        %add3A_252 = arith.constant 16 : i32
        %add3A_253 = arith.addi %mul3A_251, %add3A_252 : i32
        %swap3A_254 = arith.index_cast %add3A_253 : i32 to index
        %swap3A_255 = tpu.vector_load %arg17[%swap3A_254] {strides = array<i32>} : memref<19968xf32, #tpu.memory_space<vmem>>, vector<16xf32>,
        %swap3A_256 = vector.shape_cast %swap3A_255 : vector<16xf32> to vector<16xf32>
        %swap3A_257 = vector.shape_cast %add3A_247 : vector<16xf32> to vector<16xf32>
        tpu.vector_store %arg17[%swap3A_254], %swap3A_257 {strides = array<i32>} : memref<19968xf32, #tpu.memory_space<vmem>>, vector<16xf32>,
        %add3A_258 = arith.constant 78 : i32
        %add3A_259 = arith.addi %add3A_258, %scan3A_127 : i32
        %get3A_260 = arith.index_cast %add3A_259 : i32 to index
        %get3A_261 = arith.constant 16 : index
        %get3A_262 = tpu.vector_load %arg15[%get3A_260, %get3A_261] {strides = array<i32>} : memref<104x128xf32, #tpu.memory_space<vmem>>, vector<1x16xf32>,
        %get3A_263 = vector.shape_cast %get3A_262 : vector<1x16xf32> to vector<16xf32>
        %add3A_264 = arith.addf %get3A_263, %get3A_206 : vector<16xf32>
        %add3A_265 = arith.constant 130 : i32
        %add3A_266 = arith.addi %add3A_265, %scan3A_127 : i32
        %mul3A_267 = arith.constant 128 : i32
        %mul3A_268 = arith.muli %add3A_266, %mul3A_267 : i32
        %add3A_269 = arith.constant 16 : i32
        %add3A_270 = arith.addi %mul3A_268, %add3A_269 : i32
        %swap3A_271 = arith.index_cast %add3A_270 : i32 to index
        %swap3A_272 = tpu.vector_load %arg17[%swap3A_271] {strides = array<i32>} : memref<19968xf32, #tpu.memory_space<vmem>>, vector<16xf32>,
        %swap3A_273 = vector.shape_cast %swap3A_272 : vector<16xf32> to vector<16xf32>
        %swap3A_274 = vector.shape_cast %add3A_264 : vector<16xf32> to vector<16xf32>
        tpu.vector_store %arg17[%swap3A_271], %swap3A_274 {strides = array<i32>} : memref<19968xf32, #tpu.memory_space<vmem>>, vector<16xf32>,
        %add3A_275 = arith.constant 13 : i32
        %add3A_276 = arith.addi %add3A_275, %scan3A_127 : i32
        %get3A_277 = arith.index_cast %add3A_276 : i32 to index
        %get3A_278 = arith.constant 32 : index
        %get3A_279 = tpu.vector_load %arg14[%get3A_277, %get3A_278] {strides = array<i32>} : memref<39x128xf32, #tpu.memory_space<vmem>>, vector<1x16xf32>,
        %get3A_280 = vector.shape_cast %get3A_279 : vector<1x16xf32> to vector<16xf32>
        %add3A_281 = arith.constant 0 : i32
        %add3A_282 = arith.addi %add3A_281, %scan3A_127 : i32
        %get3A_283 = arith.index_cast %add3A_282 : i32 to index
        %get3A_284 = arith.constant 32 : index
        %get3A_285 = tpu.vector_load %arg15[%get3A_283, %get3A_284] {strides = array<i32>} : memref<104x128xf32, #tpu.memory_space<vmem>>, vector<1x16xf32>,
        %get3A_286 = vector.shape_cast %get3A_285 : vector<1x16xf32> to vector<16xf32>
        %add3A_287 = arith.addf %get3A_286, %get3A_280 : vector<16xf32>
        %add3A_288 = arith.constant 13 : i32
        %add3A_289 = arith.addi %add3A_288, %scan3A_127 : i32
        %mul3A_290 = arith.constant 128 : i32
        %mul3A_291 = arith.muli %add3A_289, %mul3A_290 : i32
        %add3A_292 = arith.constant 32 : i32
        %add3A_293 = arith.addi %mul3A_291, %add3A_292 : i32
        %swap3A_294 = arith.index_cast %add3A_293 : i32 to index
        %swap3A_295 = tpu.vector_load %arg17[%swap3A_294] {strides = array<i32>} : memref<19968xf32, #tpu.memory_space<vmem>>, vector<16xf32>,
        %swap3A_296 = vector.shape_cast %swap3A_295 : vector<16xf32> to vector<16xf32>
        %swap3A_297 = vector.shape_cast %add3A_287 : vector<16xf32> to vector<16xf32>
        tpu.vector_store %arg17[%swap3A_294], %swap3A_297 {strides = array<i32>} : memref<19968xf32, #tpu.memory_space<vmem>>, vector<16xf32>,
        %add3A_298 = arith.constant 26 : i32
        %add3A_299 = arith.addi %add3A_298, %scan3A_127 : i32
        %get3A_300 = arith.index_cast %add3A_299 : i32 to index
        %get3A_301 = arith.constant 32 : index
        %get3A_302 = tpu.vector_load %arg15[%get3A_300, %get3A_301] {strides = array<i32>} : memref<104x128xf32, #tpu.memory_space<vmem>>, vector<1x16xf32>,
        %get3A_303 = vector.shape_cast %get3A_302 : vector<1x16xf32> to vector<16xf32>
        %add3A_304 = arith.addf %get3A_303, %get3A_280 : vector<16xf32>
        %add3A_305 = arith.constant 52 : i32
        %add3A_306 = arith.addi %add3A_305, %scan3A_127 : i32
        %mul3A_307 = arith.constant 128 : i32
        %mul3A_308 = arith.muli %add3A_306, %mul3A_307 : i32
        %add3A_309 = arith.constant 32 : i32
        %add3A_310 = arith.addi %mul3A_308, %add3A_309 : i32
        %swap3A_311 = arith.index_cast %add3A_310 : i32 to index
        %swap3A_312 = tpu.vector_load %arg17[%swap3A_311] {strides = array<i32>} : memref<19968xf32, #tpu.memory_space<vmem>>, vector<16xf32>,
        %swap3A_313 = vector.shape_cast %swap3A_312 : vector<16xf32> to vector<16xf32>
        %swap3A_314 = vector.shape_cast %add3A_304 : vector<16xf32> to vector<16xf32>
        tpu.vector_store %arg17[%swap3A_311], %swap3A_314 {strides = array<i32>} : memref<19968xf32, #tpu.memory_space<vmem>>, vector<16xf32>,
        %add3A_315 = arith.constant 52 : i32
        %add3A_316 = arith.addi %add3A_315, %scan3A_127 : i32
        %get3A_317 = arith.index_cast %add3A_316 : i32 to index
        %get3A_318 = arith.constant 32 : index
        %get3A_319 = tpu.vector_load %arg15[%get3A_317, %get3A_318] {strides = array<i32>} : memref<104x128xf32, #tpu.memory_space<vmem>>, vector<1x16xf32>,
        %get3A_320 = vector.shape_cast %get3A_319 : vector<1x16xf32> to vector<16xf32>
        %add3A_321 = arith.addf %get3A_320, %get3A_280 : vector<16xf32>
        %add3A_322 = arith.constant 91 : i32
        %add3A_323 = arith.addi %add3A_322, %scan3A_127 : i32
        %mul3A_324 = arith.constant 128 : i32
        %mul3A_325 = arith.muli %add3A_323, %mul3A_324 : i32
        %add3A_326 = arith.constant 32 : i32
        %add3A_327 = arith.addi %mul3A_325, %add3A_326 : i32
        %swap3A_328 = arith.index_cast %add3A_327 : i32 to index
        %swap3A_329 = tpu.vector_load %arg17[%swap3A_328] {strides = array<i32>} : memref<19968xf32, #tpu.memory_space<vmem>>, vector<16xf32>,
        %swap3A_330 = vector.shape_cast %swap3A_329 : vector<16xf32> to vector<16xf32>
        %swap3A_331 = vector.shape_cast %add3A_321 : vector<16xf32> to vector<16xf32>
        tpu.vector_store %arg17[%swap3A_328], %swap3A_331 {strides = array<i32>} : memref<19968xf32, #tpu.memory_space<vmem>>, vector<16xf32>,
        %add3A_332 = arith.constant 78 : i32
        %add3A_333 = arith.addi %add3A_332, %scan3A_127 : i32
        %get3A_334 = arith.index_cast %add3A_333 : i32 to index
        %get3A_335 = arith.constant 32 : index
        %get3A_336 = tpu.vector_load %arg15[%get3A_334, %get3A_335] {strides = array<i32>} : memref<104x128xf32, #tpu.memory_space<vmem>>, vector<1x16xf32>,
        %get3A_337 = vector.shape_cast %get3A_336 : vector<1x16xf32> to vector<16xf32>
        %add3A_338 = arith.addf %get3A_337, %get3A_280 : vector<16xf32>
        %add3A_339 = arith.constant 130 : i32
        %add3A_340 = arith.addi %add3A_339, %scan3A_127 : i32
        %mul3A_341 = arith.constant 128 : i32
        %mul3A_342 = arith.muli %add3A_340, %mul3A_341 : i32
        %add3A_343 = arith.constant 32 : i32
        %add3A_344 = arith.addi %mul3A_342, %add3A_343 : i32
        %swap3A_345 = arith.index_cast %add3A_344 : i32 to index
        %swap3A_346 = tpu.vector_load %arg17[%swap3A_345] {strides = array<i32>} : memref<19968xf32, #tpu.memory_space<vmem>>, vector<16xf32>,
        %swap3A_347 = vector.shape_cast %swap3A_346 : vector<16xf32> to vector<16xf32>
        %swap3A_348 = vector.shape_cast %add3A_338 : vector<16xf32> to vector<16xf32>
        tpu.vector_store %arg17[%swap3A_345], %swap3A_348 {strides = array<i32>} : memref<19968xf32, #tpu.memory_space<vmem>>, vector<16xf32>,
        %add3A_349 = arith.constant 13 : i32
        %add3A_350 = arith.addi %add3A_349, %scan3A_127 : i32
        %get3A_351 = arith.index_cast %add3A_350 : i32 to index
        %get3A_352 = arith.constant 48 : index
        %get3A_353 = tpu.vector_load %arg14[%get3A_351, %get3A_352] {strides = array<i32>} : memref<39x128xf32, #tpu.memory_space<vmem>>, vector<1x16xf32>,
        %get3A_354 = vector.shape_cast %get3A_353 : vector<1x16xf32> to vector<16xf32>
        %add3A_355 = arith.constant 0 : i32
        %add3A_356 = arith.addi %add3A_355, %scan3A_127 : i32
        %get3A_357 = arith.index_cast %add3A_356 : i32 to index
        %get3A_358 = arith.constant 48 : index
        %get3A_359 = tpu.vector_load %arg15[%get3A_357, %get3A_358] {strides = array<i32>} : memref<104x128xf32, #tpu.memory_space<vmem>>, vector<1x16xf32>,
        %get3A_360 = vector.shape_cast %get3A_359 : vector<1x16xf32> to vector<16xf32>
        %add3A_361 = arith.addf %get3A_360, %get3A_354 : vector<16xf32>
        %add3A_362 = arith.constant 13 : i32
        %add3A_363 = arith.addi %add3A_362, %scan3A_127 : i32
        %mul3A_364 = arith.constant 128 : i32
        %mul3A_365 = arith.muli %add3A_363, %mul3A_364 : i32
        %add3A_366 = arith.constant 48 : i32
        %add3A_367 = arith.addi %mul3A_365, %add3A_366 : i32
        %swap3A_368 = arith.index_cast %add3A_367 : i32 to index
        %swap3A_369 = tpu.vector_load %arg17[%swap3A_368] {strides = array<i32>} : memref<19968xf32, #tpu.memory_space<vmem>>, vector<16xf32>,
        %swap3A_370 = vector.shape_cast %swap3A_369 : vector<16xf32> to vector<16xf32>
        %swap3A_371 = vector.shape_cast %add3A_361 : vector<16xf32> to vector<16xf32>
        tpu.vector_store %arg17[%swap3A_368], %swap3A_371 {strides = array<i32>} : memref<19968xf32, #tpu.memory_space<vmem>>, vector<16xf32>,
        %add3A_372 = arith.constant 26 : i32
        %add3A_373 = arith.addi %add3A_372, %scan3A_127 : i32
        %get3A_374 = arith.index_cast %add3A_373 : i32 to index
        %get3A_375 = arith.constant 48 : index
        %get3A_376 = tpu.vector_load %arg15[%get3A_374, %get3A_375] {strides = array<i32>} : memref<104x128xf32, #tpu.memory_space<vmem>>, vector<1x16xf32>,
        %get3A_377 = vector.shape_cast %get3A_376 : vector<1x16xf32> to vector<16xf32>
        %add3A_378 = arith.addf %get3A_377, %get3A_354 : vector<16xf32>
        %add3A_379 = arith.constant 52 : i32
        %add3A_380 = arith.addi %add3A_379, %scan3A_127 : i32
        %mul3A_381 = arith.constant 128 : i32
        %mul3A_382 = arith.muli %add3A_380, %mul3A_381 : i32
        %add3A_383 = arith.constant 48 : i32
        %add3A_384 = arith.addi %mul3A_382, %add3A_383 : i32
        %swap3A_385 = arith.index_cast %add3A_384 : i32 to index
        %swap3A_386 = tpu.vector_load %arg17[%swap3A_385] {strides = array<i32>} : memref<19968xf32, #tpu.memory_space<vmem>>, vector<16xf32>,
        %swap3A_387 = vector.shape_cast %swap3A_386 : vector<16xf32> to vector<16xf32>
        %swap3A_388 = vector.shape_cast %add3A_378 : vector<16xf32> to vector<16xf32>
        tpu.vector_store %arg17[%swap3A_385], %swap3A_388 {strides = array<i32>} : memref<19968xf32, #tpu.memory_space<vmem>>, vector<16xf32>,
        %add3A_389 = arith.constant 52 : i32
        %add3A_390 = arith.addi %add3A_389, %scan3A_127 : i32
        %get3A_391 = arith.index_cast %add3A_390 : i32 to index
        %get3A_392 = arith.constant 48 : index
        %get3A_393 = tpu.vector_load %arg15[%get3A_391, %get3A_392] {strides = array<i32>} : memref<104x128xf32, #tpu.memory_space<vmem>>, vector<1x16xf32>,
        %get3A_394 = vector.shape_cast %get3A_393 : vector<1x16xf32> to vector<16xf32>
        %add3A_395 = arith.addf %get3A_394, %get3A_354 : vector<16xf32>
        %add3A_396 = arith.constant 91 : i32
        %add3A_397 = arith.addi %add3A_396, %scan3A_127 : i32
        %mul3A_398 = arith.constant 128 : i32
        %mul3A_399 = arith.muli %add3A_397, %mul3A_398 : i32
        %add3A_400 = arith.constant 48 : i32
        %add3A_401 = arith.addi %mul3A_399, %add3A_400 : i32
        %swap3A_402 = arith.index_cast %add3A_401 : i32 to index
        %swap3A_403 = tpu.vector_load %arg17[%swap3A_402] {strides = array<i32>} : memref<19968xf32, #tpu.memory_space<vmem>>, vector<16xf32>,
        %swap3A_404 = vector.shape_cast %swap3A_403 : vector<16xf32> to vector<16xf32>
        %swap3A_405 = vector.shape_cast %add3A_395 : vector<16xf32> to vector<16xf32>
        tpu.vector_store %arg17[%swap3A_402], %swap3A_405 {strides = array<i32>} : memref<19968xf32, #tpu.memory_space<vmem>>, vector<16xf32>,
        %add3A_406 = arith.constant 78 : i32
        %add3A_407 = arith.addi %add3A_406, %scan3A_127 : i32
        %get3A_408 = arith.index_cast %add3A_407 : i32 to index
        %get3A_409 = arith.constant 48 : index
        %get3A_410 = tpu.vector_load %arg15[%get3A_408, %get3A_409] {strides = array<i32>} : memref<104x128xf32, #tpu.memory_space<vmem>>, vector<1x16xf32>,
        %get3A_411 = vector.shape_cast %get3A_410 : vector<1x16xf32> to vector<16xf32>
        %add3A_412 = arith.addf %get3A_411, %get3A_354 : vector<16xf32>
        %add3A_413 = arith.constant 130 : i32
        %add3A_414 = arith.addi %add3A_413, %scan3A_127 : i32
        %mul3A_415 = arith.constant 128 : i32
        %mul3A_416 = arith.muli %add3A_414, %mul3A_415 : i32
        %add3A_417 = arith.constant 48 : i32
        %add3A_418 = arith.addi %mul3A_416, %add3A_417 : i32
        %swap3A_419 = arith.index_cast %add3A_418 : i32 to index
        %swap3A_420 = tpu.vector_load %arg17[%swap3A_419] {strides = array<i32>} : memref<19968xf32, #tpu.memory_space<vmem>>, vector<16xf32>,
        %swap3A_421 = vector.shape_cast %swap3A_420 : vector<16xf32> to vector<16xf32>
        %swap3A_422 = vector.shape_cast %add3A_412 : vector<16xf32> to vector<16xf32>
        tpu.vector_store %arg17[%swap3A_419], %swap3A_422 {strides = array<i32>} : memref<19968xf32, #tpu.memory_space<vmem>>, vector<16xf32>,
        %add3A_423 = arith.constant 13 : i32
        %add3A_424 = arith.addi %add3A_423, %scan3A_127 : i32
        %get3A_425 = arith.index_cast %add3A_424 : i32 to index
        %get3A_426 = arith.constant 64 : index
        %get3A_427 = tpu.vector_load %arg14[%get3A_425, %get3A_426] {strides = array<i32>} : memref<39x128xf32, #tpu.memory_space<vmem>>, vector<1x16xf32>,
        %get3A_428 = vector.shape_cast %get3A_427 : vector<1x16xf32> to vector<16xf32>
        %add3A_429 = arith.constant 0 : i32
        %add3A_430 = arith.addi %add3A_429, %scan3A_127 : i32
        %get3A_431 = arith.index_cast %add3A_430 : i32 to index
        %get3A_432 = arith.constant 64 : index
        %get3A_433 = tpu.vector_load %arg15[%get3A_431, %get3A_432] {strides = array<i32>} : memref<104x128xf32, #tpu.memory_space<vmem>>, vector<1x16xf32>,
        %get3A_434 = vector.shape_cast %get3A_433 : vector<1x16xf32> to vector<16xf32>
        %add3A_435 = arith.addf %get3A_434, %get3A_428 : vector<16xf32>
        %add3A_436 = arith.constant 13 : i32
        %add3A_437 = arith.addi %add3A_436, %scan3A_127 : i32
        %mul3A_438 = arith.constant 128 : i32
        %mul3A_439 = arith.muli %add3A_437, %mul3A_438 : i32
        %add3A_440 = arith.constant 64 : i32
        %add3A_441 = arith.addi %mul3A_439, %add3A_440 : i32
        %swap3A_442 = arith.index_cast %add3A_441 : i32 to index
        %swap3A_443 = tpu.vector_load %arg17[%swap3A_442] {strides = array<i32>} : memref<19968xf32, #tpu.memory_space<vmem>>, vector<16xf32>,
        %swap3A_444 = vector.shape_cast %swap3A_443 : vector<16xf32> to vector<16xf32>
        %swap3A_445 = vector.shape_cast %add3A_435 : vector<16xf32> to vector<16xf32>
        tpu.vector_store %arg17[%swap3A_442], %swap3A_445 {strides = array<i32>} : memref<19968xf32, #tpu.memory_space<vmem>>, vector<16xf32>,
        %add3A_446 = arith.constant 26 : i32
        %add3A_447 = arith.addi %add3A_446, %scan3A_127 : i32
        %get3A_448 = arith.index_cast %add3A_447 : i32 to index
        %get3A_449 = arith.constant 64 : index
        %get3A_450 = tpu.vector_load %arg15[%get3A_448, %get3A_449] {strides = array<i32>} : memref<104x128xf32, #tpu.memory_space<vmem>>, vector<1x16xf32>,
        %get3A_451 = vector.shape_cast %get3A_450 : vector<1x16xf32> to vector<16xf32>
        %add3A_452 = arith.addf %get3A_451, %get3A_428 : vector<16xf32>
        %add3A_453 = arith.constant 52 : i32
        %add3A_454 = arith.addi %add3A_453, %scan3A_127 : i32
        %mul3A_455 = arith.constant 128 : i32
        %mul3A_456 = arith.muli %add3A_454, %mul3A_455 : i32
        %add3A_457 = arith.constant 64 : i32
        %add3A_458 = arith.addi %mul3A_456, %add3A_457 : i32
        %swap3A_459 = arith.index_cast %add3A_458 : i32 to index
        %swap3A_460 = tpu.vector_load %arg17[%swap3A_459] {strides = array<i32>} : memref<19968xf32, #tpu.memory_space<vmem>>, vector<16xf32>,
        %swap3A_461 = vector.shape_cast %swap3A_460 : vector<16xf32> to vector<16xf32>
        %swap3A_462 = vector.shape_cast %add3A_452 : vector<16xf32> to vector<16xf32>
        tpu.vector_store %arg17[%swap3A_459], %swap3A_462 {strides = array<i32>} : memref<19968xf32, #tpu.memory_space<vmem>>, vector<16xf32>,
        %add3A_463 = arith.constant 52 : i32
        %add3A_464 = arith.addi %add3A_463, %scan3A_127 : i32
        %get3A_465 = arith.index_cast %add3A_464 : i32 to index
        %get3A_466 = arith.constant 64 : index
        %get3A_467 = tpu.vector_load %arg15[%get3A_465, %get3A_466] {strides = array<i32>} : memref<104x128xf32, #tpu.memory_space<vmem>>, vector<1x16xf32>,
        %get3A_468 = vector.shape_cast %get3A_467 : vector<1x16xf32> to vector<16xf32>
        %add3A_469 = arith.addf %get3A_468, %get3A_428 : vector<16xf32>
        %add3A_470 = arith.constant 91 : i32
        %add3A_471 = arith.addi %add3A_470, %scan3A_127 : i32
        %mul3A_472 = arith.constant 128 : i32
        %mul3A_473 = arith.muli %add3A_471, %mul3A_472 : i32
        %add3A_474 = arith.constant 64 : i32
        %add3A_475 = arith.addi %mul3A_473, %add3A_474 : i32
        %swap3A_476 = arith.index_cast %add3A_475 : i32 to index
        %swap3A_477 = tpu.vector_load %arg17[%swap3A_476] {strides = array<i32>} : memref<19968xf32, #tpu.memory_space<vmem>>, vector<16xf32>,
        %swap3A_478 = vector.shape_cast %swap3A_477 : vector<16xf32> to vector<16xf32>
        %swap3A_479 = vector.shape_cast %add3A_469 : vector<16xf32> to vector<16xf32>
        tpu.vector_store %arg17[%swap3A_476], %swap3A_479 {strides = array<i32>} : memref<19968xf32, #tpu.memory_space<vmem>>, vector<16xf32>,
        %add3A_480 = arith.constant 78 : i32
        %add3A_481 = arith.addi %add3A_480, %scan3A_127 : i32
        %get3A_482 = arith.index_cast %add3A_481 : i32 to index
        %get3A_483 = arith.constant 64 : index
        %get3A_484 = tpu.vector_load %arg15[%get3A_482, %get3A_483] {strides = array<i32>} : memref<104x128xf32, #tpu.memory_space<vmem>>, vector<1x16xf32>,
        %get3A_485 = vector.shape_cast %get3A_484 : vector<1x16xf32> to vector<16xf32>
        %add3A_486 = arith.addf %get3A_485, %get3A_428 : vector<16xf32>
        %add3A_487 = arith.constant 130 : i32
        %add3A_488 = arith.addi %add3A_487, %scan3A_127 : i32
        %mul3A_489 = arith.constant 128 : i32
        %mul3A_490 = arith.muli %add3A_488, %mul3A_489 : i32
        %add3A_491 = arith.constant 64 : i32
        %add3A_492 = arith.addi %mul3A_490, %add3A_491 : i32
        %swap3A_493 = arith.index_cast %add3A_492 : i32 to index
        %swap3A_494 = tpu.vector_load %arg17[%swap3A_493] {strides = array<i32>} : memref<19968xf32, #tpu.memory_space<vmem>>, vector<16xf32>,
        %swap3A_495 = vector.shape_cast %swap3A_494 : vector<16xf32> to vector<16xf32>
        %swap3A_496 = vector.shape_cast %add3A_486 : vector<16xf32> to vector<16xf32>
        tpu.vector_store %arg17[%swap3A_493], %swap3A_496 {strides = array<i32>} : memref<19968xf32, #tpu.memory_space<vmem>>, vector<16xf32>,
        %add3A_497 = arith.constant 13 : i32
        %add3A_498 = arith.addi %add3A_497, %scan3A_127 : i32
        %get3A_499 = arith.index_cast %add3A_498 : i32 to index
        %get3A_500 = arith.constant 80 : index
        %get3A_501 = tpu.vector_load %arg14[%get3A_499, %get3A_500] {strides = array<i32>} : memref<39x128xf32, #tpu.memory_space<vmem>>, vector<1x16xf32>,
        %get3A_502 = vector.shape_cast %get3A_501 : vector<1x16xf32> to vector<16xf32>
        %add3A_503 = arith.constant 0 : i32
        %add3A_504 = arith.addi %add3A_503, %scan3A_127 : i32
        %get3A_505 = arith.index_cast %add3A_504 : i32 to index
        %get3A_506 = arith.constant 80 : index
        %get3A_507 = tpu.vector_load %arg15[%get3A_505, %get3A_506] {strides = array<i32>} : memref<104x128xf32, #tpu.memory_space<vmem>>, vector<1x16xf32>,
        %get3A_508 = vector.shape_cast %get3A_507 : vector<1x16xf32> to vector<16xf32>
        %add3A_509 = arith.addf %get3A_508, %get3A_502 : vector<16xf32>
        %add3A_510 = arith.constant 13 : i32
        %add3A_511 = arith.addi %add3A_510, %scan3A_127 : i32
        %mul3A_512 = arith.constant 128 : i32
        %mul3A_513 = arith.muli %add3A_511, %mul3A_512 : i32
        %add3A_514 = arith.constant 80 : i32
        %add3A_515 = arith.addi %mul3A_513, %add3A_514 : i32
        %swap3A_516 = arith.index_cast %add3A_515 : i32 to index
        %swap3A_517 = tpu.vector_load %arg17[%swap3A_516] {strides = array<i32>} : memref<19968xf32, #tpu.memory_space<vmem>>, vector<16xf32>,
        %swap3A_518 = vector.shape_cast %swap3A_517 : vector<16xf32> to vector<16xf32>
        %swap3A_519 = vector.shape_cast %add3A_509 : vector<16xf32> to vector<16xf32>
        tpu.vector_store %arg17[%swap3A_516], %swap3A_519 {strides = array<i32>} : memref<19968xf32, #tpu.memory_space<vmem>>, vector<16xf32>,
        %add3A_520 = arith.constant 26 : i32
        %add3A_521 = arith.addi %add3A_520, %scan3A_127 : i32
        %get3A_522 = arith.index_cast %add3A_521 : i32 to index
        %get3A_523 = arith.constant 80 : index
        %get3A_524 = tpu.vector_load %arg15[%get3A_522, %get3A_523] {strides = array<i32>} : memref<104x128xf32, #tpu.memory_space<vmem>>, vector<1x16xf32>,
        %get3A_525 = vector.shape_cast %get3A_524 : vector<1x16xf32> to vector<16xf32>
        %add3A_526 = arith.addf %get3A_525, %get3A_502 : vector<16xf32>
        %add3A_527 = arith.constant 52 : i32
        %add3A_528 = arith.addi %add3A_527, %scan3A_127 : i32
        %mul3A_529 = arith.constant 128 : i32
        %mul3A_530 = arith.muli %add3A_528, %mul3A_529 : i32
        %add3A_531 = arith.constant 80 : i32
        %add3A_532 = arith.addi %mul3A_530, %add3A_531 : i32
        %swap3A_533 = arith.index_cast %add3A_532 : i32 to index
        %swap3A_534 = tpu.vector_load %arg17[%swap3A_533] {strides = array<i32>} : memref<19968xf32, #tpu.memory_space<vmem>>, vector<16xf32>,
        %swap3A_535 = vector.shape_cast %swap3A_534 : vector<16xf32> to vector<16xf32>
        %swap3A_536 = vector.shape_cast %add3A_526 : vector<16xf32> to vector<16xf32>
        tpu.vector_store %arg17[%swap3A_533], %swap3A_536 {strides = array<i32>} : memref<19968xf32, #tpu.memory_space<vmem>>, vector<16xf32>,
        %add3A_537 = arith.constant 52 : i32
        %add3A_538 = arith.addi %add3A_537, %scan3A_127 : i32
        %get3A_539 = arith.index_cast %add3A_538 : i32 to index
        %get3A_540 = arith.constant 80 : index
        %get3A_541 = tpu.vector_load %arg15[%get3A_539, %get3A_540] {strides = array<i32>} : memref<104x128xf32, #tpu.memory_space<vmem>>, vector<1x16xf32>,
        %get3A_542 = vector.shape_cast %get3A_541 : vector<1x16xf32> to vector<16xf32>
        %add3A_543 = arith.addf %get3A_542, %get3A_502 : vector<16xf32>
        %add3A_544 = arith.constant 91 : i32
        %add3A_545 = arith.addi %add3A_544, %scan3A_127 : i32
        %mul3A_546 = arith.constant 128 : i32
        %mul3A_547 = arith.muli %add3A_545, %mul3A_546 : i32
        %add3A_548 = arith.constant 80 : i32
        %add3A_549 = arith.addi %mul3A_547, %add3A_548 : i32
        %swap3A_550 = arith.index_cast %add3A_549 : i32 to index
        %swap3A_551 = tpu.vector_load %arg17[%swap3A_550] {strides = array<i32>} : memref<19968xf32, #tpu.memory_space<vmem>>, vector<16xf32>,
        %swap3A_552 = vector.shape_cast %swap3A_551 : vector<16xf32> to vector<16xf32>
        %swap3A_553 = vector.shape_cast %add3A_543 : vector<16xf32> to vector<16xf32>
        tpu.vector_store %arg17[%swap3A_550], %swap3A_553 {strides = array<i32>} : memref<19968xf32, #tpu.memory_space<vmem>>, vector<16xf32>,
        %add3A_554 = arith.constant 78 : i32
        %add3A_555 = arith.addi %add3A_554, %scan3A_127 : i32
        %get3A_556 = arith.index_cast %add3A_555 : i32 to index
        %get3A_557 = arith.constant 80 : index
        %get3A_558 = tpu.vector_load %arg15[%get3A_556, %get3A_557] {strides = array<i32>} : memref<104x128xf32, #tpu.memory_space<vmem>>, vector<1x16xf32>,
        %get3A_559 = vector.shape_cast %get3A_558 : vector<1x16xf32> to vector<16xf32>
        %add3A_560 = arith.addf %get3A_559, %get3A_502 : vector<16xf32>
        %add3A_561 = arith.constant 130 : i32
        %add3A_562 = arith.addi %add3A_561, %scan3A_127 : i32
        %mul3A_563 = arith.constant 128 : i32
        %mul3A_564 = arith.muli %add3A_562, %mul3A_563 : i32
        %add3A_565 = arith.constant 80 : i32
        %add3A_566 = arith.addi %mul3A_564, %add3A_565 : i32
        %swap3A_567 = arith.index_cast %add3A_566 : i32 to index
        %swap3A_568 = tpu.vector_load %arg17[%swap3A_567] {strides = array<i32>} : memref<19968xf32, #tpu.memory_space<vmem>>, vector<16xf32>,
        %swap3A_569 = vector.shape_cast %swap3A_568 : vector<16xf32> to vector<16xf32>
        %swap3A_570 = vector.shape_cast %add3A_560 : vector<16xf32> to vector<16xf32>
        tpu.vector_store %arg17[%swap3A_567], %swap3A_570 {strides = array<i32>} : memref<19968xf32, #tpu.memory_space<vmem>>, vector<16xf32>,
        %add3A_571 = arith.constant 13 : i32
        %add3A_572 = arith.addi %add3A_571, %scan3A_127 : i32
        %get3A_573 = arith.index_cast %add3A_572 : i32 to index
        %get3A_574 = arith.constant 96 : index
        %get3A_575 = tpu.vector_load %arg14[%get3A_573, %get3A_574] {strides = array<i32>} : memref<39x128xf32, #tpu.memory_space<vmem>>, vector<1x16xf32>,
        %get3A_576 = vector.shape_cast %get3A_575 : vector<1x16xf32> to vector<16xf32>
        %add3A_577 = arith.constant 0 : i32
        %add3A_578 = arith.addi %add3A_577, %scan3A_127 : i32
        %get3A_579 = arith.index_cast %add3A_578 : i32 to index
        %get3A_580 = arith.constant 96 : index
        %get3A_581 = tpu.vector_load %arg15[%get3A_579, %get3A_580] {strides = array<i32>} : memref<104x128xf32, #tpu.memory_space<vmem>>, vector<1x16xf32>,
        %get3A_582 = vector.shape_cast %get3A_581 : vector<1x16xf32> to vector<16xf32>
        %add3A_583 = arith.addf %get3A_582, %get3A_576 : vector<16xf32>
        %add3A_584 = arith.constant 13 : i32
        %add3A_585 = arith.addi %add3A_584, %scan3A_127 : i32
        %mul3A_586 = arith.constant 128 : i32
        %mul3A_587 = arith.muli %add3A_585, %mul3A_586 : i32
        %add3A_588 = arith.constant 96 : i32
        %add3A_589 = arith.addi %mul3A_587, %add3A_588 : i32
        %swap3A_590 = arith.index_cast %add3A_589 : i32 to index
        %swap3A_591 = tpu.vector_load %arg17[%swap3A_590] {strides = array<i32>} : memref<19968xf32, #tpu.memory_space<vmem>>, vector<16xf32>,
        %swap3A_592 = vector.shape_cast %swap3A_591 : vector<16xf32> to vector<16xf32>
        %swap3A_593 = vector.shape_cast %add3A_583 : vector<16xf32> to vector<16xf32>
        tpu.vector_store %arg17[%swap3A_590], %swap3A_593 {strides = array<i32>} : memref<19968xf32, #tpu.memory_space<vmem>>, vector<16xf32>,
        %add3A_594 = arith.constant 26 : i32
        %add3A_595 = arith.addi %add3A_594, %scan3A_127 : i32
        %get3A_596 = arith.index_cast %add3A_595 : i32 to index
        %get3A_597 = arith.constant 96 : index
        %get3A_598 = tpu.vector_load %arg15[%get3A_596, %get3A_597] {strides = array<i32>} : memref<104x128xf32, #tpu.memory_space<vmem>>, vector<1x16xf32>,
        %get3A_599 = vector.shape_cast %get3A_598 : vector<1x16xf32> to vector<16xf32>
        %add3A_600 = arith.addf %get3A_599, %get3A_576 : vector<16xf32>
        %add3A_601 = arith.constant 52 : i32
        %add3A_602 = arith.addi %add3A_601, %scan3A_127 : i32
        %mul3A_603 = arith.constant 128 : i32
        %mul3A_604 = arith.muli %add3A_602, %mul3A_603 : i32
        %add3A_605 = arith.constant 96 : i32
        %add3A_606 = arith.addi %mul3A_604, %add3A_605 : i32
        %swap3A_607 = arith.index_cast %add3A_606 : i32 to index
        %swap3A_608 = tpu.vector_load %arg17[%swap3A_607] {strides = array<i32>} : memref<19968xf32, #tpu.memory_space<vmem>>, vector<16xf32>,
        %swap3A_609 = vector.shape_cast %swap3A_608 : vector<16xf32> to vector<16xf32>
        %swap3A_610 = vector.shape_cast %add3A_600 : vector<16xf32> to vector<16xf32>
        tpu.vector_store %arg17[%swap3A_607], %swap3A_610 {strides = array<i32>} : memref<19968xf32, #tpu.memory_space<vmem>>, vector<16xf32>,
        %add3A_611 = arith.constant 52 : i32
        %add3A_612 = arith.addi %add3A_611, %scan3A_127 : i32
        %get3A_613 = arith.index_cast %add3A_612 : i32 to index
        %get3A_614 = arith.constant 96 : index
        %get3A_615 = tpu.vector_load %arg15[%get3A_613, %get3A_614] {strides = array<i32>} : memref<104x128xf32, #tpu.memory_space<vmem>>, vector<1x16xf32>,
        %get3A_616 = vector.shape_cast %get3A_615 : vector<1x16xf32> to vector<16xf32>
        %add3A_617 = arith.addf %get3A_616, %get3A_576 : vector<16xf32>
        %add3A_618 = arith.constant 91 : i32
        %add3A_619 = arith.addi %add3A_618, %scan3A_127 : i32
        %mul3A_620 = arith.constant 128 : i32
        %mul3A_621 = arith.muli %add3A_619, %mul3A_620 : i32
        %add3A_622 = arith.constant 96 : i32
        %add3A_623 = arith.addi %mul3A_621, %add3A_622 : i32
        %swap3A_624 = arith.index_cast %add3A_623 : i32 to index
        %swap3A_625 = tpu.vector_load %arg17[%swap3A_624] {strides = array<i32>} : memref<19968xf32, #tpu.memory_space<vmem>>, vector<16xf32>,
        %swap3A_626 = vector.shape_cast %swap3A_625 : vector<16xf32> to vector<16xf32>
        %swap3A_627 = vector.shape_cast %add3A_617 : vector<16xf32> to vector<16xf32>
        tpu.vector_store %arg17[%swap3A_624], %swap3A_627 {strides = array<i32>} : memref<19968xf32, #tpu.memory_space<vmem>>, vector<16xf32>,
        %add3A_628 = arith.constant 78 : i32
        %add3A_629 = arith.addi %add3A_628, %scan3A_127 : i32
        %get3A_630 = arith.index_cast %add3A_629 : i32 to index
        %get3A_631 = arith.constant 96 : index
        %get3A_632 = tpu.vector_load %arg15[%get3A_630, %get3A_631] {strides = array<i32>} : memref<104x128xf32, #tpu.memory_space<vmem>>, vector<1x16xf32>,
        %get3A_633 = vector.shape_cast %get3A_632 : vector<1x16xf32> to vector<16xf32>
        %add3A_634 = arith.addf %get3A_633, %get3A_576 : vector<16xf32>
        %add3A_635 = arith.constant 130 : i32
        %add3A_636 = arith.addi %add3A_635, %scan3A_127 : i32
        %mul3A_637 = arith.constant 128 : i32
        %mul3A_638 = arith.muli %add3A_636, %mul3A_637 : i32
        %add3A_639 = arith.constant 96 : i32
        %add3A_640 = arith.addi %mul3A_638, %add3A_639 : i32
        %swap3A_641 = arith.index_cast %add3A_640 : i32 to index
        %swap3A_642 = tpu.vector_load %arg17[%swap3A_641] {strides = array<i32>} : memref<19968xf32, #tpu.memory_space<vmem>>, vector<16xf32>,
        %swap3A_643 = vector.shape_cast %swap3A_642 : vector<16xf32> to vector<16xf32>
        %swap3A_644 = vector.shape_cast %add3A_634 : vector<16xf32> to vector<16xf32>
        tpu.vector_store %arg17[%swap3A_641], %swap3A_644 {strides = array<i32>} : memref<19968xf32, #tpu.memory_space<vmem>>, vector<16xf32>,
        %add3A_645 = arith.constant 13 : i32
        %add3A_646 = arith.addi %add3A_645, %scan3A_127 : i32
        %get3A_647 = arith.index_cast %add3A_646 : i32 to index
        %get3A_648 = arith.constant 112 : index
        %get3A_649 = tpu.vector_load %arg14[%get3A_647, %get3A_648] {strides = array<i32>} : memref<39x128xf32, #tpu.memory_space<vmem>>, vector<1x16xf32>,
        %get3A_650 = vector.shape_cast %get3A_649 : vector<1x16xf32> to vector<16xf32>
        %add3A_651 = arith.constant 0 : i32
        %add3A_652 = arith.addi %add3A_651, %scan3A_127 : i32
        %get3A_653 = arith.index_cast %add3A_652 : i32 to index
        %get3A_654 = arith.constant 112 : index
        %get3A_655 = tpu.vector_load %arg15[%get3A_653, %get3A_654] {strides = array<i32>} : memref<104x128xf32, #tpu.memory_space<vmem>>, vector<1x16xf32>,
        %get3A_656 = vector.shape_cast %get3A_655 : vector<1x16xf32> to vector<16xf32>
        %add3A_657 = arith.addf %get3A_656, %get3A_650 : vector<16xf32>
        %add3A_658 = arith.constant 13 : i32
        %add3A_659 = arith.addi %add3A_658, %scan3A_127 : i32
        %mul3A_660 = arith.constant 128 : i32
        %mul3A_661 = arith.muli %add3A_659, %mul3A_660 : i32
        %add3A_662 = arith.constant 112 : i32
        %add3A_663 = arith.addi %mul3A_661, %add3A_662 : i32
        %swap3A_664 = arith.index_cast %add3A_663 : i32 to index
        %swap3A_665 = tpu.vector_load %arg17[%swap3A_664] {strides = array<i32>} : memref<19968xf32, #tpu.memory_space<vmem>>, vector<16xf32>,
        %swap3A_666 = vector.shape_cast %swap3A_665 : vector<16xf32> to vector<16xf32>
        %swap3A_667 = vector.shape_cast %add3A_657 : vector<16xf32> to vector<16xf32>
        tpu.vector_store %arg17[%swap3A_664], %swap3A_667 {strides = array<i32>} : memref<19968xf32, #tpu.memory_space<vmem>>, vector<16xf32>,
        %add3A_668 = arith.constant 26 : i32
        %add3A_669 = arith.addi %add3A_668, %scan3A_127 : i32
        %get3A_670 = arith.index_cast %add3A_669 : i32 to index
        %get3A_671 = arith.constant 112 : index
        %get3A_672 = tpu.vector_load %arg15[%get3A_670, %get3A_671] {strides = array<i32>} : memref<104x128xf32, #tpu.memory_space<vmem>>, vector<1x16xf32>,
        %get3A_673 = vector.shape_cast %get3A_672 : vector<1x16xf32> to vector<16xf32>
        %add3A_674 = arith.addf %get3A_673, %get3A_650 : vector<16xf32>
        %add3A_675 = arith.constant 52 : i32
        %add3A_676 = arith.addi %add3A_675, %scan3A_127 : i32
        %mul3A_677 = arith.constant 128 : i32
        %mul3A_678 = arith.muli %add3A_676, %mul3A_677 : i32
        %add3A_679 = arith.constant 112 : i32
        %add3A_680 = arith.addi %mul3A_678, %add3A_679 : i32
        %swap3A_681 = arith.index_cast %add3A_680 : i32 to index
        %swap3A_682 = tpu.vector_load %arg17[%swap3A_681] {strides = array<i32>} : memref<19968xf32, #tpu.memory_space<vmem>>, vector<16xf32>,
        %swap3A_683 = vector.shape_cast %swap3A_682 : vector<16xf32> to vector<16xf32>
        %swap3A_684 = vector.shape_cast %add3A_674 : vector<16xf32> to vector<16xf32>
        tpu.vector_store %arg17[%swap3A_681], %swap3A_684 {strides = array<i32>} : memref<19968xf32, #tpu.memory_space<vmem>>, vector<16xf32>,
        %add3A_685 = arith.constant 52 : i32
        %add3A_686 = arith.addi %add3A_685, %scan3A_127 : i32
        %get3A_687 = arith.index_cast %add3A_686 : i32 to index
        %get3A_688 = arith.constant 112 : index
        %get3A_689 = tpu.vector_load %arg15[%get3A_687, %get3A_688] {strides = array<i32>} : memref<104x128xf32, #tpu.memory_space<vmem>>, vector<1x16xf32>,
        %get3A_690 = vector.shape_cast %get3A_689 : vector<1x16xf32> to vector<16xf32>
        %add3A_691 = arith.addf %get3A_690, %get3A_650 : vector<16xf32>
        %add3A_692 = arith.constant 91 : i32
        %add3A_693 = arith.addi %add3A_692, %scan3A_127 : i32
        %mul3A_694 = arith.constant 128 : i32
        %mul3A_695 = arith.muli %add3A_693, %mul3A_694 : i32
        %add3A_696 = arith.constant 112 : i32
        %add3A_697 = arith.addi %mul3A_695, %add3A_696 : i32
        %swap3A_698 = arith.index_cast %add3A_697 : i32 to index
        %swap3A_699 = tpu.vector_load %arg17[%swap3A_698] {strides = array<i32>} : memref<19968xf32, #tpu.memory_space<vmem>>, vector<16xf32>,
        %swap3A_700 = vector.shape_cast %swap3A_699 : vector<16xf32> to vector<16xf32>
        %swap3A_701 = vector.shape_cast %add3A_691 : vector<16xf32> to vector<16xf32>
        tpu.vector_store %arg17[%swap3A_698], %swap3A_701 {strides = array<i32>} : memref<19968xf32, #tpu.memory_space<vmem>>, vector<16xf32>,
        %add3A_702 = arith.constant 78 : i32
        %add3A_703 = arith.addi %add3A_702, %scan3A_127 : i32
        %get3A_704 = arith.index_cast %add3A_703 : i32 to index
        %get3A_705 = arith.constant 112 : index
        %get3A_706 = tpu.vector_load %arg15[%get3A_704, %get3A_705] {strides = array<i32>} : memref<104x128xf32, #tpu.memory_space<vmem>>, vector<1x16xf32>,
        %get3A_707 = vector.shape_cast %get3A_706 : vector<1x16xf32> to vector<16xf32>
        %add3A_708 = arith.addf %get3A_707, %get3A_650 : vector<16xf32>
        %add3A_709 = arith.constant 130 : i32
        %add3A_710 = arith.addi %add3A_709, %scan3A_127 : i32
        %mul3A_711 = arith.constant 128 : i32
        %mul3A_712 = arith.muli %add3A_710, %mul3A_711 : i32
        %add3A_713 = arith.constant 112 : i32
        %add3A_714 = arith.addi %mul3A_712, %add3A_713 : i32
        %swap3A_715 = arith.index_cast %add3A_714 : i32 to index
        %swap3A_716 = tpu.vector_load %arg17[%swap3A_715] {strides = array<i32>} : memref<19968xf32, #tpu.memory_space<vmem>>, vector<16xf32>,
        %swap3A_717 = vector.shape_cast %swap3A_716 : vector<16xf32> to vector<16xf32>
        %swap3A_718 = vector.shape_cast %add3A_708 : vector<16xf32> to vector<16xf32>
        tpu.vector_store %arg17[%swap3A_715], %swap3A_718 {strides = array<i32>} : memref<19968xf32, #tpu.memory_space<vmem>>, vector<16xf32>,
      }
      %scan3A_73 = arith.constant 26 : i32
      %mul3A_74 = arith.constant 39 : i32
      %mul3A_75 = arith.muli %mul3A_2, %mul3A_74 : i32
      %mul3A_76 = arith.constant 128 : i32
      %mul3A_77 = arith.muli %mul3A_75, %mul3A_76 : i32
      %mul3A_78 = arith.constant 19968 : i32
      %mul3A_79 = arith.muli %add3A_46, %mul3A_78 : i32
      %add3A_80 = arith.addi %mul3A_77, %mul3A_79 : i32
      %dma_start3A_81 = tpu.memref_slice %arg8[%add3A_80] : memref<20447232xf32, #tpu.memory_space<hbm>> -> memref<19968xf32, #tpu.memory_space<hbm>>
      %dma_start3A_82 = tpu.memref_slice %arg8[%add3A_80] : memref<20447232xf32, #tpu.memory_space<hbm>> -> memref<19968xf32, #tpu.memory_space<hbm>>
      tpu.enqueue_dma source(%arg17 : memref<19968xf32, #tpu.memory_space<vmem>>) target(%dma_start3A_82 : memref<19968xf32, #tpu.memory_space<hbm>>) target_semaphore(%arg21 : memref<!tpu.dma_semaphore, #tpu.memory_space<semaphore_mem>>)
      %mul3A_83 = arith.constant 2 : i32
      %mul3A_84 = arith.muli %mul3A_83, %scan3A_42 : i32
      %add3A_85 = arith.constant 1 : i32
      %add3A_86 = arith.addi %mul3A_84, %add3A_85 : i32
      %add3A_87 = arith.constant 1 : i32
      %add3A_88 = arith.addi %add3A_86, %add3A_87 : i32
      %lt3A_89 = arith.constant 32 : i32
      %lt3A_90 = arith.cmpi slt, %add3A_88, %lt3A_89 : i32
      %convert_element_type3A_91 = arith.extui %lt3A_90 : i1 to i32
      %cond3A_92 = arith.constant 0 : i32
      %cond3A_93 = arith.cmpi ne, %convert_element_type3A_91, %cond3A_92 : i32
      scf.if %cond3A_93 {
        %add3A_127 = arith.constant 1 : i32
        %add3A_128 = arith.addi %add3A_86, %add3A_127 : i32
        %mul3A_129 = arith.constant 104 : i32
        %mul3A_130 = arith.muli %add3A_128, %mul3A_129 : i32
        %multiple_of3A_131 = tpu.assume_multiple %mul3A_130, 8 : i32
        %dma_start3A_132 = tpu.memref_slice %arg11[%multiple_of3A_131] : memref<3328xi32, #tpu.memory_space<vmem>> -> memref<104xi32, #tpu.memory_space<vmem>>
        %dma_start3A_133 = arith.constant 0 : i32
        %dma_start3A_134 = arith.constant 0 : i32
        %dma_start3A_135 = tpu.memref_slice %arg7[%dma_start3A_133, %dma_start3A_134] : memref<26001x128xf32, #tpu.memory_space<hbm>> -> memref<26001x128xf32, #tpu.memory_space<hbm>>
        tpu.enqueue_indirect_dma source(%dma_start3A_135 : memref<26001x128xf32, #tpu.memory_space<hbm>>) target(%arg15 : memref<104x128xf32, #tpu.memory_space<vmem>>) offsets(%dma_start3A_132 : memref<104xi32, #tpu.memory_space<vmem>>) semaphore(%arg19 : memref<!tpu.dma_semaphore, #tpu.memory_space<semaphore_mem>>)
      } else {
      }
      %mul3A_94 = arith.constant 104 : i32
      %mul3A_95 = arith.muli %add3A_86, %mul3A_94 : i32
      %multiple_of3A_96 = tpu.assume_multiple %mul3A_95, 8 : i32
      %dma_wait3A_97 = tpu.memref_slice %arg11[%multiple_of3A_96] : memref<3328xi32, #tpu.memory_space<vmem>> -> memref<104xi32, #tpu.memory_space<vmem>>
      %dma_wait3A_98 = arith.constant 0 : i32
      %dma_wait3A_99 = arith.constant 0 : i32
      %dma_wait3A_100 = tpu.memref_slice %arg7[%dma_wait3A_98, %dma_wait3A_99] : memref<26001x128xf32, #tpu.memory_space<hbm>> -> memref<26001x128xf32, #tpu.memory_space<hbm>>
      tpu.wait_indirect_dma semaphore(%arg20 : memref<!tpu.dma_semaphore, #tpu.memory_space<semaphore_mem>>) src(%dma_wait3A_100 : memref<26001x128xf32, #tpu.memory_space<hbm>>) dst(%arg16 : memref<104x128xf32, #tpu.memory_space<vmem>>)
      %ge3A_101 = arith.constant 2 : i32
      %ge3A_102 = arith.cmpi sge, %add3A_86, %ge3A_101 : i32
      %convert_element_type3A_103 = arith.extui %ge3A_102 : i1 to i32
      %cond3A_104 = arith.constant 0 : i32
      %cond3A_105 = arith.cmpi ne, %convert_element_type3A_103, %cond3A_104 : i32
      scf.if %cond3A_105 {
        %sub3A = arith.constant 2 : i32
        %sub3A_127 = arith.subi %add3A_86, %sub3A : i32
        %mul3A_128 = arith.constant 39 : i32
        %mul3A_129 = arith.muli %mul3A_2, %mul3A_128 : i32
        %mul3A_130 = arith.constant 128 : i32
        %mul3A_131 = arith.muli %mul3A_129, %mul3A_130 : i32
        %mul3A_132 = arith.constant 19968 : i32
        %mul3A_133 = arith.muli %sub3A_127, %mul3A_132 : i32
        %add3A_134 = arith.addi %mul3A_131, %mul3A_133 : i32
        %dma_wait3A_135 = tpu.memref_slice %arg8[%add3A_134] : memref<20447232xf32, #tpu.memory_space<hbm>> -> memref<19968xf32, #tpu.memory_space<hbm>>
        %dma_wait3A_136 = tpu.memref_slice %arg8[%add3A_134] : memref<20447232xf32, #tpu.memory_space<hbm>> -> memref<19968xf32, #tpu.memory_space<hbm>>
        tpu.wait_dma2 semaphore(%arg22 : memref<!tpu.dma_semaphore, #tpu.memory_space<semaphore_mem>>) src(%arg18 : memref<19968xf32, #tpu.memory_space<vmem>>) dst(%dma_wait3A_136 : memref<19968xf32, #tpu.memory_space<hbm>>)
      } else {
      }
      %scan3A_106 = arith.constant 0 : i32
      %scan3A_107 = arith.constant 0 : i32
      %scan3A_108 = arith.constant 13 : i32
      %scan3A_109 = arith.addi %scan3A_107, %scan3A_108 : i32
      %scan3A_110 = arith.constant 1 : i32
      scf.for %scan3A_127 = %scan3A_107 to %scan3A_109 step %scan3A_110  : i32 {
        %mul3A_128 = arith.constant 4 : i32
        %mul3A_129 = arith.muli %add3A_86, %mul3A_128 : i32
        %add3A_130 = arith.constant 0 : i32
        %add3A_131 = arith.addi %mul3A_129, %add3A_130 : i32
        %mul3A_132 = arith.constant 13 : i32
        %mul3A_133 = arith.muli %add3A_131, %mul3A_132 : i32
        %add3A_134 = arith.addi %mul3A_133, %scan3A_127 : i32
        %get3A_135 = arith.index_cast %add3A_134 : i32 to index
        %get3A_136 = tpu.vector_load %arg9[%get3A_135] {strides = array<i32>} : memref<1680xf32, #tpu.memory_space<vmem>>, vector<16xf32>,
        %get3A_137 = vector.shape_cast %get3A_136 : vector<16xf32> to vector<16xf32>
        %slice3A = vector.extract_strided_slice %get3A_137 {offsets = [0], sizes = [1], strides = [1]} : vector<16xf32> to vector<1xf32>
        %squeeze3A = vector.extract %slice3A[0] : f32 from vector<1xf32>
        %mul3A_138 = arith.constant 4 : i32
        %mul3A_139 = arith.muli %add3A_86, %mul3A_138 : i32
        %add3A_140 = arith.constant 1 : i32
        %add3A_141 = arith.addi %mul3A_139, %add3A_140 : i32
        %mul3A_142 = arith.constant 13 : i32
        %mul3A_143 = arith.muli %add3A_141, %mul3A_142 : i32
        %add3A_144 = arith.addi %mul3A_143, %scan3A_127 : i32
        %get3A_145 = arith.index_cast %add3A_144 : i32 to index
        %get3A_146 = tpu.vector_load %arg9[%get3A_145] {strides = array<i32>} : memref<1680xf32, #tpu.memory_space<vmem>>, vector<16xf32>,
        %get3A_147 = vector.shape_cast %get3A_146 : vector<16xf32> to vector<16xf32>
        %slice3A_148 = vector.extract_strided_slice %get3A_147 {offsets = [0], sizes = [1], strides = [1]} : vector<16xf32> to vector<1xf32>
        %squeeze3A_149 = vector.extract %slice3A_148[0] : f32 from vector<1xf32>
        %mul3A_150 = arith.constant 4 : i32
        %mul3A_151 = arith.muli %add3A_86, %mul3A_150 : i32
        %add3A_152 = arith.constant 2 : i32
        %add3A_153 = arith.addi %mul3A_151, %add3A_152 : i32
        %mul3A_154 = arith.constant 13 : i32
        %mul3A_155 = arith.muli %add3A_153, %mul3A_154 : i32
        %add3A_156 = arith.addi %mul3A_155, %scan3A_127 : i32
        %get3A_157 = arith.index_cast %add3A_156 : i32 to index
        %get3A_158 = tpu.vector_load %arg9[%get3A_157] {strides = array<i32>} : memref<1680xf32, #tpu.memory_space<vmem>>, vector<16xf32>,
        %get3A_159 = vector.shape_cast %get3A_158 : vector<16xf32> to vector<16xf32>
        %slice3A_160 = vector.extract_strided_slice %get3A_159 {offsets = [0], sizes = [1], strides = [1]} : vector<16xf32> to vector<1xf32>
        %squeeze3A_161 = vector.extract %slice3A_160[0] : f32 from vector<1xf32>
        %mul3A_162 = arith.constant 4 : i32
        %mul3A_163 = arith.muli %add3A_86, %mul3A_162 : i32
        %add3A_164 = arith.constant 3 : i32
        %add3A_165 = arith.addi %mul3A_163, %add3A_164 : i32
        %mul3A_166 = arith.constant 13 : i32
        %mul3A_167 = arith.muli %add3A_165, %mul3A_166 : i32
        %add3A_168 = arith.addi %mul3A_167, %scan3A_127 : i32
        %get3A_169 = arith.index_cast %add3A_168 : i32 to index
        %get3A_170 = tpu.vector_load %arg9[%get3A_169] {strides = array<i32>} : memref<1680xf32, #tpu.memory_space<vmem>>, vector<16xf32>,
        %get3A_171 = vector.shape_cast %get3A_170 : vector<16xf32> to vector<16xf32>
        %slice3A_172 = vector.extract_strided_slice %get3A_171 {offsets = [0], sizes = [1], strides = [1]} : vector<16xf32> to vector<1xf32>
        %squeeze3A_173 = vector.extract %slice3A_172[0] : f32 from vector<1xf32>
        %get3A_174 = arith.index_cast %scan3A_127 : i32 to index
        %get3A_175 = arith.constant 0 : index
        %get3A_176 = tpu.vector_load %arg13[%get3A_174, %get3A_175] {strides = array<i32>} : memref<13x128xf32, #tpu.memory_space<vmem>>, vector<1x16xf32>,
        %get3A_177 = vector.shape_cast %get3A_176 : vector<1x16xf32> to vector<16xf32>
        %get3A_178 = arith.index_cast %scan3A_127 : i32 to index
        %get3A_179 = arith.constant 0 : index
        %get3A_180 = tpu.vector_load %arg14[%get3A_178, %get3A_179] {strides = array<i32>} : memref<39x128xf32, #tpu.memory_space<vmem>>, vector<1x16xf32>,
        %get3A_181 = vector.shape_cast %get3A_180 : vector<1x16xf32> to vector<16xf32>
        %mul3A_182 = vector.broadcast %squeeze3A : f32 to vector<16xf32>
        %mul3A_183 = arith.mulf %mul3A_182, %get3A_177 : vector<16xf32>
        %add3A_184 = arith.addf %mul3A_183, %get3A_181 : vector<16xf32>
        %add3A_185 = arith.constant 0 : i32
        %add3A_186 = arith.addi %add3A_185, %scan3A_127 : i32
        %mul3A_187 = arith.constant 128 : i32
        %mul3A_188 = arith.muli %add3A_186, %mul3A_187 : i32
        %add3A_189 = arith.constant 0 : i32
        %add3A_190 = arith.addi %mul3A_188, %add3A_189 : i32
        %swap3A = arith.index_cast %add3A_190 : i32 to index
        %swap3A_191 = tpu.vector_load %arg18[%swap3A] {strides = array<i32>} : memref<19968xf32, #tpu.memory_space<vmem>>, vector<16xf32>,
        %swap3A_192 = vector.shape_cast %swap3A_191 : vector<16xf32> to vector<16xf32>
        %swap3A_193 = vector.shape_cast %add3A_184 : vector<16xf32> to vector<16xf32>
        tpu.vector_store %arg18[%swap3A], %swap3A_193 {strides = array<i32>} : memref<19968xf32, #tpu.memory_space<vmem>>, vector<16xf32>,
        %mul3A_194 = vector.broadcast %squeeze3A_149 : f32 to vector<16xf32>
        %mul3A_195 = arith.mulf %mul3A_194, %get3A_177 : vector<16xf32>
        %add3A_196 = arith.addf %mul3A_195, %get3A_181 : vector<16xf32>
        %add3A_197 = arith.constant 39 : i32
        %add3A_198 = arith.addi %add3A_197, %scan3A_127 : i32
        %mul3A_199 = arith.constant 128 : i32
        %mul3A_200 = arith.muli %add3A_198, %mul3A_199 : i32
        %add3A_201 = arith.constant 0 : i32
        %add3A_202 = arith.addi %mul3A_200, %add3A_201 : i32
        %swap3A_203 = arith.index_cast %add3A_202 : i32 to index
        %swap3A_204 = tpu.vector_load %arg18[%swap3A_203] {strides = array<i32>} : memref<19968xf32, #tpu.memory_space<vmem>>, vector<16xf32>,
        %swap3A_205 = vector.shape_cast %swap3A_204 : vector<16xf32> to vector<16xf32>
        %swap3A_206 = vector.shape_cast %add3A_196 : vector<16xf32> to vector<16xf32>
        tpu.vector_store %arg18[%swap3A_203], %swap3A_206 {strides = array<i32>} : memref<19968xf32, #tpu.memory_space<vmem>>, vector<16xf32>,
        %mul3A_207 = vector.broadcast %squeeze3A_161 : f32 to vector<16xf32>
        %mul3A_208 = arith.mulf %mul3A_207, %get3A_177 : vector<16xf32>
        %add3A_209 = arith.addf %mul3A_208, %get3A_181 : vector<16xf32>
        %add3A_210 = arith.constant 78 : i32
        %add3A_211 = arith.addi %add3A_210, %scan3A_127 : i32
        %mul3A_212 = arith.constant 128 : i32
        %mul3A_213 = arith.muli %add3A_211, %mul3A_212 : i32
        %add3A_214 = arith.constant 0 : i32
        %add3A_215 = arith.addi %mul3A_213, %add3A_214 : i32
        %swap3A_216 = arith.index_cast %add3A_215 : i32 to index
        %swap3A_217 = tpu.vector_load %arg18[%swap3A_216] {strides = array<i32>} : memref<19968xf32, #tpu.memory_space<vmem>>, vector<16xf32>,
        %swap3A_218 = vector.shape_cast %swap3A_217 : vector<16xf32> to vector<16xf32>
        %swap3A_219 = vector.shape_cast %add3A_209 : vector<16xf32> to vector<16xf32>
        tpu.vector_store %arg18[%swap3A_216], %swap3A_219 {strides = array<i32>} : memref<19968xf32, #tpu.memory_space<vmem>>, vector<16xf32>,
        %mul3A_220 = vector.broadcast %squeeze3A_173 : f32 to vector<16xf32>
        %mul3A_221 = arith.mulf %mul3A_220, %get3A_177 : vector<16xf32>
        %add3A_222 = arith.addf %mul3A_221, %get3A_181 : vector<16xf32>
        %add3A_223 = arith.constant 117 : i32
        %add3A_224 = arith.addi %add3A_223, %scan3A_127 : i32
        %mul3A_225 = arith.constant 128 : i32
        %mul3A_226 = arith.muli %add3A_224, %mul3A_225 : i32
        %add3A_227 = arith.constant 0 : i32
        %add3A_228 = arith.addi %mul3A_226, %add3A_227 : i32
        %swap3A_229 = arith.index_cast %add3A_228 : i32 to index
        %swap3A_230 = tpu.vector_load %arg18[%swap3A_229] {strides = array<i32>} : memref<19968xf32, #tpu.memory_space<vmem>>, vector<16xf32>,
        %swap3A_231 = vector.shape_cast %swap3A_230 : vector<16xf32> to vector<16xf32>
        %swap3A_232 = vector.shape_cast %add3A_222 : vector<16xf32> to vector<16xf32>
        tpu.vector_store %arg18[%swap3A_229], %swap3A_232 {strides = array<i32>} : memref<19968xf32, #tpu.memory_space<vmem>>, vector<16xf32>,
        %get3A_233 = arith.index_cast %scan3A_127 : i32 to index
        %get3A_234 = arith.constant 16 : index
        %get3A_235 = tpu.vector_load %arg13[%get3A_233, %get3A_234] {strides = array<i32>} : memref<13x128xf32, #tpu.memory_space<vmem>>, vector<1x16xf32>,
        %get3A_236 = vector.shape_cast %get3A_235 : vector<1x16xf32> to vector<16xf32>
        %get3A_237 = arith.index_cast %scan3A_127 : i32 to index
        %get3A_238 = arith.constant 16 : index
        %get3A_239 = tpu.vector_load %arg14[%get3A_237, %get3A_238] {strides = array<i32>} : memref<39x128xf32, #tpu.memory_space<vmem>>, vector<1x16xf32>,
        %get3A_240 = vector.shape_cast %get3A_239 : vector<1x16xf32> to vector<16xf32>
        %mul3A_241 = vector.broadcast %squeeze3A : f32 to vector<16xf32>
        %mul3A_242 = arith.mulf %mul3A_241, %get3A_236 : vector<16xf32>
        %add3A_243 = arith.addf %mul3A_242, %get3A_240 : vector<16xf32>
        %add3A_244 = arith.constant 0 : i32
        %add3A_245 = arith.addi %add3A_244, %scan3A_127 : i32
        %mul3A_246 = arith.constant 128 : i32
        %mul3A_247 = arith.muli %add3A_245, %mul3A_246 : i32
        %add3A_248 = arith.constant 16 : i32
        %add3A_249 = arith.addi %mul3A_247, %add3A_248 : i32
        %swap3A_250 = arith.index_cast %add3A_249 : i32 to index
        %swap3A_251 = tpu.vector_load %arg18[%swap3A_250] {strides = array<i32>} : memref<19968xf32, #tpu.memory_space<vmem>>, vector<16xf32>,
        %swap3A_252 = vector.shape_cast %swap3A_251 : vector<16xf32> to vector<16xf32>
        %swap3A_253 = vector.shape_cast %add3A_243 : vector<16xf32> to vector<16xf32>
        tpu.vector_store %arg18[%swap3A_250], %swap3A_253 {strides = array<i32>} : memref<19968xf32, #tpu.memory_space<vmem>>, vector<16xf32>,
        %mul3A_254 = vector.broadcast %squeeze3A_149 : f32 to vector<16xf32>
        %mul3A_255 = arith.mulf %mul3A_254, %get3A_236 : vector<16xf32>
        %add3A_256 = arith.addf %mul3A_255, %get3A_240 : vector<16xf32>
        %add3A_257 = arith.constant 39 : i32
        %add3A_258 = arith.addi %add3A_257, %scan3A_127 : i32
        %mul3A_259 = arith.constant 128 : i32
        %mul3A_260 = arith.muli %add3A_258, %mul3A_259 : i32
        %add3A_261 = arith.constant 16 : i32
        %add3A_262 = arith.addi %mul3A_260, %add3A_261 : i32
        %swap3A_263 = arith.index_cast %add3A_262 : i32 to index
        %swap3A_264 = tpu.vector_load %arg18[%swap3A_263] {strides = array<i32>} : memref<19968xf32, #tpu.memory_space<vmem>>, vector<16xf32>,
        %swap3A_265 = vector.shape_cast %swap3A_264 : vector<16xf32> to vector<16xf32>
        %swap3A_266 = vector.shape_cast %add3A_256 : vector<16xf32> to vector<16xf32>
        tpu.vector_store %arg18[%swap3A_263], %swap3A_266 {strides = array<i32>} : memref<19968xf32, #tpu.memory_space<vmem>>, vector<16xf32>,
        %mul3A_267 = vector.broadcast %squeeze3A_161 : f32 to vector<16xf32>
        %mul3A_268 = arith.mulf %mul3A_267, %get3A_236 : vector<16xf32>
        %add3A_269 = arith.addf %mul3A_268, %get3A_240 : vector<16xf32>
        %add3A_270 = arith.constant 78 : i32
        %add3A_271 = arith.addi %add3A_270, %scan3A_127 : i32
        %mul3A_272 = arith.constant 128 : i32
        %mul3A_273 = arith.muli %add3A_271, %mul3A_272 : i32
        %add3A_274 = arith.constant 16 : i32
        %add3A_275 = arith.addi %mul3A_273, %add3A_274 : i32
        %swap3A_276 = arith.index_cast %add3A_275 : i32 to index
        %swap3A_277 = tpu.vector_load %arg18[%swap3A_276] {strides = array<i32>} : memref<19968xf32, #tpu.memory_space<vmem>>, vector<16xf32>,
        %swap3A_278 = vector.shape_cast %swap3A_277 : vector<16xf32> to vector<16xf32>
        %swap3A_279 = vector.shape_cast %add3A_269 : vector<16xf32> to vector<16xf32>
        tpu.vector_store %arg18[%swap3A_276], %swap3A_279 {strides = array<i32>} : memref<19968xf32, #tpu.memory_space<vmem>>, vector<16xf32>,
        %mul3A_280 = vector.broadcast %squeeze3A_173 : f32 to vector<16xf32>
        %mul3A_281 = arith.mulf %mul3A_280, %get3A_236 : vector<16xf32>
        %add3A_282 = arith.addf %mul3A_281, %get3A_240 : vector<16xf32>
        %add3A_283 = arith.constant 117 : i32
        %add3A_284 = arith.addi %add3A_283, %scan3A_127 : i32
        %mul3A_285 = arith.constant 128 : i32
        %mul3A_286 = arith.muli %add3A_284, %mul3A_285 : i32
        %add3A_287 = arith.constant 16 : i32
        %add3A_288 = arith.addi %mul3A_286, %add3A_287 : i32
        %swap3A_289 = arith.index_cast %add3A_288 : i32 to index
        %swap3A_290 = tpu.vector_load %arg18[%swap3A_289] {strides = array<i32>} : memref<19968xf32, #tpu.memory_space<vmem>>, vector<16xf32>,
        %swap3A_291 = vector.shape_cast %swap3A_290 : vector<16xf32> to vector<16xf32>
        %swap3A_292 = vector.shape_cast %add3A_282 : vector<16xf32> to vector<16xf32>
        tpu.vector_store %arg18[%swap3A_289], %swap3A_292 {strides = array<i32>} : memref<19968xf32, #tpu.memory_space<vmem>>, vector<16xf32>,
        %get3A_293 = arith.index_cast %scan3A_127 : i32 to index
        %get3A_294 = arith.constant 32 : index
        %get3A_295 = tpu.vector_load %arg13[%get3A_293, %get3A_294] {strides = array<i32>} : memref<13x128xf32, #tpu.memory_space<vmem>>, vector<1x16xf32>,
        %get3A_296 = vector.shape_cast %get3A_295 : vector<1x16xf32> to vector<16xf32>
        %get3A_297 = arith.index_cast %scan3A_127 : i32 to index
        %get3A_298 = arith.constant 32 : index
        %get3A_299 = tpu.vector_load %arg14[%get3A_297, %get3A_298] {strides = array<i32>} : memref<39x128xf32, #tpu.memory_space<vmem>>, vector<1x16xf32>,
        %get3A_300 = vector.shape_cast %get3A_299 : vector<1x16xf32> to vector<16xf32>
        %mul3A_301 = vector.broadcast %squeeze3A : f32 to vector<16xf32>
        %mul3A_302 = arith.mulf %mul3A_301, %get3A_296 : vector<16xf32>
        %add3A_303 = arith.addf %mul3A_302, %get3A_300 : vector<16xf32>
        %add3A_304 = arith.constant 0 : i32
        %add3A_305 = arith.addi %add3A_304, %scan3A_127 : i32
        %mul3A_306 = arith.constant 128 : i32
        %mul3A_307 = arith.muli %add3A_305, %mul3A_306 : i32
        %add3A_308 = arith.constant 32 : i32
        %add3A_309 = arith.addi %mul3A_307, %add3A_308 : i32
        %swap3A_310 = arith.index_cast %add3A_309 : i32 to index
        %swap3A_311 = tpu.vector_load %arg18[%swap3A_310] {strides = array<i32>} : memref<19968xf32, #tpu.memory_space<vmem>>, vector<16xf32>,
        %swap3A_312 = vector.shape_cast %swap3A_311 : vector<16xf32> to vector<16xf32>
        %swap3A_313 = vector.shape_cast %add3A_303 : vector<16xf32> to vector<16xf32>
        tpu.vector_store %arg18[%swap3A_310], %swap3A_313 {strides = array<i32>} : memref<19968xf32, #tpu.memory_space<vmem>>, vector<16xf32>,
        %mul3A_314 = vector.broadcast %squeeze3A_149 : f32 to vector<16xf32>
        %mul3A_315 = arith.mulf %mul3A_314, %get3A_296 : vector<16xf32>
        %add3A_316 = arith.addf %mul3A_315, %get3A_300 : vector<16xf32>
        %add3A_317 = arith.constant 39 : i32
        %add3A_318 = arith.addi %add3A_317, %scan3A_127 : i32
        %mul3A_319 = arith.constant 128 : i32
        %mul3A_320 = arith.muli %add3A_318, %mul3A_319 : i32
        %add3A_321 = arith.constant 32 : i32
        %add3A_322 = arith.addi %mul3A_320, %add3A_321 : i32
        %swap3A_323 = arith.index_cast %add3A_322 : i32 to index
        %swap3A_324 = tpu.vector_load %arg18[%swap3A_323] {strides = array<i32>} : memref<19968xf32, #tpu.memory_space<vmem>>, vector<16xf32>,
        %swap3A_325 = vector.shape_cast %swap3A_324 : vector<16xf32> to vector<16xf32>
        %swap3A_326 = vector.shape_cast %add3A_316 : vector<16xf32> to vector<16xf32>
        tpu.vector_store %arg18[%swap3A_323], %swap3A_326 {strides = array<i32>} : memref<19968xf32, #tpu.memory_space<vmem>>, vector<16xf32>,
        %mul3A_327 = vector.broadcast %squeeze3A_161 : f32 to vector<16xf32>
        %mul3A_328 = arith.mulf %mul3A_327, %get3A_296 : vector<16xf32>
        %add3A_329 = arith.addf %mul3A_328, %get3A_300 : vector<16xf32>
        %add3A_330 = arith.constant 78 : i32
        %add3A_331 = arith.addi %add3A_330, %scan3A_127 : i32
        %mul3A_332 = arith.constant 128 : i32
        %mul3A_333 = arith.muli %add3A_331, %mul3A_332 : i32
        %add3A_334 = arith.constant 32 : i32
        %add3A_335 = arith.addi %mul3A_333, %add3A_334 : i32
        %swap3A_336 = arith.index_cast %add3A_335 : i32 to index
        %swap3A_337 = tpu.vector_load %arg18[%swap3A_336] {strides = array<i32>} : memref<19968xf32, #tpu.memory_space<vmem>>, vector<16xf32>,
        %swap3A_338 = vector.shape_cast %swap3A_337 : vector<16xf32> to vector<16xf32>
        %swap3A_339 = vector.shape_cast %add3A_329 : vector<16xf32> to vector<16xf32>
        tpu.vector_store %arg18[%swap3A_336], %swap3A_339 {strides = array<i32>} : memref<19968xf32, #tpu.memory_space<vmem>>, vector<16xf32>,
        %mul3A_340 = vector.broadcast %squeeze3A_173 : f32 to vector<16xf32>
        %mul3A_341 = arith.mulf %mul3A_340, %get3A_296 : vector<16xf32>
        %add3A_342 = arith.addf %mul3A_341, %get3A_300 : vector<16xf32>
        %add3A_343 = arith.constant 117 : i32
        %add3A_344 = arith.addi %add3A_343, %scan3A_127 : i32
        %mul3A_345 = arith.constant 128 : i32
        %mul3A_346 = arith.muli %add3A_344, %mul3A_345 : i32
        %add3A_347 = arith.constant 32 : i32
        %add3A_348 = arith.addi %mul3A_346, %add3A_347 : i32
        %swap3A_349 = arith.index_cast %add3A_348 : i32 to index
        %swap3A_350 = tpu.vector_load %arg18[%swap3A_349] {strides = array<i32>} : memref<19968xf32, #tpu.memory_space<vmem>>, vector<16xf32>,
        %swap3A_351 = vector.shape_cast %swap3A_350 : vector<16xf32> to vector<16xf32>
        %swap3A_352 = vector.shape_cast %add3A_342 : vector<16xf32> to vector<16xf32>
        tpu.vector_store %arg18[%swap3A_349], %swap3A_352 {strides = array<i32>} : memref<19968xf32, #tpu.memory_space<vmem>>, vector<16xf32>,
        %get3A_353 = arith.index_cast %scan3A_127 : i32 to index
        %get3A_354 = arith.constant 48 : index
        %get3A_355 = tpu.vector_load %arg13[%get3A_353, %get3A_354] {strides = array<i32>} : memref<13x128xf32, #tpu.memory_space<vmem>>, vector<1x16xf32>,
        %get3A_356 = vector.shape_cast %get3A_355 : vector<1x16xf32> to vector<16xf32>
        %get3A_357 = arith.index_cast %scan3A_127 : i32 to index
        %get3A_358 = arith.constant 48 : index
        %get3A_359 = tpu.vector_load %arg14[%get3A_357, %get3A_358] {strides = array<i32>} : memref<39x128xf32, #tpu.memory_space<vmem>>, vector<1x16xf32>,
        %get3A_360 = vector.shape_cast %get3A_359 : vector<1x16xf32> to vector<16xf32>
        %mul3A_361 = vector.broadcast %squeeze3A : f32 to vector<16xf32>
        %mul3A_362 = arith.mulf %mul3A_361, %get3A_356 : vector<16xf32>
        %add3A_363 = arith.addf %mul3A_362, %get3A_360 : vector<16xf32>
        %add3A_364 = arith.constant 0 : i32
        %add3A_365 = arith.addi %add3A_364, %scan3A_127 : i32
        %mul3A_366 = arith.constant 128 : i32
        %mul3A_367 = arith.muli %add3A_365, %mul3A_366 : i32
        %add3A_368 = arith.constant 48 : i32
        %add3A_369 = arith.addi %mul3A_367, %add3A_368 : i32
        %swap3A_370 = arith.index_cast %add3A_369 : i32 to index
        %swap3A_371 = tpu.vector_load %arg18[%swap3A_370] {strides = array<i32>} : memref<19968xf32, #tpu.memory_space<vmem>>, vector<16xf32>,
        %swap3A_372 = vector.shape_cast %swap3A_371 : vector<16xf32> to vector<16xf32>
        %swap3A_373 = vector.shape_cast %add3A_363 : vector<16xf32> to vector<16xf32>
        tpu.vector_store %arg18[%swap3A_370], %swap3A_373 {strides = array<i32>} : memref<19968xf32, #tpu.memory_space<vmem>>, vector<16xf32>,
        %mul3A_374 = vector.broadcast %squeeze3A_149 : f32 to vector<16xf32>
        %mul3A_375 = arith.mulf %mul3A_374, %get3A_356 : vector<16xf32>
        %add3A_376 = arith.addf %mul3A_375, %get3A_360 : vector<16xf32>
        %add3A_377 = arith.constant 39 : i32
        %add3A_378 = arith.addi %add3A_377, %scan3A_127 : i32
        %mul3A_379 = arith.constant 128 : i32
        %mul3A_380 = arith.muli %add3A_378, %mul3A_379 : i32
        %add3A_381 = arith.constant 48 : i32
        %add3A_382 = arith.addi %mul3A_380, %add3A_381 : i32
        %swap3A_383 = arith.index_cast %add3A_382 : i32 to index
        %swap3A_384 = tpu.vector_load %arg18[%swap3A_383] {strides = array<i32>} : memref<19968xf32, #tpu.memory_space<vmem>>, vector<16xf32>,
        %swap3A_385 = vector.shape_cast %swap3A_384 : vector<16xf32> to vector<16xf32>
        %swap3A_386 = vector.shape_cast %add3A_376 : vector<16xf32> to vector<16xf32>
        tpu.vector_store %arg18[%swap3A_383], %swap3A_386 {strides = array<i32>} : memref<19968xf32, #tpu.memory_space<vmem>>, vector<16xf32>,
        %mul3A_387 = vector.broadcast %squeeze3A_161 : f32 to vector<16xf32>
        %mul3A_388 = arith.mulf %mul3A_387, %get3A_356 : vector<16xf32>
        %add3A_389 = arith.addf %mul3A_388, %get3A_360 : vector<16xf32>
        %add3A_390 = arith.constant 78 : i32
        %add3A_391 = arith.addi %add3A_390, %scan3A_127 : i32
        %mul3A_392 = arith.constant 128 : i32
        %mul3A_393 = arith.muli %add3A_391, %mul3A_392 : i32
        %add3A_394 = arith.constant 48 : i32
        %add3A_395 = arith.addi %mul3A_393, %add3A_394 : i32
        %swap3A_396 = arith.index_cast %add3A_395 : i32 to index
        %swap3A_397 = tpu.vector_load %arg18[%swap3A_396] {strides = array<i32>} : memref<19968xf32, #tpu.memory_space<vmem>>, vector<16xf32>,
        %swap3A_398 = vector.shape_cast %swap3A_397 : vector<16xf32> to vector<16xf32>
        %swap3A_399 = vector.shape_cast %add3A_389 : vector<16xf32> to vector<16xf32>
        tpu.vector_store %arg18[%swap3A_396], %swap3A_399 {strides = array<i32>} : memref<19968xf32, #tpu.memory_space<vmem>>, vector<16xf32>,
        %mul3A_400 = vector.broadcast %squeeze3A_173 : f32 to vector<16xf32>
        %mul3A_401 = arith.mulf %mul3A_400, %get3A_356 : vector<16xf32>
        %add3A_402 = arith.addf %mul3A_401, %get3A_360 : vector<16xf32>
        %add3A_403 = arith.constant 117 : i32
        %add3A_404 = arith.addi %add3A_403, %scan3A_127 : i32
        %mul3A_405 = arith.constant 128 : i32
        %mul3A_406 = arith.muli %add3A_404, %mul3A_405 : i32
        %add3A_407 = arith.constant 48 : i32
        %add3A_408 = arith.addi %mul3A_406, %add3A_407 : i32
        %swap3A_409 = arith.index_cast %add3A_408 : i32 to index
        %swap3A_410 = tpu.vector_load %arg18[%swap3A_409] {strides = array<i32>} : memref<19968xf32, #tpu.memory_space<vmem>>, vector<16xf32>,
        %swap3A_411 = vector.shape_cast %swap3A_410 : vector<16xf32> to vector<16xf32>
        %swap3A_412 = vector.shape_cast %add3A_402 : vector<16xf32> to vector<16xf32>
        tpu.vector_store %arg18[%swap3A_409], %swap3A_412 {strides = array<i32>} : memref<19968xf32, #tpu.memory_space<vmem>>, vector<16xf32>,
        %get3A_413 = arith.index_cast %scan3A_127 : i32 to index
        %get3A_414 = arith.constant 64 : index
        %get3A_415 = tpu.vector_load %arg13[%get3A_413, %get3A_414] {strides = array<i32>} : memref<13x128xf32, #tpu.memory_space<vmem>>, vector<1x16xf32>,
        %get3A_416 = vector.shape_cast %get3A_415 : vector<1x16xf32> to vector<16xf32>
        %get3A_417 = arith.index_cast %scan3A_127 : i32 to index
        %get3A_418 = arith.constant 64 : index
        %get3A_419 = tpu.vector_load %arg14[%get3A_417, %get3A_418] {strides = array<i32>} : memref<39x128xf32, #tpu.memory_space<vmem>>, vector<1x16xf32>,
        %get3A_420 = vector.shape_cast %get3A_419 : vector<1x16xf32> to vector<16xf32>
        %mul3A_421 = vector.broadcast %squeeze3A : f32 to vector<16xf32>
        %mul3A_422 = arith.mulf %mul3A_421, %get3A_416 : vector<16xf32>
        %add3A_423 = arith.addf %mul3A_422, %get3A_420 : vector<16xf32>
        %add3A_424 = arith.constant 0 : i32
        %add3A_425 = arith.addi %add3A_424, %scan3A_127 : i32
        %mul3A_426 = arith.constant 128 : i32
        %mul3A_427 = arith.muli %add3A_425, %mul3A_426 : i32
        %add3A_428 = arith.constant 64 : i32
        %add3A_429 = arith.addi %mul3A_427, %add3A_428 : i32
        %swap3A_430 = arith.index_cast %add3A_429 : i32 to index
        %swap3A_431 = tpu.vector_load %arg18[%swap3A_430] {strides = array<i32>} : memref<19968xf32, #tpu.memory_space<vmem>>, vector<16xf32>,
        %swap3A_432 = vector.shape_cast %swap3A_431 : vector<16xf32> to vector<16xf32>
        %swap3A_433 = vector.shape_cast %add3A_423 : vector<16xf32> to vector<16xf32>
        tpu.vector_store %arg18[%swap3A_430], %swap3A_433 {strides = array<i32>} : memref<19968xf32, #tpu.memory_space<vmem>>, vector<16xf32>,
        %mul3A_434 = vector.broadcast %squeeze3A_149 : f32 to vector<16xf32>
        %mul3A_435 = arith.mulf %mul3A_434, %get3A_416 : vector<16xf32>
        %add3A_436 = arith.addf %mul3A_435, %get3A_420 : vector<16xf32>
        %add3A_437 = arith.constant 39 : i32
        %add3A_438 = arith.addi %add3A_437, %scan3A_127 : i32
        %mul3A_439 = arith.constant 128 : i32
        %mul3A_440 = arith.muli %add3A_438, %mul3A_439 : i32
        %add3A_441 = arith.constant 64 : i32
        %add3A_442 = arith.addi %mul3A_440, %add3A_441 : i32
        %swap3A_443 = arith.index_cast %add3A_442 : i32 to index
        %swap3A_444 = tpu.vector_load %arg18[%swap3A_443] {strides = array<i32>} : memref<19968xf32, #tpu.memory_space<vmem>>, vector<16xf32>,
        %swap3A_445 = vector.shape_cast %swap3A_444 : vector<16xf32> to vector<16xf32>
        %swap3A_446 = vector.shape_cast %add3A_436 : vector<16xf32> to vector<16xf32>
        tpu.vector_store %arg18[%swap3A_443], %swap3A_446 {strides = array<i32>} : memref<19968xf32, #tpu.memory_space<vmem>>, vector<16xf32>,
        %mul3A_447 = vector.broadcast %squeeze3A_161 : f32 to vector<16xf32>
        %mul3A_448 = arith.mulf %mul3A_447, %get3A_416 : vector<16xf32>
        %add3A_449 = arith.addf %mul3A_448, %get3A_420 : vector<16xf32>
        %add3A_450 = arith.constant 78 : i32
        %add3A_451 = arith.addi %add3A_450, %scan3A_127 : i32
        %mul3A_452 = arith.constant 128 : i32
        %mul3A_453 = arith.muli %add3A_451, %mul3A_452 : i32
        %add3A_454 = arith.constant 64 : i32
        %add3A_455 = arith.addi %mul3A_453, %add3A_454 : i32
        %swap3A_456 = arith.index_cast %add3A_455 : i32 to index
        %swap3A_457 = tpu.vector_load %arg18[%swap3A_456] {strides = array<i32>} : memref<19968xf32, #tpu.memory_space<vmem>>, vector<16xf32>,
        %swap3A_458 = vector.shape_cast %swap3A_457 : vector<16xf32> to vector<16xf32>
        %swap3A_459 = vector.shape_cast %add3A_449 : vector<16xf32> to vector<16xf32>
        tpu.vector_store %arg18[%swap3A_456], %swap3A_459 {strides = array<i32>} : memref<19968xf32, #tpu.memory_space<vmem>>, vector<16xf32>,
        %mul3A_460 = vector.broadcast %squeeze3A_173 : f32 to vector<16xf32>
        %mul3A_461 = arith.mulf %mul3A_460, %get3A_416 : vector<16xf32>
        %add3A_462 = arith.addf %mul3A_461, %get3A_420 : vector<16xf32>
        %add3A_463 = arith.constant 117 : i32
        %add3A_464 = arith.addi %add3A_463, %scan3A_127 : i32
        %mul3A_465 = arith.constant 128 : i32
        %mul3A_466 = arith.muli %add3A_464, %mul3A_465 : i32
        %add3A_467 = arith.constant 64 : i32
        %add3A_468 = arith.addi %mul3A_466, %add3A_467 : i32
        %swap3A_469 = arith.index_cast %add3A_468 : i32 to index
        %swap3A_470 = tpu.vector_load %arg18[%swap3A_469] {strides = array<i32>} : memref<19968xf32, #tpu.memory_space<vmem>>, vector<16xf32>,
        %swap3A_471 = vector.shape_cast %swap3A_470 : vector<16xf32> to vector<16xf32>
        %swap3A_472 = vector.shape_cast %add3A_462 : vector<16xf32> to vector<16xf32>
        tpu.vector_store %arg18[%swap3A_469], %swap3A_472 {strides = array<i32>} : memref<19968xf32, #tpu.memory_space<vmem>>, vector<16xf32>,
        %get3A_473 = arith.index_cast %scan3A_127 : i32 to index
        %get3A_474 = arith.constant 80 : index
        %get3A_475 = tpu.vector_load %arg13[%get3A_473, %get3A_474] {strides = array<i32>} : memref<13x128xf32, #tpu.memory_space<vmem>>, vector<1x16xf32>,
        %get3A_476 = vector.shape_cast %get3A_475 : vector<1x16xf32> to vector<16xf32>
        %get3A_477 = arith.index_cast %scan3A_127 : i32 to index
        %get3A_478 = arith.constant 80 : index
        %get3A_479 = tpu.vector_load %arg14[%get3A_477, %get3A_478] {strides = array<i32>} : memref<39x128xf32, #tpu.memory_space<vmem>>, vector<1x16xf32>,
        %get3A_480 = vector.shape_cast %get3A_479 : vector<1x16xf32> to vector<16xf32>
        %mul3A_481 = vector.broadcast %squeeze3A : f32 to vector<16xf32>
        %mul3A_482 = arith.mulf %mul3A_481, %get3A_476 : vector<16xf32>
        %add3A_483 = arith.addf %mul3A_482, %get3A_480 : vector<16xf32>
        %add3A_484 = arith.constant 0 : i32
        %add3A_485 = arith.addi %add3A_484, %scan3A_127 : i32
        %mul3A_486 = arith.constant 128 : i32
        %mul3A_487 = arith.muli %add3A_485, %mul3A_486 : i32
        %add3A_488 = arith.constant 80 : i32
        %add3A_489 = arith.addi %mul3A_487, %add3A_488 : i32
        %swap3A_490 = arith.index_cast %add3A_489 : i32 to index
        %swap3A_491 = tpu.vector_load %arg18[%swap3A_490] {strides = array<i32>} : memref<19968xf32, #tpu.memory_space<vmem>>, vector<16xf32>,
        %swap3A_492 = vector.shape_cast %swap3A_491 : vector<16xf32> to vector<16xf32>
        %swap3A_493 = vector.shape_cast %add3A_483 : vector<16xf32> to vector<16xf32>
        tpu.vector_store %arg18[%swap3A_490], %swap3A_493 {strides = array<i32>} : memref<19968xf32, #tpu.memory_space<vmem>>, vector<16xf32>,
        %mul3A_494 = vector.broadcast %squeeze3A_149 : f32 to vector<16xf32>
        %mul3A_495 = arith.mulf %mul3A_494, %get3A_476 : vector<16xf32>
        %add3A_496 = arith.addf %mul3A_495, %get3A_480 : vector<16xf32>
        %add3A_497 = arith.constant 39 : i32
        %add3A_498 = arith.addi %add3A_497, %scan3A_127 : i32
        %mul3A_499 = arith.constant 128 : i32
        %mul3A_500 = arith.muli %add3A_498, %mul3A_499 : i32
        %add3A_501 = arith.constant 80 : i32
        %add3A_502 = arith.addi %mul3A_500, %add3A_501 : i32
        %swap3A_503 = arith.index_cast %add3A_502 : i32 to index
        %swap3A_504 = tpu.vector_load %arg18[%swap3A_503] {strides = array<i32>} : memref<19968xf32, #tpu.memory_space<vmem>>, vector<16xf32>,
        %swap3A_505 = vector.shape_cast %swap3A_504 : vector<16xf32> to vector<16xf32>
        %swap3A_506 = vector.shape_cast %add3A_496 : vector<16xf32> to vector<16xf32>
        tpu.vector_store %arg18[%swap3A_503], %swap3A_506 {strides = array<i32>} : memref<19968xf32, #tpu.memory_space<vmem>>, vector<16xf32>,
        %mul3A_507 = vector.broadcast %squeeze3A_161 : f32 to vector<16xf32>
        %mul3A_508 = arith.mulf %mul3A_507, %get3A_476 : vector<16xf32>
        %add3A_509 = arith.addf %mul3A_508, %get3A_480 : vector<16xf32>
        %add3A_510 = arith.constant 78 : i32
        %add3A_511 = arith.addi %add3A_510, %scan3A_127 : i32
        %mul3A_512 = arith.constant 128 : i32
        %mul3A_513 = arith.muli %add3A_511, %mul3A_512 : i32
        %add3A_514 = arith.constant 80 : i32
        %add3A_515 = arith.addi %mul3A_513, %add3A_514 : i32
        %swap3A_516 = arith.index_cast %add3A_515 : i32 to index
        %swap3A_517 = tpu.vector_load %arg18[%swap3A_516] {strides = array<i32>} : memref<19968xf32, #tpu.memory_space<vmem>>, vector<16xf32>,
        %swap3A_518 = vector.shape_cast %swap3A_517 : vector<16xf32> to vector<16xf32>
        %swap3A_519 = vector.shape_cast %add3A_509 : vector<16xf32> to vector<16xf32>
        tpu.vector_store %arg18[%swap3A_516], %swap3A_519 {strides = array<i32>} : memref<19968xf32, #tpu.memory_space<vmem>>, vector<16xf32>,
        %mul3A_520 = vector.broadcast %squeeze3A_173 : f32 to vector<16xf32>
        %mul3A_521 = arith.mulf %mul3A_520, %get3A_476 : vector<16xf32>
        %add3A_522 = arith.addf %mul3A_521, %get3A_480 : vector<16xf32>
        %add3A_523 = arith.constant 117 : i32
        %add3A_524 = arith.addi %add3A_523, %scan3A_127 : i32
        %mul3A_525 = arith.constant 128 : i32
        %mul3A_526 = arith.muli %add3A_524, %mul3A_525 : i32
        %add3A_527 = arith.constant 80 : i32
        %add3A_528 = arith.addi %mul3A_526, %add3A_527 : i32
        %swap3A_529 = arith.index_cast %add3A_528 : i32 to index
        %swap3A_530 = tpu.vector_load %arg18[%swap3A_529] {strides = array<i32>} : memref<19968xf32, #tpu.memory_space<vmem>>, vector<16xf32>,
        %swap3A_531 = vector.shape_cast %swap3A_530 : vector<16xf32> to vector<16xf32>
        %swap3A_532 = vector.shape_cast %add3A_522 : vector<16xf32> to vector<16xf32>
        tpu.vector_store %arg18[%swap3A_529], %swap3A_532 {strides = array<i32>} : memref<19968xf32, #tpu.memory_space<vmem>>, vector<16xf32>,
        %get3A_533 = arith.index_cast %scan3A_127 : i32 to index
        %get3A_534 = arith.constant 96 : index
        %get3A_535 = tpu.vector_load %arg13[%get3A_533, %get3A_534] {strides = array<i32>} : memref<13x128xf32, #tpu.memory_space<vmem>>, vector<1x16xf32>,
        %get3A_536 = vector.shape_cast %get3A_535 : vector<1x16xf32> to vector<16xf32>
        %get3A_537 = arith.index_cast %scan3A_127 : i32 to index
        %get3A_538 = arith.constant 96 : index
        %get3A_539 = tpu.vector_load %arg14[%get3A_537, %get3A_538] {strides = array<i32>} : memref<39x128xf32, #tpu.memory_space<vmem>>, vector<1x16xf32>,
        %get3A_540 = vector.shape_cast %get3A_539 : vector<1x16xf32> to vector<16xf32>
        %mul3A_541 = vector.broadcast %squeeze3A : f32 to vector<16xf32>
        %mul3A_542 = arith.mulf %mul3A_541, %get3A_536 : vector<16xf32>
        %add3A_543 = arith.addf %mul3A_542, %get3A_540 : vector<16xf32>
        %add3A_544 = arith.constant 0 : i32
        %add3A_545 = arith.addi %add3A_544, %scan3A_127 : i32
        %mul3A_546 = arith.constant 128 : i32
        %mul3A_547 = arith.muli %add3A_545, %mul3A_546 : i32
        %add3A_548 = arith.constant 96 : i32
        %add3A_549 = arith.addi %mul3A_547, %add3A_548 : i32
        %swap3A_550 = arith.index_cast %add3A_549 : i32 to index
        %swap3A_551 = tpu.vector_load %arg18[%swap3A_550] {strides = array<i32>} : memref<19968xf32, #tpu.memory_space<vmem>>, vector<16xf32>,
        %swap3A_552 = vector.shape_cast %swap3A_551 : vector<16xf32> to vector<16xf32>
        %swap3A_553 = vector.shape_cast %add3A_543 : vector<16xf32> to vector<16xf32>
        tpu.vector_store %arg18[%swap3A_550], %swap3A_553 {strides = array<i32>} : memref<19968xf32, #tpu.memory_space<vmem>>, vector<16xf32>,
        %mul3A_554 = vector.broadcast %squeeze3A_149 : f32 to vector<16xf32>
        %mul3A_555 = arith.mulf %mul3A_554, %get3A_536 : vector<16xf32>
        %add3A_556 = arith.addf %mul3A_555, %get3A_540 : vector<16xf32>
        %add3A_557 = arith.constant 39 : i32
        %add3A_558 = arith.addi %add3A_557, %scan3A_127 : i32
        %mul3A_559 = arith.constant 128 : i32
        %mul3A_560 = arith.muli %add3A_558, %mul3A_559 : i32
        %add3A_561 = arith.constant 96 : i32
        %add3A_562 = arith.addi %mul3A_560, %add3A_561 : i32
        %swap3A_563 = arith.index_cast %add3A_562 : i32 to index
        %swap3A_564 = tpu.vector_load %arg18[%swap3A_563] {strides = array<i32>} : memref<19968xf32, #tpu.memory_space<vmem>>, vector<16xf32>,
        %swap3A_565 = vector.shape_cast %swap3A_564 : vector<16xf32> to vector<16xf32>
        %swap3A_566 = vector.shape_cast %add3A_556 : vector<16xf32> to vector<16xf32>
        tpu.vector_store %arg18[%swap3A_563], %swap3A_566 {strides = array<i32>} : memref<19968xf32, #tpu.memory_space<vmem>>, vector<16xf32>,
        %mul3A_567 = vector.broadcast %squeeze3A_161 : f32 to vector<16xf32>
        %mul3A_568 = arith.mulf %mul3A_567, %get3A_536 : vector<16xf32>
        %add3A_569 = arith.addf %mul3A_568, %get3A_540 : vector<16xf32>
        %add3A_570 = arith.constant 78 : i32
        %add3A_571 = arith.addi %add3A_570, %scan3A_127 : i32
        %mul3A_572 = arith.constant 128 : i32
        %mul3A_573 = arith.muli %add3A_571, %mul3A_572 : i32
        %add3A_574 = arith.constant 96 : i32
        %add3A_575 = arith.addi %mul3A_573, %add3A_574 : i32
        %swap3A_576 = arith.index_cast %add3A_575 : i32 to index
        %swap3A_577 = tpu.vector_load %arg18[%swap3A_576] {strides = array<i32>} : memref<19968xf32, #tpu.memory_space<vmem>>, vector<16xf32>,
        %swap3A_578 = vector.shape_cast %swap3A_577 : vector<16xf32> to vector<16xf32>
        %swap3A_579 = vector.shape_cast %add3A_569 : vector<16xf32> to vector<16xf32>
        tpu.vector_store %arg18[%swap3A_576], %swap3A_579 {strides = array<i32>} : memref<19968xf32, #tpu.memory_space<vmem>>, vector<16xf32>,
        %mul3A_580 = vector.broadcast %squeeze3A_173 : f32 to vector<16xf32>
        %mul3A_581 = arith.mulf %mul3A_580, %get3A_536 : vector<16xf32>
        %add3A_582 = arith.addf %mul3A_581, %get3A_540 : vector<16xf32>
        %add3A_583 = arith.constant 117 : i32
        %add3A_584 = arith.addi %add3A_583, %scan3A_127 : i32
        %mul3A_585 = arith.constant 128 : i32
        %mul3A_586 = arith.muli %add3A_584, %mul3A_585 : i32
        %add3A_587 = arith.constant 96 : i32
        %add3A_588 = arith.addi %mul3A_586, %add3A_587 : i32
        %swap3A_589 = arith.index_cast %add3A_588 : i32 to index
        %swap3A_590 = tpu.vector_load %arg18[%swap3A_589] {strides = array<i32>} : memref<19968xf32, #tpu.memory_space<vmem>>, vector<16xf32>,
        %swap3A_591 = vector.shape_cast %swap3A_590 : vector<16xf32> to vector<16xf32>
        %swap3A_592 = vector.shape_cast %add3A_582 : vector<16xf32> to vector<16xf32>
        tpu.vector_store %arg18[%swap3A_589], %swap3A_592 {strides = array<i32>} : memref<19968xf32, #tpu.memory_space<vmem>>, vector<16xf32>,
        %get3A_593 = arith.index_cast %scan3A_127 : i32 to index
        %get3A_594 = arith.constant 112 : index
        %get3A_595 = tpu.vector_load %arg13[%get3A_593, %get3A_594] {strides = array<i32>} : memref<13x128xf32, #tpu.memory_space<vmem>>, vector<1x16xf32>,
        %get3A_596 = vector.shape_cast %get3A_595 : vector<1x16xf32> to vector<16xf32>
        %get3A_597 = arith.index_cast %scan3A_127 : i32 to index
        %get3A_598 = arith.constant 112 : index
        %get3A_599 = tpu.vector_load %arg14[%get3A_597, %get3A_598] {strides = array<i32>} : memref<39x128xf32, #tpu.memory_space<vmem>>, vector<1x16xf32>,
        %get3A_600 = vector.shape_cast %get3A_599 : vector<1x16xf32> to vector<16xf32>
        %mul3A_601 = vector.broadcast %squeeze3A : f32 to vector<16xf32>
        %mul3A_602 = arith.mulf %mul3A_601, %get3A_596 : vector<16xf32>
        %add3A_603 = arith.addf %mul3A_602, %get3A_600 : vector<16xf32>
        %add3A_604 = arith.constant 0 : i32
        %add3A_605 = arith.addi %add3A_604, %scan3A_127 : i32
        %mul3A_606 = arith.constant 128 : i32
        %mul3A_607 = arith.muli %add3A_605, %mul3A_606 : i32
        %add3A_608 = arith.constant 112 : i32
        %add3A_609 = arith.addi %mul3A_607, %add3A_608 : i32
        %swap3A_610 = arith.index_cast %add3A_609 : i32 to index
        %swap3A_611 = tpu.vector_load %arg18[%swap3A_610] {strides = array<i32>} : memref<19968xf32, #tpu.memory_space<vmem>>, vector<16xf32>,
        %swap3A_612 = vector.shape_cast %swap3A_611 : vector<16xf32> to vector<16xf32>
        %swap3A_613 = vector.shape_cast %add3A_603 : vector<16xf32> to vector<16xf32>
        tpu.vector_store %arg18[%swap3A_610], %swap3A_613 {strides = array<i32>} : memref<19968xf32, #tpu.memory_space<vmem>>, vector<16xf32>,
        %mul3A_614 = vector.broadcast %squeeze3A_149 : f32 to vector<16xf32>
        %mul3A_615 = arith.mulf %mul3A_614, %get3A_596 : vector<16xf32>
        %add3A_616 = arith.addf %mul3A_615, %get3A_600 : vector<16xf32>
        %add3A_617 = arith.constant 39 : i32
        %add3A_618 = arith.addi %add3A_617, %scan3A_127 : i32
        %mul3A_619 = arith.constant 128 : i32
        %mul3A_620 = arith.muli %add3A_618, %mul3A_619 : i32
        %add3A_621 = arith.constant 112 : i32
        %add3A_622 = arith.addi %mul3A_620, %add3A_621 : i32
        %swap3A_623 = arith.index_cast %add3A_622 : i32 to index
        %swap3A_624 = tpu.vector_load %arg18[%swap3A_623] {strides = array<i32>} : memref<19968xf32, #tpu.memory_space<vmem>>, vector<16xf32>,
        %swap3A_625 = vector.shape_cast %swap3A_624 : vector<16xf32> to vector<16xf32>
        %swap3A_626 = vector.shape_cast %add3A_616 : vector<16xf32> to vector<16xf32>
        tpu.vector_store %arg18[%swap3A_623], %swap3A_626 {strides = array<i32>} : memref<19968xf32, #tpu.memory_space<vmem>>, vector<16xf32>,
        %mul3A_627 = vector.broadcast %squeeze3A_161 : f32 to vector<16xf32>
        %mul3A_628 = arith.mulf %mul3A_627, %get3A_596 : vector<16xf32>
        %add3A_629 = arith.addf %mul3A_628, %get3A_600 : vector<16xf32>
        %add3A_630 = arith.constant 78 : i32
        %add3A_631 = arith.addi %add3A_630, %scan3A_127 : i32
        %mul3A_632 = arith.constant 128 : i32
        %mul3A_633 = arith.muli %add3A_631, %mul3A_632 : i32
        %add3A_634 = arith.constant 112 : i32
        %add3A_635 = arith.addi %mul3A_633, %add3A_634 : i32
        %swap3A_636 = arith.index_cast %add3A_635 : i32 to index
        %swap3A_637 = tpu.vector_load %arg18[%swap3A_636] {strides = array<i32>} : memref<19968xf32, #tpu.memory_space<vmem>>, vector<16xf32>,
        %swap3A_638 = vector.shape_cast %swap3A_637 : vector<16xf32> to vector<16xf32>
        %swap3A_639 = vector.shape_cast %add3A_629 : vector<16xf32> to vector<16xf32>
        tpu.vector_store %arg18[%swap3A_636], %swap3A_639 {strides = array<i32>} : memref<19968xf32, #tpu.memory_space<vmem>>, vector<16xf32>,
        %mul3A_640 = vector.broadcast %squeeze3A_173 : f32 to vector<16xf32>
        %mul3A_641 = arith.mulf %mul3A_640, %get3A_596 : vector<16xf32>
        %add3A_642 = arith.addf %mul3A_641, %get3A_600 : vector<16xf32>
        %add3A_643 = arith.constant 117 : i32
        %add3A_644 = arith.addi %add3A_643, %scan3A_127 : i32
        %mul3A_645 = arith.constant 128 : i32
        %mul3A_646 = arith.muli %add3A_644, %mul3A_645 : i32
        %add3A_647 = arith.constant 112 : i32
        %add3A_648 = arith.addi %mul3A_646, %add3A_647 : i32
        %swap3A_649 = arith.index_cast %add3A_648 : i32 to index
        %swap3A_650 = tpu.vector_load %arg18[%swap3A_649] {strides = array<i32>} : memref<19968xf32, #tpu.memory_space<vmem>>, vector<16xf32>,
        %swap3A_651 = vector.shape_cast %swap3A_650 : vector<16xf32> to vector<16xf32>
        %swap3A_652 = vector.shape_cast %add3A_642 : vector<16xf32> to vector<16xf32>
        tpu.vector_store %arg18[%swap3A_649], %swap3A_652 {strides = array<i32>} : memref<19968xf32, #tpu.memory_space<vmem>>, vector<16xf32>,
      }
      %scan3A_111 = arith.constant 13 : i32
      %scan3A_112 = arith.constant 0 : i32
      %scan3A_113 = arith.constant 0 : i32
      %scan3A_114 = arith.constant 26 : i32
      %scan3A_115 = arith.addi %scan3A_113, %scan3A_114 : i32
      %scan3A_116 = arith.constant 1 : i32
      scf.for %scan3A_127 = %scan3A_113 to %scan3A_115 step %scan3A_116  : i32 {
        %add3A_128 = arith.constant 13 : i32
        %add3A_129 = arith.addi %add3A_128, %scan3A_127 : i32
        %get3A_130 = arith.index_cast %add3A_129 : i32 to index
        %get3A_131 = arith.constant 0 : index
        %get3A_132 = tpu.vector_load %arg14[%get3A_130, %get3A_131] {strides = array<i32>} : memref<39x128xf32, #tpu.memory_space<vmem>>, vector<1x16xf32>,
        %get3A_133 = vector.shape_cast %get3A_132 : vector<1x16xf32> to vector<16xf32>
        %add3A_134 = arith.constant 0 : i32
        %add3A_135 = arith.addi %add3A_134, %scan3A_127 : i32
        %get3A_136 = arith.index_cast %add3A_135 : i32 to index
        %get3A_137 = arith.constant 0 : index
        %get3A_138 = tpu.vector_load %arg16[%get3A_136, %get3A_137] {strides = array<i32>} : memref<104x128xf32, #tpu.memory_space<vmem>>, vector<1x16xf32>,
        %get3A_139 = vector.shape_cast %get3A_138 : vector<1x16xf32> to vector<16xf32>
        %add3A_140 = arith.addf %get3A_139, %get3A_133 : vector<16xf32>
        %add3A_141 = arith.constant 13 : i32
        %add3A_142 = arith.addi %add3A_141, %scan3A_127 : i32
        %mul3A_143 = arith.constant 128 : i32
        %mul3A_144 = arith.muli %add3A_142, %mul3A_143 : i32
        %add3A_145 = arith.constant 0 : i32
        %add3A_146 = arith.addi %mul3A_144, %add3A_145 : i32
        %swap3A = arith.index_cast %add3A_146 : i32 to index
        %swap3A_147 = tpu.vector_load %arg18[%swap3A] {strides = array<i32>} : memref<19968xf32, #tpu.memory_space<vmem>>, vector<16xf32>,
        %swap3A_148 = vector.shape_cast %swap3A_147 : vector<16xf32> to vector<16xf32>
        %swap3A_149 = vector.shape_cast %add3A_140 : vector<16xf32> to vector<16xf32>
        tpu.vector_store %arg18[%swap3A], %swap3A_149 {strides = array<i32>} : memref<19968xf32, #tpu.memory_space<vmem>>, vector<16xf32>,
        %add3A_150 = arith.constant 26 : i32
        %add3A_151 = arith.addi %add3A_150, %scan3A_127 : i32
        %get3A_152 = arith.index_cast %add3A_151 : i32 to index
        %get3A_153 = arith.constant 0 : index
        %get3A_154 = tpu.vector_load %arg16[%get3A_152, %get3A_153] {strides = array<i32>} : memref<104x128xf32, #tpu.memory_space<vmem>>, vector<1x16xf32>,
        %get3A_155 = vector.shape_cast %get3A_154 : vector<1x16xf32> to vector<16xf32>
        %add3A_156 = arith.addf %get3A_155, %get3A_133 : vector<16xf32>
        %add3A_157 = arith.constant 52 : i32
        %add3A_158 = arith.addi %add3A_157, %scan3A_127 : i32
        %mul3A_159 = arith.constant 128 : i32
        %mul3A_160 = arith.muli %add3A_158, %mul3A_159 : i32
        %add3A_161 = arith.constant 0 : i32
        %add3A_162 = arith.addi %mul3A_160, %add3A_161 : i32
        %swap3A_163 = arith.index_cast %add3A_162 : i32 to index
        %swap3A_164 = tpu.vector_load %arg18[%swap3A_163] {strides = array<i32>} : memref<19968xf32, #tpu.memory_space<vmem>>, vector<16xf32>,
        %swap3A_165 = vector.shape_cast %swap3A_164 : vector<16xf32> to vector<16xf32>
        %swap3A_166 = vector.shape_cast %add3A_156 : vector<16xf32> to vector<16xf32>
        tpu.vector_store %arg18[%swap3A_163], %swap3A_166 {strides = array<i32>} : memref<19968xf32, #tpu.memory_space<vmem>>, vector<16xf32>,
        %add3A_167 = arith.constant 52 : i32
        %add3A_168 = arith.addi %add3A_167, %scan3A_127 : i32
        %get3A_169 = arith.index_cast %add3A_168 : i32 to index
        %get3A_170 = arith.constant 0 : index
        %get3A_171 = tpu.vector_load %arg16[%get3A_169, %get3A_170] {strides = array<i32>} : memref<104x128xf32, #tpu.memory_space<vmem>>, vector<1x16xf32>,
        %get3A_172 = vector.shape_cast %get3A_171 : vector<1x16xf32> to vector<16xf32>
        %add3A_173 = arith.addf %get3A_172, %get3A_133 : vector<16xf32>
        %add3A_174 = arith.constant 91 : i32
        %add3A_175 = arith.addi %add3A_174, %scan3A_127 : i32
        %mul3A_176 = arith.constant 128 : i32
        %mul3A_177 = arith.muli %add3A_175, %mul3A_176 : i32
        %add3A_178 = arith.constant 0 : i32
        %add3A_179 = arith.addi %mul3A_177, %add3A_178 : i32
        %swap3A_180 = arith.index_cast %add3A_179 : i32 to index
        %swap3A_181 = tpu.vector_load %arg18[%swap3A_180] {strides = array<i32>} : memref<19968xf32, #tpu.memory_space<vmem>>, vector<16xf32>,
        %swap3A_182 = vector.shape_cast %swap3A_181 : vector<16xf32> to vector<16xf32>
        %swap3A_183 = vector.shape_cast %add3A_173 : vector<16xf32> to vector<16xf32>
        tpu.vector_store %arg18[%swap3A_180], %swap3A_183 {strides = array<i32>} : memref<19968xf32, #tpu.memory_space<vmem>>, vector<16xf32>,
        %add3A_184 = arith.constant 78 : i32
        %add3A_185 = arith.addi %add3A_184, %scan3A_127 : i32
        %get3A_186 = arith.index_cast %add3A_185 : i32 to index
        %get3A_187 = arith.constant 0 : index
        %get3A_188 = tpu.vector_load %arg16[%get3A_186, %get3A_187] {strides = array<i32>} : memref<104x128xf32, #tpu.memory_space<vmem>>, vector<1x16xf32>,
        %get3A_189 = vector.shape_cast %get3A_188 : vector<1x16xf32> to vector<16xf32>
        %add3A_190 = arith.addf %get3A_189, %get3A_133 : vector<16xf32>
        %add3A_191 = arith.constant 130 : i32
        %add3A_192 = arith.addi %add3A_191, %scan3A_127 : i32
        %mul3A_193 = arith.constant 128 : i32
        %mul3A_194 = arith.muli %add3A_192, %mul3A_193 : i32
        %add3A_195 = arith.constant 0 : i32
        %add3A_196 = arith.addi %mul3A_194, %add3A_195 : i32
        %swap3A_197 = arith.index_cast %add3A_196 : i32 to index
        %swap3A_198 = tpu.vector_load %arg18[%swap3A_197] {strides = array<i32>} : memref<19968xf32, #tpu.memory_space<vmem>>, vector<16xf32>,
        %swap3A_199 = vector.shape_cast %swap3A_198 : vector<16xf32> to vector<16xf32>
        %swap3A_200 = vector.shape_cast %add3A_190 : vector<16xf32> to vector<16xf32>
        tpu.vector_store %arg18[%swap3A_197], %swap3A_200 {strides = array<i32>} : memref<19968xf32, #tpu.memory_space<vmem>>, vector<16xf32>,
        %add3A_201 = arith.constant 13 : i32
        %add3A_202 = arith.addi %add3A_201, %scan3A_127 : i32
        %get3A_203 = arith.index_cast %add3A_202 : i32 to index
        %get3A_204 = arith.constant 16 : index
        %get3A_205 = tpu.vector_load %arg14[%get3A_203, %get3A_204] {strides = array<i32>} : memref<39x128xf32, #tpu.memory_space<vmem>>, vector<1x16xf32>,
        %get3A_206 = vector.shape_cast %get3A_205 : vector<1x16xf32> to vector<16xf32>
        %add3A_207 = arith.constant 0 : i32
        %add3A_208 = arith.addi %add3A_207, %scan3A_127 : i32
        %get3A_209 = arith.index_cast %add3A_208 : i32 to index
        %get3A_210 = arith.constant 16 : index
        %get3A_211 = tpu.vector_load %arg16[%get3A_209, %get3A_210] {strides = array<i32>} : memref<104x128xf32, #tpu.memory_space<vmem>>, vector<1x16xf32>,
        %get3A_212 = vector.shape_cast %get3A_211 : vector<1x16xf32> to vector<16xf32>
        %add3A_213 = arith.addf %get3A_212, %get3A_206 : vector<16xf32>
        %add3A_214 = arith.constant 13 : i32
        %add3A_215 = arith.addi %add3A_214, %scan3A_127 : i32
        %mul3A_216 = arith.constant 128 : i32
        %mul3A_217 = arith.muli %add3A_215, %mul3A_216 : i32
        %add3A_218 = arith.constant 16 : i32
        %add3A_219 = arith.addi %mul3A_217, %add3A_218 : i32
        %swap3A_220 = arith.index_cast %add3A_219 : i32 to index
        %swap3A_221 = tpu.vector_load %arg18[%swap3A_220] {strides = array<i32>} : memref<19968xf32, #tpu.memory_space<vmem>>, vector<16xf32>,
        %swap3A_222 = vector.shape_cast %swap3A_221 : vector<16xf32> to vector<16xf32>
        %swap3A_223 = vector.shape_cast %add3A_213 : vector<16xf32> to vector<16xf32>
        tpu.vector_store %arg18[%swap3A_220], %swap3A_223 {strides = array<i32>} : memref<19968xf32, #tpu.memory_space<vmem>>, vector<16xf32>,
        %add3A_224 = arith.constant 26 : i32
        %add3A_225 = arith.addi %add3A_224, %scan3A_127 : i32
        %get3A_226 = arith.index_cast %add3A_225 : i32 to index
        %get3A_227 = arith.constant 16 : index
        %get3A_228 = tpu.vector_load %arg16[%get3A_226, %get3A_227] {strides = array<i32>} : memref<104x128xf32, #tpu.memory_space<vmem>>, vector<1x16xf32>,
        %get3A_229 = vector.shape_cast %get3A_228 : vector<1x16xf32> to vector<16xf32>
        %add3A_230 = arith.addf %get3A_229, %get3A_206 : vector<16xf32>
        %add3A_231 = arith.constant 52 : i32
        %add3A_232 = arith.addi %add3A_231, %scan3A_127 : i32
        %mul3A_233 = arith.constant 128 : i32
        %mul3A_234 = arith.muli %add3A_232, %mul3A_233 : i32
        %add3A_235 = arith.constant 16 : i32
        %add3A_236 = arith.addi %mul3A_234, %add3A_235 : i32
        %swap3A_237 = arith.index_cast %add3A_236 : i32 to index
        %swap3A_238 = tpu.vector_load %arg18[%swap3A_237] {strides = array<i32>} : memref<19968xf32, #tpu.memory_space<vmem>>, vector<16xf32>,
        %swap3A_239 = vector.shape_cast %swap3A_238 : vector<16xf32> to vector<16xf32>
        %swap3A_240 = vector.shape_cast %add3A_230 : vector<16xf32> to vector<16xf32>
        tpu.vector_store %arg18[%swap3A_237], %swap3A_240 {strides = array<i32>} : memref<19968xf32, #tpu.memory_space<vmem>>, vector<16xf32>,
        %add3A_241 = arith.constant 52 : i32
        %add3A_242 = arith.addi %add3A_241, %scan3A_127 : i32
        %get3A_243 = arith.index_cast %add3A_242 : i32 to index
        %get3A_244 = arith.constant 16 : index
        %get3A_245 = tpu.vector_load %arg16[%get3A_243, %get3A_244] {strides = array<i32>} : memref<104x128xf32, #tpu.memory_space<vmem>>, vector<1x16xf32>,
        %get3A_246 = vector.shape_cast %get3A_245 : vector<1x16xf32> to vector<16xf32>
        %add3A_247 = arith.addf %get3A_246, %get3A_206 : vector<16xf32>
        %add3A_248 = arith.constant 91 : i32
        %add3A_249 = arith.addi %add3A_248, %scan3A_127 : i32
        %mul3A_250 = arith.constant 128 : i32
        %mul3A_251 = arith.muli %add3A_249, %mul3A_250 : i32
        %add3A_252 = arith.constant 16 : i32
        %add3A_253 = arith.addi %mul3A_251, %add3A_252 : i32
        %swap3A_254 = arith.index_cast %add3A_253 : i32 to index
        %swap3A_255 = tpu.vector_load %arg18[%swap3A_254] {strides = array<i32>} : memref<19968xf32, #tpu.memory_space<vmem>>, vector<16xf32>,
        %swap3A_256 = vector.shape_cast %swap3A_255 : vector<16xf32> to vector<16xf32>
        %swap3A_257 = vector.shape_cast %add3A_247 : vector<16xf32> to vector<16xf32>
        tpu.vector_store %arg18[%swap3A_254], %swap3A_257 {strides = array<i32>} : memref<19968xf32, #tpu.memory_space<vmem>>, vector<16xf32>,
        %add3A_258 = arith.constant 78 : i32
        %add3A_259 = arith.addi %add3A_258, %scan3A_127 : i32
        %get3A_260 = arith.index_cast %add3A_259 : i32 to index
        %get3A_261 = arith.constant 16 : index
        %get3A_262 = tpu.vector_load %arg16[%get3A_260, %get3A_261] {strides = array<i32>} : memref<104x128xf32, #tpu.memory_space<vmem>>, vector<1x16xf32>,
        %get3A_263 = vector.shape_cast %get3A_262 : vector<1x16xf32> to vector<16xf32>
        %add3A_264 = arith.addf %get3A_263, %get3A_206 : vector<16xf32>
        %add3A_265 = arith.constant 130 : i32
        %add3A_266 = arith.addi %add3A_265, %scan3A_127 : i32
        %mul3A_267 = arith.constant 128 : i32
        %mul3A_268 = arith.muli %add3A_266, %mul3A_267 : i32
        %add3A_269 = arith.constant 16 : i32
        %add3A_270 = arith.addi %mul3A_268, %add3A_269 : i32
        %swap3A_271 = arith.index_cast %add3A_270 : i32 to index
        %swap3A_272 = tpu.vector_load %arg18[%swap3A_271] {strides = array<i32>} : memref<19968xf32, #tpu.memory_space<vmem>>, vector<16xf32>,
        %swap3A_273 = vector.shape_cast %swap3A_272 : vector<16xf32> to vector<16xf32>
        %swap3A_274 = vector.shape_cast %add3A_264 : vector<16xf32> to vector<16xf32>
        tpu.vector_store %arg18[%swap3A_271], %swap3A_274 {strides = array<i32>} : memref<19968xf32, #tpu.memory_space<vmem>>, vector<16xf32>,
        %add3A_275 = arith.constant 13 : i32
        %add3A_276 = arith.addi %add3A_275, %scan3A_127 : i32
        %get3A_277 = arith.index_cast %add3A_276 : i32 to index
        %get3A_278 = arith.constant 32 : index
        %get3A_279 = tpu.vector_load %arg14[%get3A_277, %get3A_278] {strides = array<i32>} : memref<39x128xf32, #tpu.memory_space<vmem>>, vector<1x16xf32>,
        %get3A_280 = vector.shape_cast %get3A_279 : vector<1x16xf32> to vector<16xf32>
        %add3A_281 = arith.constant 0 : i32
        %add3A_282 = arith.addi %add3A_281, %scan3A_127 : i32
        %get3A_283 = arith.index_cast %add3A_282 : i32 to index
        %get3A_284 = arith.constant 32 : index
        %get3A_285 = tpu.vector_load %arg16[%get3A_283, %get3A_284] {strides = array<i32>} : memref<104x128xf32, #tpu.memory_space<vmem>>, vector<1x16xf32>,
        %get3A_286 = vector.shape_cast %get3A_285 : vector<1x16xf32> to vector<16xf32>
        %add3A_287 = arith.addf %get3A_286, %get3A_280 : vector<16xf32>
        %add3A_288 = arith.constant 13 : i32
        %add3A_289 = arith.addi %add3A_288, %scan3A_127 : i32
        %mul3A_290 = arith.constant 128 : i32
        %mul3A_291 = arith.muli %add3A_289, %mul3A_290 : i32
        %add3A_292 = arith.constant 32 : i32
        %add3A_293 = arith.addi %mul3A_291, %add3A_292 : i32
        %swap3A_294 = arith.index_cast %add3A_293 : i32 to index
        %swap3A_295 = tpu.vector_load %arg18[%swap3A_294] {strides = array<i32>} : memref<19968xf32, #tpu.memory_space<vmem>>, vector<16xf32>,
        %swap3A_296 = vector.shape_cast %swap3A_295 : vector<16xf32> to vector<16xf32>
        %swap3A_297 = vector.shape_cast %add3A_287 : vector<16xf32> to vector<16xf32>
        tpu.vector_store %arg18[%swap3A_294], %swap3A_297 {strides = array<i32>} : memref<19968xf32, #tpu.memory_space<vmem>>, vector<16xf32>,
        %add3A_298 = arith.constant 26 : i32
        %add3A_299 = arith.addi %add3A_298, %scan3A_127 : i32
        %get3A_300 = arith.index_cast %add3A_299 : i32 to index
        %get3A_301 = arith.constant 32 : index
        %get3A_302 = tpu.vector_load %arg16[%get3A_300, %get3A_301] {strides = array<i32>} : memref<104x128xf32, #tpu.memory_space<vmem>>, vector<1x16xf32>,
        %get3A_303 = vector.shape_cast %get3A_302 : vector<1x16xf32> to vector<16xf32>
        %add3A_304 = arith.addf %get3A_303, %get3A_280 : vector<16xf32>
        %add3A_305 = arith.constant 52 : i32
        %add3A_306 = arith.addi %add3A_305, %scan3A_127 : i32
        %mul3A_307 = arith.constant 128 : i32
        %mul3A_308 = arith.muli %add3A_306, %mul3A_307 : i32
        %add3A_309 = arith.constant 32 : i32
        %add3A_310 = arith.addi %mul3A_308, %add3A_309 : i32
        %swap3A_311 = arith.index_cast %add3A_310 : i32 to index
        %swap3A_312 = tpu.vector_load %arg18[%swap3A_311] {strides = array<i32>} : memref<19968xf32, #tpu.memory_space<vmem>>, vector<16xf32>,
        %swap3A_313 = vector.shape_cast %swap3A_312 : vector<16xf32> to vector<16xf32>
        %swap3A_314 = vector.shape_cast %add3A_304 : vector<16xf32> to vector<16xf32>
        tpu.vector_store %arg18[%swap3A_311], %swap3A_314 {strides = array<i32>} : memref<19968xf32, #tpu.memory_space<vmem>>, vector<16xf32>,
        %add3A_315 = arith.constant 52 : i32
        %add3A_316 = arith.addi %add3A_315, %scan3A_127 : i32
        %get3A_317 = arith.index_cast %add3A_316 : i32 to index
        %get3A_318 = arith.constant 32 : index
        %get3A_319 = tpu.vector_load %arg16[%get3A_317, %get3A_318] {strides = array<i32>} : memref<104x128xf32, #tpu.memory_space<vmem>>, vector<1x16xf32>,
        %get3A_320 = vector.shape_cast %get3A_319 : vector<1x16xf32> to vector<16xf32>
        %add3A_321 = arith.addf %get3A_320, %get3A_280 : vector<16xf32>
        %add3A_322 = arith.constant 91 : i32
        %add3A_323 = arith.addi %add3A_322, %scan3A_127 : i32
        %mul3A_324 = arith.constant 128 : i32
        %mul3A_325 = arith.muli %add3A_323, %mul3A_324 : i32
        %add3A_326 = arith.constant 32 : i32
        %add3A_327 = arith.addi %mul3A_325, %add3A_326 : i32
        %swap3A_328 = arith.index_cast %add3A_327 : i32 to index
        %swap3A_329 = tpu.vector_load %arg18[%swap3A_328] {strides = array<i32>} : memref<19968xf32, #tpu.memory_space<vmem>>, vector<16xf32>,
        %swap3A_330 = vector.shape_cast %swap3A_329 : vector<16xf32> to vector<16xf32>
        %swap3A_331 = vector.shape_cast %add3A_321 : vector<16xf32> to vector<16xf32>
        tpu.vector_store %arg18[%swap3A_328], %swap3A_331 {strides = array<i32>} : memref<19968xf32, #tpu.memory_space<vmem>>, vector<16xf32>,
        %add3A_332 = arith.constant 78 : i32
        %add3A_333 = arith.addi %add3A_332, %scan3A_127 : i32
        %get3A_334 = arith.index_cast %add3A_333 : i32 to index
        %get3A_335 = arith.constant 32 : index
        %get3A_336 = tpu.vector_load %arg16[%get3A_334, %get3A_335] {strides = array<i32>} : memref<104x128xf32, #tpu.memory_space<vmem>>, vector<1x16xf32>,
        %get3A_337 = vector.shape_cast %get3A_336 : vector<1x16xf32> to vector<16xf32>
        %add3A_338 = arith.addf %get3A_337, %get3A_280 : vector<16xf32>
        %add3A_339 = arith.constant 130 : i32
        %add3A_340 = arith.addi %add3A_339, %scan3A_127 : i32
        %mul3A_341 = arith.constant 128 : i32
        %mul3A_342 = arith.muli %add3A_340, %mul3A_341 : i32
        %add3A_343 = arith.constant 32 : i32
        %add3A_344 = arith.addi %mul3A_342, %add3A_343 : i32
        %swap3A_345 = arith.index_cast %add3A_344 : i32 to index
        %swap3A_346 = tpu.vector_load %arg18[%swap3A_345] {strides = array<i32>} : memref<19968xf32, #tpu.memory_space<vmem>>, vector<16xf32>,
        %swap3A_347 = vector.shape_cast %swap3A_346 : vector<16xf32> to vector<16xf32>
        %swap3A_348 = vector.shape_cast %add3A_338 : vector<16xf32> to vector<16xf32>
        tpu.vector_store %arg18[%swap3A_345], %swap3A_348 {strides = array<i32>} : memref<19968xf32, #tpu.memory_space<vmem>>, vector<16xf32>,
        %add3A_349 = arith.constant 13 : i32
        %add3A_350 = arith.addi %add3A_349, %scan3A_127 : i32
        %get3A_351 = arith.index_cast %add3A_350 : i32 to index
        %get3A_352 = arith.constant 48 : index
        %get3A_353 = tpu.vector_load %arg14[%get3A_351, %get3A_352] {strides = array<i32>} : memref<39x128xf32, #tpu.memory_space<vmem>>, vector<1x16xf32>,
        %get3A_354 = vector.shape_cast %get3A_353 : vector<1x16xf32> to vector<16xf32>
        %add3A_355 = arith.constant 0 : i32
        %add3A_356 = arith.addi %add3A_355, %scan3A_127 : i32
        %get3A_357 = arith.index_cast %add3A_356 : i32 to index
        %get3A_358 = arith.constant 48 : index
        %get3A_359 = tpu.vector_load %arg16[%get3A_357, %get3A_358] {strides = array<i32>} : memref<104x128xf32, #tpu.memory_space<vmem>>, vector<1x16xf32>,
        %get3A_360 = vector.shape_cast %get3A_359 : vector<1x16xf32> to vector<16xf32>
        %add3A_361 = arith.addf %get3A_360, %get3A_354 : vector<16xf32>
        %add3A_362 = arith.constant 13 : i32
        %add3A_363 = arith.addi %add3A_362, %scan3A_127 : i32
        %mul3A_364 = arith.constant 128 : i32
        %mul3A_365 = arith.muli %add3A_363, %mul3A_364 : i32
        %add3A_366 = arith.constant 48 : i32
        %add3A_367 = arith.addi %mul3A_365, %add3A_366 : i32
        %swap3A_368 = arith.index_cast %add3A_367 : i32 to index
        %swap3A_369 = tpu.vector_load %arg18[%swap3A_368] {strides = array<i32>} : memref<19968xf32, #tpu.memory_space<vmem>>, vector<16xf32>,
        %swap3A_370 = vector.shape_cast %swap3A_369 : vector<16xf32> to vector<16xf32>
        %swap3A_371 = vector.shape_cast %add3A_361 : vector<16xf32> to vector<16xf32>
        tpu.vector_store %arg18[%swap3A_368], %swap3A_371 {strides = array<i32>} : memref<19968xf32, #tpu.memory_space<vmem>>, vector<16xf32>,
        %add3A_372 = arith.constant 26 : i32
        %add3A_373 = arith.addi %add3A_372, %scan3A_127 : i32
        %get3A_374 = arith.index_cast %add3A_373 : i32 to index
        %get3A_375 = arith.constant 48 : index
        %get3A_376 = tpu.vector_load %arg16[%get3A_374, %get3A_375] {strides = array<i32>} : memref<104x128xf32, #tpu.memory_space<vmem>>, vector<1x16xf32>,
        %get3A_377 = vector.shape_cast %get3A_376 : vector<1x16xf32> to vector<16xf32>
        %add3A_378 = arith.addf %get3A_377, %get3A_354 : vector<16xf32>
        %add3A_379 = arith.constant 52 : i32
        %add3A_380 = arith.addi %add3A_379, %scan3A_127 : i32
        %mul3A_381 = arith.constant 128 : i32
        %mul3A_382 = arith.muli %add3A_380, %mul3A_381 : i32
        %add3A_383 = arith.constant 48 : i32
        %add3A_384 = arith.addi %mul3A_382, %add3A_383 : i32
        %swap3A_385 = arith.index_cast %add3A_384 : i32 to index
        %swap3A_386 = tpu.vector_load %arg18[%swap3A_385] {strides = array<i32>} : memref<19968xf32, #tpu.memory_space<vmem>>, vector<16xf32>,
        %swap3A_387 = vector.shape_cast %swap3A_386 : vector<16xf32> to vector<16xf32>
        %swap3A_388 = vector.shape_cast %add3A_378 : vector<16xf32> to vector<16xf32>
        tpu.vector_store %arg18[%swap3A_385], %swap3A_388 {strides = array<i32>} : memref<19968xf32, #tpu.memory_space<vmem>>, vector<16xf32>,
        %add3A_389 = arith.constant 52 : i32
        %add3A_390 = arith.addi %add3A_389, %scan3A_127 : i32
        %get3A_391 = arith.index_cast %add3A_390 : i32 to index
        %get3A_392 = arith.constant 48 : index
        %get3A_393 = tpu.vector_load %arg16[%get3A_391, %get3A_392] {strides = array<i32>} : memref<104x128xf32, #tpu.memory_space<vmem>>, vector<1x16xf32>,
        %get3A_394 = vector.shape_cast %get3A_393 : vector<1x16xf32> to vector<16xf32>
        %add3A_395 = arith.addf %get3A_394, %get3A_354 : vector<16xf32>
        %add3A_396 = arith.constant 91 : i32
        %add3A_397 = arith.addi %add3A_396, %scan3A_127 : i32
        %mul3A_398 = arith.constant 128 : i32
        %mul3A_399 = arith.muli %add3A_397, %mul3A_398 : i32
        %add3A_400 = arith.constant 48 : i32
        %add3A_401 = arith.addi %mul3A_399, %add3A_400 : i32
        %swap3A_402 = arith.index_cast %add3A_401 : i32 to index
        %swap3A_403 = tpu.vector_load %arg18[%swap3A_402] {strides = array<i32>} : memref<19968xf32, #tpu.memory_space<vmem>>, vector<16xf32>,
        %swap3A_404 = vector.shape_cast %swap3A_403 : vector<16xf32> to vector<16xf32>
        %swap3A_405 = vector.shape_cast %add3A_395 : vector<16xf32> to vector<16xf32>
        tpu.vector_store %arg18[%swap3A_402], %swap3A_405 {strides = array<i32>} : memref<19968xf32, #tpu.memory_space<vmem>>, vector<16xf32>,
        %add3A_406 = arith.constant 78 : i32
        %add3A_407 = arith.addi %add3A_406, %scan3A_127 : i32
        %get3A_408 = arith.index_cast %add3A_407 : i32 to index
        %get3A_409 = arith.constant 48 : index
        %get3A_410 = tpu.vector_load %arg16[%get3A_408, %get3A_409] {strides = array<i32>} : memref<104x128xf32, #tpu.memory_space<vmem>>, vector<1x16xf32>,
        %get3A_411 = vector.shape_cast %get3A_410 : vector<1x16xf32> to vector<16xf32>
        %add3A_412 = arith.addf %get3A_411, %get3A_354 : vector<16xf32>
        %add3A_413 = arith.constant 130 : i32
        %add3A_414 = arith.addi %add3A_413, %scan3A_127 : i32
        %mul3A_415 = arith.constant 128 : i32
        %mul3A_416 = arith.muli %add3A_414, %mul3A_415 : i32
        %add3A_417 = arith.constant 48 : i32
        %add3A_418 = arith.addi %mul3A_416, %add3A_417 : i32
        %swap3A_419 = arith.index_cast %add3A_418 : i32 to index
        %swap3A_420 = tpu.vector_load %arg18[%swap3A_419] {strides = array<i32>} : memref<19968xf32, #tpu.memory_space<vmem>>, vector<16xf32>,
        %swap3A_421 = vector.shape_cast %swap3A_420 : vector<16xf32> to vector<16xf32>
        %swap3A_422 = vector.shape_cast %add3A_412 : vector<16xf32> to vector<16xf32>
        tpu.vector_store %arg18[%swap3A_419], %swap3A_422 {strides = array<i32>} : memref<19968xf32, #tpu.memory_space<vmem>>, vector<16xf32>,
        %add3A_423 = arith.constant 13 : i32
        %add3A_424 = arith.addi %add3A_423, %scan3A_127 : i32
        %get3A_425 = arith.index_cast %add3A_424 : i32 to index
        %get3A_426 = arith.constant 64 : index
        %get3A_427 = tpu.vector_load %arg14[%get3A_425, %get3A_426] {strides = array<i32>} : memref<39x128xf32, #tpu.memory_space<vmem>>, vector<1x16xf32>,
        %get3A_428 = vector.shape_cast %get3A_427 : vector<1x16xf32> to vector<16xf32>
        %add3A_429 = arith.constant 0 : i32
        %add3A_430 = arith.addi %add3A_429, %scan3A_127 : i32
        %get3A_431 = arith.index_cast %add3A_430 : i32 to index
        %get3A_432 = arith.constant 64 : index
        %get3A_433 = tpu.vector_load %arg16[%get3A_431, %get3A_432] {strides = array<i32>} : memref<104x128xf32, #tpu.memory_space<vmem>>, vector<1x16xf32>,
        %get3A_434 = vector.shape_cast %get3A_433 : vector<1x16xf32> to vector<16xf32>
        %add3A_435 = arith.addf %get3A_434, %get3A_428 : vector<16xf32>
        %add3A_436 = arith.constant 13 : i32
        %add3A_437 = arith.addi %add3A_436, %scan3A_127 : i32
        %mul3A_438 = arith.constant 128 : i32
        %mul3A_439 = arith.muli %add3A_437, %mul3A_438 : i32
        %add3A_440 = arith.constant 64 : i32
        %add3A_441 = arith.addi %mul3A_439, %add3A_440 : i32
        %swap3A_442 = arith.index_cast %add3A_441 : i32 to index
        %swap3A_443 = tpu.vector_load %arg18[%swap3A_442] {strides = array<i32>} : memref<19968xf32, #tpu.memory_space<vmem>>, vector<16xf32>,
        %swap3A_444 = vector.shape_cast %swap3A_443 : vector<16xf32> to vector<16xf32>
        %swap3A_445 = vector.shape_cast %add3A_435 : vector<16xf32> to vector<16xf32>
        tpu.vector_store %arg18[%swap3A_442], %swap3A_445 {strides = array<i32>} : memref<19968xf32, #tpu.memory_space<vmem>>, vector<16xf32>,
        %add3A_446 = arith.constant 26 : i32
        %add3A_447 = arith.addi %add3A_446, %scan3A_127 : i32
        %get3A_448 = arith.index_cast %add3A_447 : i32 to index
        %get3A_449 = arith.constant 64 : index
        %get3A_450 = tpu.vector_load %arg16[%get3A_448, %get3A_449] {strides = array<i32>} : memref<104x128xf32, #tpu.memory_space<vmem>>, vector<1x16xf32>,
        %get3A_451 = vector.shape_cast %get3A_450 : vector<1x16xf32> to vector<16xf32>
        %add3A_452 = arith.addf %get3A_451, %get3A_428 : vector<16xf32>
        %add3A_453 = arith.constant 52 : i32
        %add3A_454 = arith.addi %add3A_453, %scan3A_127 : i32
        %mul3A_455 = arith.constant 128 : i32
        %mul3A_456 = arith.muli %add3A_454, %mul3A_455 : i32
        %add3A_457 = arith.constant 64 : i32
        %add3A_458 = arith.addi %mul3A_456, %add3A_457 : i32
        %swap3A_459 = arith.index_cast %add3A_458 : i32 to index
        %swap3A_460 = tpu.vector_load %arg18[%swap3A_459] {strides = array<i32>} : memref<19968xf32, #tpu.memory_space<vmem>>, vector<16xf32>,
        %swap3A_461 = vector.shape_cast %swap3A_460 : vector<16xf32> to vector<16xf32>
        %swap3A_462 = vector.shape_cast %add3A_452 : vector<16xf32> to vector<16xf32>
        tpu.vector_store %arg18[%swap3A_459], %swap3A_462 {strides = array<i32>} : memref<19968xf32, #tpu.memory_space<vmem>>, vector<16xf32>,
        %add3A_463 = arith.constant 52 : i32
        %add3A_464 = arith.addi %add3A_463, %scan3A_127 : i32
        %get3A_465 = arith.index_cast %add3A_464 : i32 to index
        %get3A_466 = arith.constant 64 : index
        %get3A_467 = tpu.vector_load %arg16[%get3A_465, %get3A_466] {strides = array<i32>} : memref<104x128xf32, #tpu.memory_space<vmem>>, vector<1x16xf32>,
        %get3A_468 = vector.shape_cast %get3A_467 : vector<1x16xf32> to vector<16xf32>
        %add3A_469 = arith.addf %get3A_468, %get3A_428 : vector<16xf32>
        %add3A_470 = arith.constant 91 : i32
        %add3A_471 = arith.addi %add3A_470, %scan3A_127 : i32
        %mul3A_472 = arith.constant 128 : i32
        %mul3A_473 = arith.muli %add3A_471, %mul3A_472 : i32
        %add3A_474 = arith.constant 64 : i32
        %add3A_475 = arith.addi %mul3A_473, %add3A_474 : i32
        %swap3A_476 = arith.index_cast %add3A_475 : i32 to index
        %swap3A_477 = tpu.vector_load %arg18[%swap3A_476] {strides = array<i32>} : memref<19968xf32, #tpu.memory_space<vmem>>, vector<16xf32>,
        %swap3A_478 = vector.shape_cast %swap3A_477 : vector<16xf32> to vector<16xf32>
        %swap3A_479 = vector.shape_cast %add3A_469 : vector<16xf32> to vector<16xf32>
        tpu.vector_store %arg18[%swap3A_476], %swap3A_479 {strides = array<i32>} : memref<19968xf32, #tpu.memory_space<vmem>>, vector<16xf32>,
        %add3A_480 = arith.constant 78 : i32
        %add3A_481 = arith.addi %add3A_480, %scan3A_127 : i32
        %get3A_482 = arith.index_cast %add3A_481 : i32 to index
        %get3A_483 = arith.constant 64 : index
        %get3A_484 = tpu.vector_load %arg16[%get3A_482, %get3A_483] {strides = array<i32>} : memref<104x128xf32, #tpu.memory_space<vmem>>, vector<1x16xf32>,
        %get3A_485 = vector.shape_cast %get3A_484 : vector<1x16xf32> to vector<16xf32>
        %add3A_486 = arith.addf %get3A_485, %get3A_428 : vector<16xf32>
        %add3A_487 = arith.constant 130 : i32
        %add3A_488 = arith.addi %add3A_487, %scan3A_127 : i32
        %mul3A_489 = arith.constant 128 : i32
        %mul3A_490 = arith.muli %add3A_488, %mul3A_489 : i32
        %add3A_491 = arith.constant 64 : i32
        %add3A_492 = arith.addi %mul3A_490, %add3A_491 : i32
        %swap3A_493 = arith.index_cast %add3A_492 : i32 to index
        %swap3A_494 = tpu.vector_load %arg18[%swap3A_493] {strides = array<i32>} : memref<19968xf32, #tpu.memory_space<vmem>>, vector<16xf32>,
        %swap3A_495 = vector.shape_cast %swap3A_494 : vector<16xf32> to vector<16xf32>
        %swap3A_496 = vector.shape_cast %add3A_486 : vector<16xf32> to vector<16xf32>
        tpu.vector_store %arg18[%swap3A_493], %swap3A_496 {strides = array<i32>} : memref<19968xf32, #tpu.memory_space<vmem>>, vector<16xf32>,
        %add3A_497 = arith.constant 13 : i32
        %add3A_498 = arith.addi %add3A_497, %scan3A_127 : i32
        %get3A_499 = arith.index_cast %add3A_498 : i32 to index
        %get3A_500 = arith.constant 80 : index
        %get3A_501 = tpu.vector_load %arg14[%get3A_499, %get3A_500] {strides = array<i32>} : memref<39x128xf32, #tpu.memory_space<vmem>>, vector<1x16xf32>,
        %get3A_502 = vector.shape_cast %get3A_501 : vector<1x16xf32> to vector<16xf32>
        %add3A_503 = arith.constant 0 : i32
        %add3A_504 = arith.addi %add3A_503, %scan3A_127 : i32
        %get3A_505 = arith.index_cast %add3A_504 : i32 to index
        %get3A_506 = arith.constant 80 : index
        %get3A_507 = tpu.vector_load %arg16[%get3A_505, %get3A_506] {strides = array<i32>} : memref<104x128xf32, #tpu.memory_space<vmem>>, vector<1x16xf32>,
        %get3A_508 = vector.shape_cast %get3A_507 : vector<1x16xf32> to vector<16xf32>
        %add3A_509 = arith.addf %get3A_508, %get3A_502 : vector<16xf32>
        %add3A_510 = arith.constant 13 : i32
        %add3A_511 = arith.addi %add3A_510, %scan3A_127 : i32
        %mul3A_512 = arith.constant 128 : i32
        %mul3A_513 = arith.muli %add3A_511, %mul3A_512 : i32
        %add3A_514 = arith.constant 80 : i32
        %add3A_515 = arith.addi %mul3A_513, %add3A_514 : i32
        %swap3A_516 = arith.index_cast %add3A_515 : i32 to index
        %swap3A_517 = tpu.vector_load %arg18[%swap3A_516] {strides = array<i32>} : memref<19968xf32, #tpu.memory_space<vmem>>, vector<16xf32>,
        %swap3A_518 = vector.shape_cast %swap3A_517 : vector<16xf32> to vector<16xf32>
        %swap3A_519 = vector.shape_cast %add3A_509 : vector<16xf32> to vector<16xf32>
        tpu.vector_store %arg18[%swap3A_516], %swap3A_519 {strides = array<i32>} : memref<19968xf32, #tpu.memory_space<vmem>>, vector<16xf32>,
        %add3A_520 = arith.constant 26 : i32
        %add3A_521 = arith.addi %add3A_520, %scan3A_127 : i32
        %get3A_522 = arith.index_cast %add3A_521 : i32 to index
        %get3A_523 = arith.constant 80 : index
        %get3A_524 = tpu.vector_load %arg16[%get3A_522, %get3A_523] {strides = array<i32>} : memref<104x128xf32, #tpu.memory_space<vmem>>, vector<1x16xf32>,
        %get3A_525 = vector.shape_cast %get3A_524 : vector<1x16xf32> to vector<16xf32>
        %add3A_526 = arith.addf %get3A_525, %get3A_502 : vector<16xf32>
        %add3A_527 = arith.constant 52 : i32
        %add3A_528 = arith.addi %add3A_527, %scan3A_127 : i32
        %mul3A_529 = arith.constant 128 : i32
        %mul3A_530 = arith.muli %add3A_528, %mul3A_529 : i32
        %add3A_531 = arith.constant 80 : i32
        %add3A_532 = arith.addi %mul3A_530, %add3A_531 : i32
        %swap3A_533 = arith.index_cast %add3A_532 : i32 to index
        %swap3A_534 = tpu.vector_load %arg18[%swap3A_533] {strides = array<i32>} : memref<19968xf32, #tpu.memory_space<vmem>>, vector<16xf32>,
        %swap3A_535 = vector.shape_cast %swap3A_534 : vector<16xf32> to vector<16xf32>
        %swap3A_536 = vector.shape_cast %add3A_526 : vector<16xf32> to vector<16xf32>
        tpu.vector_store %arg18[%swap3A_533], %swap3A_536 {strides = array<i32>} : memref<19968xf32, #tpu.memory_space<vmem>>, vector<16xf32>,
        %add3A_537 = arith.constant 52 : i32
        %add3A_538 = arith.addi %add3A_537, %scan3A_127 : i32
        %get3A_539 = arith.index_cast %add3A_538 : i32 to index
        %get3A_540 = arith.constant 80 : index
        %get3A_541 = tpu.vector_load %arg16[%get3A_539, %get3A_540] {strides = array<i32>} : memref<104x128xf32, #tpu.memory_space<vmem>>, vector<1x16xf32>,
        %get3A_542 = vector.shape_cast %get3A_541 : vector<1x16xf32> to vector<16xf32>
        %add3A_543 = arith.addf %get3A_542, %get3A_502 : vector<16xf32>
        %add3A_544 = arith.constant 91 : i32
        %add3A_545 = arith.addi %add3A_544, %scan3A_127 : i32
        %mul3A_546 = arith.constant 128 : i32
        %mul3A_547 = arith.muli %add3A_545, %mul3A_546 : i32
        %add3A_548 = arith.constant 80 : i32
        %add3A_549 = arith.addi %mul3A_547, %add3A_548 : i32
        %swap3A_550 = arith.index_cast %add3A_549 : i32 to index
        %swap3A_551 = tpu.vector_load %arg18[%swap3A_550] {strides = array<i32>} : memref<19968xf32, #tpu.memory_space<vmem>>, vector<16xf32>,
        %swap3A_552 = vector.shape_cast %swap3A_551 : vector<16xf32> to vector<16xf32>
        %swap3A_553 = vector.shape_cast %add3A_543 : vector<16xf32> to vector<16xf32>
        tpu.vector_store %arg18[%swap3A_550], %swap3A_553 {strides = array<i32>} : memref<19968xf32, #tpu.memory_space<vmem>>, vector<16xf32>,
        %add3A_554 = arith.constant 78 : i32
        %add3A_555 = arith.addi %add3A_554, %scan3A_127 : i32
        %get3A_556 = arith.index_cast %add3A_555 : i32 to index
        %get3A_557 = arith.constant 80 : index
        %get3A_558 = tpu.vector_load %arg16[%get3A_556, %get3A_557] {strides = array<i32>} : memref<104x128xf32, #tpu.memory_space<vmem>>, vector<1x16xf32>,
        %get3A_559 = vector.shape_cast %get3A_558 : vector<1x16xf32> to vector<16xf32>
        %add3A_560 = arith.addf %get3A_559, %get3A_502 : vector<16xf32>
        %add3A_561 = arith.constant 130 : i32
        %add3A_562 = arith.addi %add3A_561, %scan3A_127 : i32
        %mul3A_563 = arith.constant 128 : i32
        %mul3A_564 = arith.muli %add3A_562, %mul3A_563 : i32
        %add3A_565 = arith.constant 80 : i32
        %add3A_566 = arith.addi %mul3A_564, %add3A_565 : i32
        %swap3A_567 = arith.index_cast %add3A_566 : i32 to index
        %swap3A_568 = tpu.vector_load %arg18[%swap3A_567] {strides = array<i32>} : memref<19968xf32, #tpu.memory_space<vmem>>, vector<16xf32>,
        %swap3A_569 = vector.shape_cast %swap3A_568 : vector<16xf32> to vector<16xf32>
        %swap3A_570 = vector.shape_cast %add3A_560 : vector<16xf32> to vector<16xf32>
        tpu.vector_store %arg18[%swap3A_567], %swap3A_570 {strides = array<i32>} : memref<19968xf32, #tpu.memory_space<vmem>>, vector<16xf32>,
        %add3A_571 = arith.constant 13 : i32
        %add3A_572 = arith.addi %add3A_571, %scan3A_127 : i32
        %get3A_573 = arith.index_cast %add3A_572 : i32 to index
        %get3A_574 = arith.constant 96 : index
        %get3A_575 = tpu.vector_load %arg14[%get3A_573, %get3A_574] {strides = array<i32>} : memref<39x128xf32, #tpu.memory_space<vmem>>, vector<1x16xf32>,
        %get3A_576 = vector.shape_cast %get3A_575 : vector<1x16xf32> to vector<16xf32>
        %add3A_577 = arith.constant 0 : i32
        %add3A_578 = arith.addi %add3A_577, %scan3A_127 : i32
        %get3A_579 = arith.index_cast %add3A_578 : i32 to index
        %get3A_580 = arith.constant 96 : index
        %get3A_581 = tpu.vector_load %arg16[%get3A_579, %get3A_580] {strides = array<i32>} : memref<104x128xf32, #tpu.memory_space<vmem>>, vector<1x16xf32>,
        %get3A_582 = vector.shape_cast %get3A_581 : vector<1x16xf32> to vector<16xf32>
        %add3A_583 = arith.addf %get3A_582, %get3A_576 : vector<16xf32>
        %add3A_584 = arith.constant 13 : i32
        %add3A_585 = arith.addi %add3A_584, %scan3A_127 : i32
        %mul3A_586 = arith.constant 128 : i32
        %mul3A_587 = arith.muli %add3A_585, %mul3A_586 : i32
        %add3A_588 = arith.constant 96 : i32
        %add3A_589 = arith.addi %mul3A_587, %add3A_588 : i32
        %swap3A_590 = arith.index_cast %add3A_589 : i32 to index
        %swap3A_591 = tpu.vector_load %arg18[%swap3A_590] {strides = array<i32>} : memref<19968xf32, #tpu.memory_space<vmem>>, vector<16xf32>,
        %swap3A_592 = vector.shape_cast %swap3A_591 : vector<16xf32> to vector<16xf32>
        %swap3A_593 = vector.shape_cast %add3A_583 : vector<16xf32> to vector<16xf32>
        tpu.vector_store %arg18[%swap3A_590], %swap3A_593 {strides = array<i32>} : memref<19968xf32, #tpu.memory_space<vmem>>, vector<16xf32>,
        %add3A_594 = arith.constant 26 : i32
        %add3A_595 = arith.addi %add3A_594, %scan3A_127 : i32
        %get3A_596 = arith.index_cast %add3A_595 : i32 to index
        %get3A_597 = arith.constant 96 : index
        %get3A_598 = tpu.vector_load %arg16[%get3A_596, %get3A_597] {strides = array<i32>} : memref<104x128xf32, #tpu.memory_space<vmem>>, vector<1x16xf32>,
        %get3A_599 = vector.shape_cast %get3A_598 : vector<1x16xf32> to vector<16xf32>
        %add3A_600 = arith.addf %get3A_599, %get3A_576 : vector<16xf32>
        %add3A_601 = arith.constant 52 : i32
        %add3A_602 = arith.addi %add3A_601, %scan3A_127 : i32
        %mul3A_603 = arith.constant 128 : i32
        %mul3A_604 = arith.muli %add3A_602, %mul3A_603 : i32
        %add3A_605 = arith.constant 96 : i32
        %add3A_606 = arith.addi %mul3A_604, %add3A_605 : i32
        %swap3A_607 = arith.index_cast %add3A_606 : i32 to index
        %swap3A_608 = tpu.vector_load %arg18[%swap3A_607] {strides = array<i32>} : memref<19968xf32, #tpu.memory_space<vmem>>, vector<16xf32>,
        %swap3A_609 = vector.shape_cast %swap3A_608 : vector<16xf32> to vector<16xf32>
        %swap3A_610 = vector.shape_cast %add3A_600 : vector<16xf32> to vector<16xf32>
        tpu.vector_store %arg18[%swap3A_607], %swap3A_610 {strides = array<i32>} : memref<19968xf32, #tpu.memory_space<vmem>>, vector<16xf32>,
        %add3A_611 = arith.constant 52 : i32
        %add3A_612 = arith.addi %add3A_611, %scan3A_127 : i32
        %get3A_613 = arith.index_cast %add3A_612 : i32 to index
        %get3A_614 = arith.constant 96 : index
        %get3A_615 = tpu.vector_load %arg16[%get3A_613, %get3A_614] {strides = array<i32>} : memref<104x128xf32, #tpu.memory_space<vmem>>, vector<1x16xf32>,
        %get3A_616 = vector.shape_cast %get3A_615 : vector<1x16xf32> to vector<16xf32>
        %add3A_617 = arith.addf %get3A_616, %get3A_576 : vector<16xf32>
        %add3A_618 = arith.constant 91 : i32
        %add3A_619 = arith.addi %add3A_618, %scan3A_127 : i32
        %mul3A_620 = arith.constant 128 : i32
        %mul3A_621 = arith.muli %add3A_619, %mul3A_620 : i32
        %add3A_622 = arith.constant 96 : i32
        %add3A_623 = arith.addi %mul3A_621, %add3A_622 : i32
        %swap3A_624 = arith.index_cast %add3A_623 : i32 to index
        %swap3A_625 = tpu.vector_load %arg18[%swap3A_624] {strides = array<i32>} : memref<19968xf32, #tpu.memory_space<vmem>>, vector<16xf32>,
        %swap3A_626 = vector.shape_cast %swap3A_625 : vector<16xf32> to vector<16xf32>
        %swap3A_627 = vector.shape_cast %add3A_617 : vector<16xf32> to vector<16xf32>
        tpu.vector_store %arg18[%swap3A_624], %swap3A_627 {strides = array<i32>} : memref<19968xf32, #tpu.memory_space<vmem>>, vector<16xf32>,
        %add3A_628 = arith.constant 78 : i32
        %add3A_629 = arith.addi %add3A_628, %scan3A_127 : i32
        %get3A_630 = arith.index_cast %add3A_629 : i32 to index
        %get3A_631 = arith.constant 96 : index
        %get3A_632 = tpu.vector_load %arg16[%get3A_630, %get3A_631] {strides = array<i32>} : memref<104x128xf32, #tpu.memory_space<vmem>>, vector<1x16xf32>,
        %get3A_633 = vector.shape_cast %get3A_632 : vector<1x16xf32> to vector<16xf32>
        %add3A_634 = arith.addf %get3A_633, %get3A_576 : vector<16xf32>
        %add3A_635 = arith.constant 130 : i32
        %add3A_636 = arith.addi %add3A_635, %scan3A_127 : i32
        %mul3A_637 = arith.constant 128 : i32
        %mul3A_638 = arith.muli %add3A_636, %mul3A_637 : i32
        %add3A_639 = arith.constant 96 : i32
        %add3A_640 = arith.addi %mul3A_638, %add3A_639 : i32
        %swap3A_641 = arith.index_cast %add3A_640 : i32 to index
        %swap3A_642 = tpu.vector_load %arg18[%swap3A_641] {strides = array<i32>} : memref<19968xf32, #tpu.memory_space<vmem>>, vector<16xf32>,
        %swap3A_643 = vector.shape_cast %swap3A_642 : vector<16xf32> to vector<16xf32>
        %swap3A_644 = vector.shape_cast %add3A_634 : vector<16xf32> to vector<16xf32>
        tpu.vector_store %arg18[%swap3A_641], %swap3A_644 {strides = array<i32>} : memref<19968xf32, #tpu.memory_space<vmem>>, vector<16xf32>,
        %add3A_645 = arith.constant 13 : i32
        %add3A_646 = arith.addi %add3A_645, %scan3A_127 : i32
        %get3A_647 = arith.index_cast %add3A_646 : i32 to index
        %get3A_648 = arith.constant 112 : index
        %get3A_649 = tpu.vector_load %arg14[%get3A_647, %get3A_648] {strides = array<i32>} : memref<39x128xf32, #tpu.memory_space<vmem>>, vector<1x16xf32>,
        %get3A_650 = vector.shape_cast %get3A_649 : vector<1x16xf32> to vector<16xf32>
        %add3A_651 = arith.constant 0 : i32
        %add3A_652 = arith.addi %add3A_651, %scan3A_127 : i32
        %get3A_653 = arith.index_cast %add3A_652 : i32 to index
        %get3A_654 = arith.constant 112 : index
        %get3A_655 = tpu.vector_load %arg16[%get3A_653, %get3A_654] {strides = array<i32>} : memref<104x128xf32, #tpu.memory_space<vmem>>, vector<1x16xf32>,
        %get3A_656 = vector.shape_cast %get3A_655 : vector<1x16xf32> to vector<16xf32>
        %add3A_657 = arith.addf %get3A_656, %get3A_650 : vector<16xf32>
        %add3A_658 = arith.constant 13 : i32
        %add3A_659 = arith.addi %add3A_658, %scan3A_127 : i32
        %mul3A_660 = arith.constant 128 : i32
        %mul3A_661 = arith.muli %add3A_659, %mul3A_660 : i32
        %add3A_662 = arith.constant 112 : i32
        %add3A_663 = arith.addi %mul3A_661, %add3A_662 : i32
        %swap3A_664 = arith.index_cast %add3A_663 : i32 to index
        %swap3A_665 = tpu.vector_load %arg18[%swap3A_664] {strides = array<i32>} : memref<19968xf32, #tpu.memory_space<vmem>>, vector<16xf32>,
        %swap3A_666 = vector.shape_cast %swap3A_665 : vector<16xf32> to vector<16xf32>
        %swap3A_667 = vector.shape_cast %add3A_657 : vector<16xf32> to vector<16xf32>
        tpu.vector_store %arg18[%swap3A_664], %swap3A_667 {strides = array<i32>} : memref<19968xf32, #tpu.memory_space<vmem>>, vector<16xf32>,
        %add3A_668 = arith.constant 26 : i32
        %add3A_669 = arith.addi %add3A_668, %scan3A_127 : i32
        %get3A_670 = arith.index_cast %add3A_669 : i32 to index
        %get3A_671 = arith.constant 112 : index
        %get3A_672 = tpu.vector_load %arg16[%get3A_670, %get3A_671] {strides = array<i32>} : memref<104x128xf32, #tpu.memory_space<vmem>>, vector<1x16xf32>,
        %get3A_673 = vector.shape_cast %get3A_672 : vector<1x16xf32> to vector<16xf32>
        %add3A_674 = arith.addf %get3A_673, %get3A_650 : vector<16xf32>
        %add3A_675 = arith.constant 52 : i32
        %add3A_676 = arith.addi %add3A_675, %scan3A_127 : i32
        %mul3A_677 = arith.constant 128 : i32
        %mul3A_678 = arith.muli %add3A_676, %mul3A_677 : i32
        %add3A_679 = arith.constant 112 : i32
        %add3A_680 = arith.addi %mul3A_678, %add3A_679 : i32
        %swap3A_681 = arith.index_cast %add3A_680 : i32 to index
        %swap3A_682 = tpu.vector_load %arg18[%swap3A_681] {strides = array<i32>} : memref<19968xf32, #tpu.memory_space<vmem>>, vector<16xf32>,
        %swap3A_683 = vector.shape_cast %swap3A_682 : vector<16xf32> to vector<16xf32>
        %swap3A_684 = vector.shape_cast %add3A_674 : vector<16xf32> to vector<16xf32>
        tpu.vector_store %arg18[%swap3A_681], %swap3A_684 {strides = array<i32>} : memref<19968xf32, #tpu.memory_space<vmem>>, vector<16xf32>,
        %add3A_685 = arith.constant 52 : i32
        %add3A_686 = arith.addi %add3A_685, %scan3A_127 : i32
        %get3A_687 = arith.index_cast %add3A_686 : i32 to index
        %get3A_688 = arith.constant 112 : index
        %get3A_689 = tpu.vector_load %arg16[%get3A_687, %get3A_688] {strides = array<i32>} : memref<104x128xf32, #tpu.memory_space<vmem>>, vector<1x16xf32>,
        %get3A_690 = vector.shape_cast %get3A_689 : vector<1x16xf32> to vector<16xf32>
        %add3A_691 = arith.addf %get3A_690, %get3A_650 : vector<16xf32>
        %add3A_692 = arith.constant 91 : i32
        %add3A_693 = arith.addi %add3A_692, %scan3A_127 : i32
        %mul3A_694 = arith.constant 128 : i32
        %mul3A_695 = arith.muli %add3A_693, %mul3A_694 : i32
        %add3A_696 = arith.constant 112 : i32
        %add3A_697 = arith.addi %mul3A_695, %add3A_696 : i32
        %swap3A_698 = arith.index_cast %add3A_697 : i32 to index
        %swap3A_699 = tpu.vector_load %arg18[%swap3A_698] {strides = array<i32>} : memref<19968xf32, #tpu.memory_space<vmem>>, vector<16xf32>,
        %swap3A_700 = vector.shape_cast %swap3A_699 : vector<16xf32> to vector<16xf32>
        %swap3A_701 = vector.shape_cast %add3A_691 : vector<16xf32> to vector<16xf32>
        tpu.vector_store %arg18[%swap3A_698], %swap3A_701 {strides = array<i32>} : memref<19968xf32, #tpu.memory_space<vmem>>, vector<16xf32>,
        %add3A_702 = arith.constant 78 : i32
        %add3A_703 = arith.addi %add3A_702, %scan3A_127 : i32
        %get3A_704 = arith.index_cast %add3A_703 : i32 to index
        %get3A_705 = arith.constant 112 : index
        %get3A_706 = tpu.vector_load %arg16[%get3A_704, %get3A_705] {strides = array<i32>} : memref<104x128xf32, #tpu.memory_space<vmem>>, vector<1x16xf32>,
        %get3A_707 = vector.shape_cast %get3A_706 : vector<1x16xf32> to vector<16xf32>
        %add3A_708 = arith.addf %get3A_707, %get3A_650 : vector<16xf32>
        %add3A_709 = arith.constant 130 : i32
        %add3A_710 = arith.addi %add3A_709, %scan3A_127 : i32
        %mul3A_711 = arith.constant 128 : i32
        %mul3A_712 = arith.muli %add3A_710, %mul3A_711 : i32
        %add3A_713 = arith.constant 112 : i32
        %add3A_714 = arith.addi %mul3A_712, %add3A_713 : i32
        %swap3A_715 = arith.index_cast %add3A_714 : i32 to index
        %swap3A_716 = tpu.vector_load %arg18[%swap3A_715] {strides = array<i32>} : memref<19968xf32, #tpu.memory_space<vmem>>, vector<16xf32>,
        %swap3A_717 = vector.shape_cast %swap3A_716 : vector<16xf32> to vector<16xf32>
        %swap3A_718 = vector.shape_cast %add3A_708 : vector<16xf32> to vector<16xf32>
        tpu.vector_store %arg18[%swap3A_715], %swap3A_718 {strides = array<i32>} : memref<19968xf32, #tpu.memory_space<vmem>>, vector<16xf32>,
      }
      %scan3A_117 = arith.constant 26 : i32
      %mul3A_118 = arith.constant 39 : i32
      %mul3A_119 = arith.muli %mul3A_2, %mul3A_118 : i32
      %mul3A_120 = arith.constant 128 : i32
      %mul3A_121 = arith.muli %mul3A_119, %mul3A_120 : i32
      %mul3A_122 = arith.constant 19968 : i32
      %mul3A_123 = arith.muli %add3A_86, %mul3A_122 : i32
      %add3A_124 = arith.addi %mul3A_121, %mul3A_123 : i32
      %dma_start3A_125 = tpu.memref_slice %arg8[%add3A_124] : memref<20447232xf32, #tpu.memory_space<hbm>> -> memref<19968xf32, #tpu.memory_space<hbm>>
      %dma_start3A_126 = tpu.memref_slice %arg8[%add3A_124] : memref<20447232xf32, #tpu.memory_space<hbm>> -> memref<19968xf32, #tpu.memory_space<hbm>>
      tpu.enqueue_dma source(%arg18 : memref<19968xf32, #tpu.memory_space<vmem>>) target(%dma_start3A_126 : memref<19968xf32, #tpu.memory_space<hbm>>) target_semaphore(%arg22 : memref<!tpu.dma_semaphore, #tpu.memory_space<semaphore_mem>>)
    }
    %scan3A_26 = arith.constant 16 : i32
    %mul3A_27 = arith.constant 39 : i32
    %mul3A_28 = arith.muli %mul3A_2, %mul3A_27 : i32
    %mul3A_29 = arith.constant 128 : i32
    %mul3A_30 = arith.muli %mul3A_28, %mul3A_29 : i32
    %add3A_31 = arith.constant 599040 : i32
    %add3A_32 = arith.addi %mul3A_30, %add3A_31 : i32
    %dma_wait3A = tpu.memref_slice %arg8[%add3A_32] : memref<20447232xf32, #tpu.memory_space<hbm>> -> memref<19968xf32, #tpu.memory_space<hbm>>
    %dma_wait3A_33 = tpu.memref_slice %arg8[%add3A_32] : memref<20447232xf32, #tpu.memory_space<hbm>> -> memref<19968xf32, #tpu.memory_space<hbm>>
    tpu.wait_dma2 semaphore(%arg21 : memref<!tpu.dma_semaphore, #tpu.memory_space<semaphore_mem>>) src(%arg17 : memref<19968xf32, #tpu.memory_space<vmem>>) dst(%dma_wait3A_33 : memref<19968xf32, #tpu.memory_space<hbm>>)
    %mul3A_34 = arith.constant 39 : i32
    %mul3A_35 = arith.muli %mul3A_2, %mul3A_34 : i32
    %mul3A_36 = arith.constant 128 : i32
    %mul3A_37 = arith.muli %mul3A_35, %mul3A_36 : i32
    %add3A_38 = arith.constant 619008 : i32
    %add3A_39 = arith.addi %mul3A_37, %add3A_38 : i32
    %dma_wait3A_40 = tpu.memref_slice %arg8[%add3A_39] : memref<20447232xf32, #tpu.memory_space<hbm>> -> memref<19968xf32, #tpu.memory_space<hbm>>
    %dma_wait3A_41 = tpu.memref_slice %arg8[%add3A_39] : memref<20447232xf32, #tpu.memory_space<hbm>> -> memref<19968xf32, #tpu.memory_space<hbm>>
    tpu.wait_dma2 semaphore(%arg22 : memref<!tpu.dma_semaphore, #tpu.memory_space<semaphore_mem>>) src(%arg18 : memref<19968xf32, #tpu.memory_space<vmem>>) dst(%dma_wait3A_41 : memref<19968xf32, #tpu.memory_space<hbm>>)
    return
  }
}

</mosaic_0001>

<sc_bundles>
// kernel: kernel.3.cloned.1.call-start
scs
__scs_entry_jumppad:
0x0: {  	(pc) =	sbr.rel $0x88, $3  }
0x1: {  	(tag) =	ssettag $0x0;
	lr =	simm.s32 $0x1  }
0x2: {  	[smem:$0x3F9B] =	sst lr;
	_ =	strace $0xD0000000  }
0x3: {  	_ = 	snop  }
0x4: {  	_ = 	snop  }
0x5: {  	_ = 	snop  }
0x6: {  	_ = 	snop  }
0x7: {  	_ = 	snop  }
__scs_overlays_trampoline_lowered:
0x8: {  	[smem:$0x3FAA] =	sst s0  }
0x9: {  	[smem:$0x3FAB] =	sst s1  }
0xa: {  	[smem:$0x3FAC] =	sst s2  }
0xb: {  	[smem:$0x3FAD] =	sst s3  }
0xc: {  	[smem:$0x3FAE] =	sst s4  }
0xd: {  	[smem:$0x3FAF] =	sst s5  }
0xe: {  	[smem:$0x3FB0] =	sst s6  }
0xf: {  	[smem:$0x3FB1] =	sst s7  }
0x10: {  	[smem:$0x3FB2] =	sst s8  }
0x11: {  	[smem:$0x3FB3] =	sst s9;
	s0 =	simm.s32 @!p0 $0x0  }
0x12: {  	s1 =	sld [smem:$0x3F99];
	s0 =	simm.s32 @p0 $0x1  }
0x13: {  	[smem:$0x3FB4] =	sst s0;
	s0 =	simm.s32 @!p1 $0x0  }
0x14: {  	s2 =	sld [smem:$0x3F98];
	s0 =	simm.s32 @p1 $0x1  }
0x15: {  	[smem:$0x3FB5] =	sst s0;
	s0 =	simm.s32 @!p2 $0x0  }
0x16: {  	s3 =	sld [smem:$0x3FDB];
	s0 =	simm.s32 @p2 $0x1  }
0x17: {  	s4 =	simm.s32 $0x1BF5;
	[smem:$0x3FB7] =	sst s0  }
0x18: {  	s0 =	sld [smem:$0x3F9A];
	_ =	swait.ge [sflag:s4], $0x0  }
0x19: {  	s7 =	sld [smem:$0x3F9B]  }
0x1a: {  	s8 =	sadd.s32 $0xFFFFE003, lr  }
0x1b: {  	s9 =	sadd.s32 $0xFFFFFEF7, lr;
	s5 =	simm.s32 $0xFFFFFFFF;
	p2 =	slt.u32 s8, $0xFFFFF086  }
0x1c: {  	p1 =	slt.u32 s9, $0xF7A;
	s5 =	simm.s32 @!p2 $0x0  }
0x1d: {  	s5 =	simm.s32 @p1 $0x1;
	p0 =	seq.s32 s7, s2  }
0x1e: {  	s7 =	smul.u32 @!p0 $0xF7A, s2;
	p2 =	seq.s32 @!p0 s5, $0x0  }
0x1f: {  	s9 =	smul.u32 $0xF7A, s1;
	s8 =	simm.s32 @!p0 $0x1BF5;
	p2 =	por !p2, p0  }
0x20: {  	[sflag:s8] =	ssyncset.s32 @!p0 $0xFFFFF086;
	s6 =	sadd.s32 @!p0 s3, s7;
	s7 =	simm.s32 @!p0 $0x108  }
0x21: {  	s3 =	sadd.s32 s3, s9;
	s6 =	sadd.s32 @!p0 $0x88, s6;
	s7 =	simm.s32 @p2 $0x1082  }
0x22: {  	[simem:s7], [sflag:s8] =	dma.local @!p0 [hbm:s6], $0xF7A  }
0x23: {  	s9 =	sor.u32 $0xD0000000, s2;
	s6 =	simm.s32 $0x108;
	_ =	swait.ge @!p0 [sflag:s8], $0x0  }
0x24: {  	s3 =	sadd.s32 $0x88, s3;
	s6 =	simm.s32 @!p1 $0x1082;
	[sflag:s4] =	ssyncset.s32 $0xFFFFF086  }
0x25: {  	[simem:s6], [sflag:s4] =	dma.local [hbm:s3], $0xF7A  }
0x26: {  	[smem:$0x3F9B] =	sst s1;
	(tag) =	ssettag s2;
	_ =	strace s9  }
0x27: {  	s1 =	sld [smem:$0x3FAB]  }
0x28: {  	s2 =	sld [smem:$0x3FAC]  }
0x29: {  	s4 =	sld [smem:$0x3FAE]  }
0x2a: {  	p0 =	seq.s32 s5, $0x0;
	s5 =	sld [smem:$0x3FAF]  }
0x2b: {  	s6 =	sld [smem:$0x3FB0]  }
0x2c: {  	s7 =	sld [smem:$0x3FB1]  }
0x2d: {  	s3 =	simm.s32 $0x108;
	s8 =	sld [smem:$0x3FB2]  }
0x2e: {  	s3 =	simm.s32 @!p0 $0x1082;
	s9 =	sld [smem:$0x3FB3]  }
0x2f: {  	lr =	sadd.s32 s0, s3;
	s0 =	sld [smem:$0x3FAA]  }
0x30: {  	s3 =	sld [smem:$0x3FAD]  }
0x31: {  	[smem:$0x3FB6] =	sst s10  }
0x32: {  	s10 =	sld [smem:$0x3FB4];
	_ =	sdelay $0x3  }
0x33: {  	p0 =	seq.s32 s10, $0x1;
	s10 =	sld [smem:$0x3FB6];
	_ =	sdelay $0x3  }
0x34: {  	[smem:$0x3FB6] =	sst s10  }
0x35: {  	s10 =	sld [smem:$0x3FB5];
	_ =	sdelay $0x3  }
0x36: {  	p1 =	seq.s32 s10, $0x1;
	s10 =	sld [smem:$0x3FB6];
	_ =	sdelay $0x3  }
0x37: {  	[smem:$0x3FB6] =	sst s10  }
0x38: {  	s10 =	sld [smem:$0x3FB7]  }
0x39: {  	_ = 	snop;
	(pc) =	sbr.ind lr, $3  }
0x3a: {  	_ = 	snop  }
0x3b: {  	_ = 	snop  }
0x3c: {  	p2 =	seq.s32 s10, $0x1;
	s10 =	sld [smem:$0x3FB6]  }
0x3d: {  	_ =	shalt  }
0x3e: {  	_ =	shalt  }
0x3f: {  	_ =	shalt  }
0x40: {  	_ =	shalt  }
0x41: {  	_ =	shalt  }
0x42: {  	_ =	shalt  }
0x43: {  	_ =	shalt  }
0x44: {  	_ =	shalt  }
0x45: {  	_ =	shalt  }
0x46: {  	_ =	shalt  }
0x47: {  	_ =	shalt  }
0x48: {  	_ =	shalt  }
0x49: {  	_ =	shalt  }
0x4a: {  	_ =	shalt  }
0x4b: {  	_ =	shalt  }
0x4c: {  	_ =	shalt  }
0x4d: {  	_ =	shalt  }
0x4e: {  	_ =	shalt  }
0x4f: {  	_ =	shalt  }
0x50: {  	_ =	shalt  }
0x51: {  	_ =	shalt  }
0x52: {  	_ =	shalt  }
0x53: {  	_ =	shalt  }
0x54: {  	_ =	shalt  }
0x55: {  	_ =	shalt  }
0x56: {  	_ =	shalt  }
0x57: {  	_ =	shalt  }
0x58: {  	_ =	shalt  }
0x59: {  	_ =	shalt  }
0x5a: {  	_ =	shalt  }
0x5b: {  	_ =	shalt  }
0x5c: {  	_ =	shalt  }
0x5d: {  	_ =	shalt  }
0x5e: {  	_ =	shalt  }
0x5f: {  	_ =	shalt  }
0x60: {  	_ =	shalt  }
0x61: {  	_ =	shalt  }
0x62: {  	_ =	shalt  }
0x63: {  	_ =	shalt  }
0x64: {  	_ =	shalt  }
0x65: {  	_ =	shalt  }
0x66: {  	_ =	shalt  }
0x67: {  	_ =	shalt  }
0x68: {  	_ =	shalt  }
0x69: {  	_ =	shalt  }
0x6a: {  	_ =	shalt  }
0x6b: {  	_ =	shalt  }
0x6c: {  	_ =	shalt  }
0x6d: {  	_ =	shalt  }
0x6e: {  	_ =	shalt  }
0x6f: {  	_ =	shalt  }
0x70: {  	_ =	shalt  }
0x71: {  	_ =	shalt  }
0x72: {  	_ =	shalt  }
0x73: {  	_ =	shalt  }
0x74: {  	_ =	shalt  }
0x75: {  	_ =	shalt  }
0x76: {  	_ =	shalt  }
0x77: {  	_ =	shalt  }
0x78: {  	_ =	shalt  }
0x79: {  	_ =	shalt  }
0x7a: {  	_ =	shalt  }
0x7b: {  	_ =	shalt  }
0x7c: {  	_ =	shalt  }
0x7d: {  	_ =	shalt  }
0x7e: {  	_ =	shalt  }
0x7f: {  	_ =	shalt  }
0x80: {  	_ =	shalt  }
0x81: {  	_ =	shalt  }
0x82: {  	_ =	shalt  }
0x83: {  	_ =	shalt  }
0x84: {  	_ =	shalt  }
0x85: {  	_ =	shalt  }
0x86: {  	_ =	shalt  }
0x87: {  	_ =	shalt  }
.Lfunc_end0:
.L_simem_size_0:
called_computation_lowered:
.L_overlay_start_0:
0x88: {  	s2 =	sld [smem:$0x3FD9]  }
0x89: {  	s3 =	sld [smem:$0x3FFE];
	_ =	sdelay $0x1  }
0x8a: {  	s1 =	srdreg.scid  }
0x8b: {  	s0 =	sand.u32 $0x1, s1  }
0x8c: {  	s17 =	sshll.u32 s0, $0xA;
	s2 =	sadd.s32 s3, s2  }
0x8d: {  	s2 =	sadd.s32 s2, s17  }
0x8e: {  	[smem:$0x3FC2] =	sst s2  }
0x8f: {  	_ = 	snop  }
0x90: {  	s2 =	sld [smem:$0x3FC7]  }
0x91: {  	s18 =	sld [smem:$0x3FC6]  }
0x92: {  	s4 =	sld [smem:$0x3FC5]  }
0x93: {  	s5 =	sld [smem:$0x3FC4]  }
0x94: {  	s6 =	sld [smem:$0x3FD0];
	(tm) =	ssettm $0x1  }
0x95: {  	s7 =	sld [smem:$0x3FFB];
	_ =	sdelay $0x3  }
0x96: {  	_ =	strace s7  }
0x97: {  	s7 =	sld [smem:$0x3FFC];
	_ =	sdelay $0x3  }
0x98: {  	_ =	strace s7  }
0x99: {  	s7 =	sld [smem:$0x3FFD];
	_ =	sdelay $0x3  }
0x9a: {  	_ =	strace s7  }
0x9b: {  	_ =	strace $0x8FFFFFFF  }
0x9c: {  	s19 =	sld [smem:$0x3FDB];
	_ =	sdelay $0x1  }
0x9d: {  	s8 =	simm.s32 $_scs_section_size  }
0x9e: {  	s9 =	simm.s32 $_size__tile_overlayer_lowered;
	s10 =	simm.s32 $_tile_overlayer_lowered  }
0x9f: {  	s22 =	simm.s32 $0x1BFF;
	s21 =	sshll.u32 s10, $0x1;
	s7 =	sadd.s32 s8, s19  }
0xa0: {  	s11 =	simm.s32 $0x0;
	s20 =	sshll.u32 s9, $0x1;
	s9 =	sadd.s32 s21, s7  }
0xa1: {  	[timem:s11], [sflag:s22] =	dma.local [hbm:s9], s20  }
0xa2: {  	_ =	swait.ge [sflag:s22], s20  }
0xa3: {  	s8 =	ssub.s32 $0x0, s20;
	[sflag:s22] =	ssyncset.done $0x0  }
0xa4: {  	[sflag:s22] =	ssyncadd.s32 s8;
	_ =	sdelay $0x1  }
0xa5: {  	s23 =	simm.s32 $0x1B8B  }
0xa6: {  	_ =	swait.ge [sflag:s23], $0x1  }
0xa7: {  	[sflag:s23] =	ssyncset.done $0x0  }
0xa8: {  	s25 =	simm.s32 $0x1B8E;
	s24 =	sld [smem:$0x3FFE];
	[sflag:s23] =	ssyncadd.s32 $0xFFFFFFFF  }
0xa9: {  	s26 =	simm.s32 $execute0_lowered;
	[smem:$0x3FD2] =	sst s25  }
0xaa: {  	s9 =	sshll.u32 s26, $0x1;
	_ =	strace $0x80000046;
	[dreg:$0x1] =	wrdreg $0xFFFFFFFF  }
0xab: {  	s28 =	simm.s32 $_size_execute0_lowered;
	s7 =	sadd.s32 s7, s9;
	[dreg:$0x0] =	wrdreg $0x0  }
0xac: {  	s9 =	sshll.u32 s28, $0x1;
	[dreg:$0x2] =	wrdreg s7  }
0xad: {  	[dreg:$0x3] =	wrdreg s9  }
0xae: {  	[dreg:$0x4] =	wrdreg $0xC0  }
0xaf: {  	_ =	task [dreg:s11], $0x5FFFF  }
0xb0: {  	[dreg:$0x1] =	wrdreg $0xFFFFFFFF  }
0xb1: {  	[dreg:$0x0] =	wrdreg $0x60  }
0xb2: {  	[dreg:$0x2] =	wrdreg s24  }
0xb3: {  	[dreg:$0x3] =	wrdreg s2  }
0xb4: {  	[dreg:$0x4] =	wrdreg s18  }
0xb5: {  	[dreg:$0x5] =	wrdreg s5  }
0xb6: {  	[dreg:$0x6] =	wrdreg s4  }
0xb7: {  	[dreg:$0x7] =	wrdreg s6  }
0xb8: {  	[dreg:$0x8] =	wrdreg $0x9  }
0xb9: {  	_ =	task.clear_ibuf [dreg:s11], $0x9FFFF;
	_ =	strace $0x90000046  }
0xba: {  	s29 =	simm.s32 $0x9;
	_ =	strace $0x80000048  }
0xbb: {  	_ =	swait.ge [sflag:s29], $0x1  }
0xbc: {  	[sflag:s29] =	ssyncadd.s32 $0xFFFFFFFF  }
0xbd: {  	_ =	strace $0x90000048  }
0xbe: {  	_ =	sfence  }
0xbf: {  	s30 =	sld [smem:$0x0];
	_ =	sdelay $0x2  }
0xc0: {  	s31 =	sshll.u32 s1, $0xD;
	s1 =	sshrl.u32 s1, $0x2  }
0xc1: {  	s3 =	sand.u32 $0x4000, s31;
	s1 =	sadd.s32 s1, s30  }
0xc2: {  	s0 =	sor.u32 s3, s0;
	s1 =	sshll.u32 s1, $0x11  }
0xc3: {  	s0 =	sor.u32 s1, s0  }
0xc4: {  	s0 =	sadd.s32 $0x8F2B, s0  }
0xc5: {  	[sflag:s0] =	ssyncadd.remote.s32 $0x1  }
0xc6: {  	_ =	sfence.sel $0xFFFF  }
0xc7: {  	[dreg:$0x0] =	wrdreg $0xFFFFFFFF;
	(pc) =	sbr.abs _section_cstart, $3  }
0xc8: {  	[dreg:$0x1] =	wrdreg $0xFFFFFFFF  }
0xc9: {  	_ =	task.clear_ibuf [dreg:s11], $0x2FFFF;
	_ =	strace $0x9FFFFFFF  }
0xca: {  	(tm) =	ssettm $0x7FFFFFFF  }
0xcb: {  	_ =	shalt  }
tec
execute0_lowered:
.L_overlay_start_1:
0x0: {  	(tag) =	ssettag $0x1  }
0x1: {  	s0 =	rddreg [dreg:$0x0];
	s1 =	srdreg.scid  }
0x2: {  	s2 =	stileid.u32;
	s5 =	rddreg [dreg:$0x4]  }
0x3: {  	s6 =	rddreg [dreg:$0x5];
	s7 =	simm.s32 $0x0;
	s12 =	simm.s32 $0x5  }
0x4: {  	s14 =	simm.s32 $0x2180;
	s15 =	simm.s32 $0x2980;
	s16 =	simm.s32 $0x2100  }
0x5: {  	s17 =	simm.s32 $0x68;
	s18 =	simm.s32 $0x1400;
	s19 =	simm.s32 $0x3D80  }
0x6: {  	s20 =	simm.s32 $0x7180;
	s21 =	simm.s32 $0x1;
	s22 =	simm.s32 $0xA580  }
0x7: {  	s23 =	simm.s32 $0x2;
	s1 =	sand.u32 $0x1, s1;
	s2 =	sshll.u32 s2, $0x1  }
0x8: {  	s24 =	simm.s32 $0x4;
	s25 =	simm.s32 $0xF380;
	s2 =	sor.u32 s1, s2  }
0x9: {  	s26 =	simm.s32 $0x3;
	s28 =	simm.s32 $0x0;
	s3 =	smul.u32 $0xD0, s2  }
0xa: {  	[smem:$0x7FF] =	sst s7;
	s1 =	ssub.s32 $0x2, s1;
	s4 =	smul.u32 $0x1A0, s2  }
0xb: {  	_ =	strace $0x80000047;
	s31 =	sshrl.u32 s1, $0x1;
	s10 =	smul.u32 $0x9C000, s2  }
0xc: {  	s1 =	ssub.s32 s1, s31;
	s3 =	sadd.s32 s3, s0;
	s0 =	sadd.s32 s4, s0  }
0xd: {  	s11 =	smax.u32 s1, $0x1;
	s8 =	sadd.s32 $0x400, s3;
	s9 =	sadd.s32 $0x1E00, s0  }
.LBB2_1:
0xe: {  	[tilespmem:s7], [sflag:$0x5] =	stream.linear.gather [hbm4b:s8+s7], $0x680, $0x38;
	[tilespmem:$0x14180] =	vst v63  }
0xf: {  	_ =	swait.ge [sflag:s12], $0x680  }
0x10: {  	[sflag:s12] =	ssyncset.done $0x0  }
0x11: {  	s0 =	simm.s32 $0x700;
	[sflag:s12] =	ssyncadd.s32 $0xFFFFF980  }
0x12: {  	[tilespmem:s0], [sflag:$0x5] =	stream.linear.gather [hbm4b:s9+s7], $0xD00, $0x38;
	[tilespmem:$0x14180] =	vst v63  }
0x13: {  	_ =	swait.ge [sflag:s12], $0xD00  }
0x14: {  	[sflag:s12] =	ssyncset.done $0x0  }
0x15: {  	[sflag:s12] =	ssyncadd.s32 $0xFFFFF300  }
0x16: {  	s29 =	rddreg [dreg:$0x1]  }
0x17: {  	[tilespmem:s14], [sflag:$0x5] =	stream.linear.gather [hbm4b:s29+s7], $0x680, $0x38;
	[tilespmem:$0x14180] =	vst v63  }
0x18: {  	_ =	swait.ge [sflag:s12], $0x680  }
0x19: {  	[sflag:s12] =	ssyncset.done $0x0  }
0x1a: {  	[sflag:s12] =	ssyncadd.s32 $0xFFFFF980  }
0x1b: {  	s30 =	rddreg [dreg:$0x2]  }
0x1c: {  	[tilespmem:s15], [sflag:$0x5] =	stream.linear.gather [hbm4b:s30+s7], $0x1380, $0x38;
	[tilespmem:$0x14180] =	vst v63  }
0x1d: {  	_ =	swait.ge [sflag:s12], $0x1380  }
0x1e: {  	[sflag:s12] =	ssyncset.done $0x0  }
0x1f: {  	[sflag:s12] =	ssyncadd.s32 $0xFFFFEC80  }
0x20: {  	s31 =	rddreg [dreg:$0x3]  }
0x21: {  	[tilespmem:s16], [sflag:$0x5] =	stream.linear.gather [hbm4b:s31+s7], $0x1A, $0x38;
	[tilespmem:$0x14180] =	vst v63  }
0x22: {  	_ =	swait.ge [sflag:s12], $0x1A  }
0x23: {  	[sflag:s12] =	ssyncset.done $0x0  }
0x24: {  	[sflag:s12] =	ssyncadd.s32 $0xFFFFFFE6  }
0x25: {  	v1 =	vld [tilespmem:$0x2100]  }
0x26: {  	s0 =	simm.s32 $0x0;
	v0 =	vld [tilespmem:$0x210A]  }
0x27: {  	v2 =	vld [tilespmem:s0+$0x700]  }
0x28: {  	s1 =	simm.s32 $0x68;
	v3 =	vld [tilespmem:s0+$0x70A]  }
.LBB2_2:
0x29: {  	p0 =	sne.s32 s1, $0x3398  }
.Ltmp0:
0x2a: {  	_ = 	snop;
	(pc) =	sbr.rel @p0 .LBB2_2-.Ltmp0, $4  }
0x2b: {  	_ = 	snop  }
0x2c: {  	s2 =	sshra.s32 s1, $0x2;
	v4 =	vadd.s32 v1, v2  }
0x2d: {  	s1 =	sadd.s32 $0x68, s1;
	v2 =	vld [tilespmem:s2+$0x700];
	[tilespmem:s0+$0x1400] =	vst v4;
	v4 =	vadd.s32 v0, v3  }
0x2e: {  	v3 =	vld [tilespmem:s2+$0x70A];
	[tilespmem:s0+$0x140A] =	vst v4;
	s0 =	smov.u32 s2  }
0x2f: {  	_ =	sdelay $0x2  }
0x30: {  	v1 =	vadd.s32 v1, v2  }
0x31: {  	[tilespmem:s0+$0x1400] =	vst v1;
	v0 =	vadd.s32 v0, v3  }
0x32: {  	s29 =	simm.s32 $0x0;
	s30 =	simm.s32 $0x1A;
	s2 =	simm.s32 $0x5B;
	[tilespmem:s0+$0x140A] =	vst v0  }
0x33: {  	[tilespmem:s19], [sflag:$0x1] =	stream.indirect.gather [hbm4b:s5+s17], $0x80, s18, s17, $0xb8;
	[tilespmem:$0x14180] =	vst v63  }
.LBB2_4:
0x34: {  	s4 =	sshllo.u32 s29, $0x1  }
0x35: {  	s0 =	smul.u32 $0x1A0, s4;
	_ =	sdelay $0x1  }
0x36: {  	s0 =	sshra.s32 s0, $0x2  }
0x37: {  	s0 =	sadd.s32 $0x1400, s0  }
0x38: {  	[tilespmem:s20], [sflag:$0x2] =	stream.indirect.gather [hbm4b:s5+s17], $0x80, s0, s17, $0xb8;
	[tilespmem:$0x14180] =	vst v63  }
0x39: {  	_ =	swait.ge [sflag:s21], $0x3400  }
0x3a: {  	p0 =	seq.s32 s29, $0x0;
	[sflag:s21] =	ssyncset.done $0x0  }
0x3b: {  	s0 =	simm.s32 @!p0 $0x3;
	[sflag:s21] =	ssyncadd.s32 $0xFFFFCC00  }
0x3c: {  	_ =	swait.ge @!p0 [sflag:s0], $0x4E00  }
0x3d: {  	[sflag:s0] =	ssyncset.done @!p0 $0x0  }
0x3e: {  	[sflag:s0] =	ssyncadd.s32 @!p0 $0xFFFFB200;
	s0 =	simm.s32 $0x0  }
0x3f: {  	v5 =	vld [tilespmem:s0+$0x2980]  }
0x40: {  	v0 =	vld [tilespmem:s0+$0x29B0]  }
0x41: {  	v1 =	vld [tilespmem:s0+$0x29C0]  }
0x42: {  	v2 =	vld [tilespmem:s0+$0x29D0]  }
0x43: {  	v3 =	vld [tilespmem:s0+$0x29E0]  }
0x44: {  	v6 =	vld [tilespmem:s0+$0x29F0]  }
0x45: {  	v8 =	vld [tilespmem:s0+$0x2180]  }
0x46: {  	v4 =	vld [tilespmem:s0+$0x21C0]  }
0x47: {  	v7 =	vld [tilespmem:s0+$0x21E0]  }
0x48: {  	s3 =	simm.s32 $0x200;
	s1 =	smov.u32 s30;
	v9 =	vld.msk [tilespmem:s30+$0xD ss:$0x0], $0xffff  }
.LBB2_5:
0x49: {  	p1 =	sne.s32 s3, $0x1800;
	v10 =	vld [tilespmem:s0+$0x21F0]  }
0x4a: {  	v11 =	vld [tilespmem:s0+$0x21D0]  }
0x4b: {  	v12 =	vld [tilespmem:s0+$0x21B0]  }
0x4c: {  	v13 =	vld [tilespmem:s0+$0x21A0]  }
0x4d: {  	v14 =	vld [tilespmem:s0+$0x2190]  }
0x4e: {  	v16 =	vmul.f32 v7, v9;
	v15 =	vld [tilespmem:s0+$0x29A0];
	v17 =	vmul.f32 v10, v9  }
0x4f: {  	v19 =	vmul.f32 v4, v9;
	v18 =	vld [tilespmem:s0+$0x2990];
	v20 =	vmul.f32 v11, v9  }
0x50: {  	v16 =	vadd.f32 v3, v16;
	v21 =	vld.msk [tilespmem:s1+$0xFFFFFFE6 ss:$0x0], $0xffff;
	v22 =	vmul.f32 v12, v9;
	v17 =	vadd.f32 v6, v17  }
0x51: {  	v19 =	vadd.f32 v1, v19;
	v23 =	vld.msk [tilespmem:s1+$0xFFFFFFF3 ss:$0x0], $0xffff;
	v24 =	vmul.f32 v13, v9;
	v20 =	vadd.f32 v2, v20  }
0x52: {  	v26 =	vmul.f32 v8, v9;
	v25 =	vld.msk [tilespmem:s1+$0x0 ss:$0x0], $0xffff;
	v9 =	vmul.f32 v14, v9;
	v22 =	vadd.f32 v0, v22;
	[tilespmem:s0+$0xE070] =	vst v17  }
0x53: {  	v17 =	vadd.f32 v15, v24;
	[tilespmem:s0+$0xE060] =	vst v16  }
0x54: {  	v16 =	vadd.f32 v5, v26;
	v9 =	vadd.f32 v18, v9;
	[tilespmem:s0+$0xE050] =	vst v20  }
0x55: {  	[tilespmem:s0+$0xE040] =	vst v19  }
0x56: {  	v19 =	vmul.f32 v8, v21;
	v20 =	vmul.f32 v10, v21;
	[tilespmem:s0+$0xE030] =	vst v22  }
0x57: {  	v22 =	vmul.f32 v8, v23;
	[tilespmem:s0+$0xE020] =	vst v17;
	v17 =	vmul.f32 v10, v23  }
0x58: {  	v19 =	vadd.f32 v5, v19;
	v10 =	vmul.f32 v10, v25;
	[tilespmem:s0+$0xE010] =	vst v9;
	v9 =	vmul.f32 v13, v25  }
0x59: {  	v24 =	vmul.f32 v7, v25;
	v22 =	vadd.f32 v5, v22;
	[tilespmem:s0+$0xE000] =	vst v16;
	v16 =	vmul.f32 v11, v25  }
0x5a: {  	v10 =	vadd.f32 v6, v10;
	[tilespmem:s0+$0xA580] =	vst v19;
	v9 =	vadd.f32 v15, v9;
	v19 =	vmul.f32 v4, v25  }
0x5b: {  	v24 =	vadd.f32 v3, v24;
	[tilespmem:s0+$0xB900] =	vst v22;
	v22 =	vmul.f32 v12, v25;
	v16 =	vadd.f32 v2, v16  }
0x5c: {  	v8 =	vmul.f32 v8, v25;
	v25 =	vmul.f32 v14, v25;
	[tilespmem:s0+$0xCCA0] =	vst v9;
	v9 =	vadd.f32 v1, v19  }
0x5d: {  	v17 =	vadd.f32 v6, v17;
	v19 =	vadd.f32 v0, v22;
	v22 =	vmul.f32 v7, v23;
	[tilespmem:s0+$0xCCF0] =	vst v10  }
0x5e: {  	v5 =	vadd.f32 v5, v8;
	v8 =	vadd.f32 v18, v25;
	v7 =	vmul.f32 v7, v21;
	[tilespmem:s0+$0xCCE0] =	vst v24  }
0x5f: {  	v6 =	vadd.f32 v6, v20;
	v10 =	vmul.f32 v11, v23;
	[tilespmem:s0+$0xCCD0] =	vst v16;
	v16 =	vadd.f32 v3, v22  }
0x60: {  	v20 =	vmul.f32 v4, v23;
	v3 =	vadd.f32 v3, v7;
	[tilespmem:s0+$0xCCC0] =	vst v9;
	v9 =	vmul.f32 v11, v21  }
0x61: {  	v4 =	vmul.f32 v4, v21;
	v7 =	vmul.f32 v12, v23;
	v10 =	vadd.f32 v2, v10;
	[tilespmem:s0+$0xCCB0] =	vst v19  }
0x62: {  	v11 =	vadd.f32 v1, v20;
	[tilespmem:s0+$0xCC90] =	vst v8;
	v8 =	vmul.f32 v12, v21;
	v2 =	vadd.f32 v2, v9  }
0x63: {  	v4 =	vadd.f32 v1, v4;
	v7 =	vadd.f32 v0, v7;
	[tilespmem:s0+$0xCC80] =	vst v5;
	v5 =	vmul.f32 v13, v23  }
0x64: {  	v1 =	vmul.f32 v14, v23;
	v9 =	vmul.f32 v13, v21;
	v8 =	vadd.f32 v0, v8;
	[tilespmem:s0+$0xB970] =	vst v17  }
0x65: {  	v0 =	vmul.f32 v14, v21;
	v12 =	vadd.f32 v15, v5;
	[tilespmem:s0+$0xA5F0] =	vst v6  }
0x66: {  	v13 =	vadd.f32 v18, v1;
	v9 =	vadd.f32 v15, v9;
	[tilespmem:s0+$0xB960] =	vst v16  }
0x67: {  	v14 =	vadd.f32 v18, v0;
	[tilespmem:s0+$0xA5E0] =	vst v3  }
0x68: {  	s31 =	sshra.s32 s3, $0x2;
	[tilespmem:s0+$0xB950] =	vst v10  }
0x69: {  	v5 =	vld [tilespmem:s31+$0x2980];
	[tilespmem:s0+$0xA5D0] =	vst v2  }
0x6a: {  	v0 =	vld [tilespmem:s31+$0x29B0];
	[tilespmem:s0+$0xB940] =	vst v11  }
0x6b: {  	v1 =	vld [tilespmem:s31+$0x29C0];
	[tilespmem:s0+$0xA5C0] =	vst v4  }
0x6c: {  	v2 =	vld [tilespmem:s31+$0x29D0];
	[tilespmem:s0+$0xB930] =	vst v7  }
0x6d: {  	v3 =	vld [tilespmem:s31+$0x29E0];
	[tilespmem:s0+$0xA5B0] =	vst v8  }
.Ltmp1:
0x6e: {  	v6 =	vld [tilespmem:s31+$0x29F0];
	[tilespmem:s0+$0xB920] =	vst v12;
	(pc) =	sbr.rel @p1 .LBB2_5-.Ltmp1, $4  }
0x6f: {  	v8 =	vld [tilespmem:s31+$0x2180];
	[tilespmem:s0+$0xA5A0] =	vst v9  }
0x70: {  	v4 =	vld [tilespmem:s31+$0x21C0];
	[tilespmem:s0+$0xB910] =	vst v13  }
0x71: {  	s1 =	sadd.s32 $0x1, s1;
	v7 =	vld [tilespmem:s31+$0x21E0];
	[tilespmem:s0+$0xA590] =	vst v14;
	s0 =	smov.u32 s31  }
0x72: {  	s3 =	sadd.s32 $0x200, s3;
	v9 =	vld.msk [tilespmem:s1+$0xD ss:$0x0], $0xffff  }
0x73: {  	v10 =	vld [tilespmem:s0+$0x21F0]  }
0x74: {  	v11 =	vld [tilespmem:s0+$0x21D0]  }
0x75: {  	v12 =	vld [tilespmem:s0+$0x21B0]  }
0x76: {  	v13 =	vld [tilespmem:s0+$0x21A0]  }
0x77: {  	v14 =	vld [tilespmem:s0+$0x2190];
	v18 =	vmul.f32 v7, v9  }
0x78: {  	v19 =	vld.msk [tilespmem:s1+$0xFFFFFFE6 ss:$0x0], $0xffff;
	v22 =	vmul.f32 v4, v9  }
0x79: {  	v23 =	vld.msk [tilespmem:s1+$0x0 ss:$0x0], $0xffff;
	v16 =	vmul.f32 v10, v9;
	v18 =	vadd.f32 v3, v18  }
0x7a: {  	v15 =	vld [tilespmem:s0+$0x29A0];
	v20 =	vmul.f32 v11, v9;
	v22 =	vadd.f32 v1, v22  }
0x7b: {  	v21 =	vld.msk [tilespmem:s1+$0xFFFFFFF3 ss:$0x0], $0xffff;
	v24 =	vmul.f32 v12, v9;
	v50 =	vmul.f32 v13, v9;
	v16 =	vadd.f32 v6, v16;
	[tilespmem:s0+$0xE060] =	vst v18  }
0x7c: {  	v17 =	vld [tilespmem:s0+$0x2990];
	v51 =	vmul.f32 v14, v9;
	v9 =	vmul.f32 v8, v9;
	v20 =	vadd.f32 v2, v20;
	[tilespmem:s0+$0xE040] =	vst v22  }
0x7d: {  	v52 =	vmul.f32 v8, v19;
	v24 =	vadd.f32 v0, v24;
	[tilespmem:s0+$0xE070] =	vst v16  }
0x7e: {  	v55 =	vmul.f32 v13, v23;
	v9 =	vadd.f32 v5, v9;
	[tilespmem:s0+$0xE050] =	vst v20  }
0x7f: {  	v61 =	vmul.f32 v14, v23;
	v54 =	vadd.f32 v5, v52;
	[tilespmem:s0+$0xE030] =	vst v24  }
0x80: {  	v57 =	vadd.f32 v15, v55;
	[tilespmem:s0+$0xE000] =	vst v9  }
0x81: {  	v53 =	vmul.f32 v8, v21;
	v63 =	vadd.f32 v17, v61;
	[tilespmem:s0+$0xA580] =	vst v54  }
0x82: {  	v8 =	vmul.f32 v8, v23;
	v18 =	vadd.f32 v17, v51;
	[tilespmem:s0+$0xCCA0] =	vst v57  }
0x83: {  	v22 =	vadd.f32 v5, v53;
	[tilespmem:s0+$0xCC90] =	vst v63  }
0x84: {  	v56 =	vmul.f32 v10, v23;
	v5 =	vadd.f32 v5, v8;
	[tilespmem:s0+$0xE010] =	vst v18  }
0x85: {  	v58 =	vmul.f32 v11, v23;
	v16 =	vadd.f32 v15, v50;
	[tilespmem:s0+$0xB900] =	vst v22  }
0x86: {  	v59 =	vmul.f32 v4, v23;
	v20 =	vadd.f32 v6, v56;
	[tilespmem:s0+$0xCC80] =	vst v5  }
0x87: {  	v8 =	vmul.f32 v7, v21;
	v18 =	vadd.f32 v2, v58;
	[tilespmem:s0+$0xE020] =	vst v16  }
0x88: {  	v9 =	vmul.f32 v7, v23;
	v22 =	vadd.f32 v1, v59;
	[tilespmem:s0+$0xCCF0] =	vst v20  }
0x89: {  	v7 =	vmul.f32 v7, v19;
	v8 =	vadd.f32 v3, v8;
	[tilespmem:s0+$0xCCD0] =	vst v18  }
0x8a: {  	v60 =	vmul.f32 v12, v23;
	v9 =	vadd.f32 v3, v9;
	[tilespmem:s0+$0xCCC0] =	vst v22  }
0x8b: {  	v5 =	vmul.f32 v11, v21;
	v3 =	vadd.f32 v3, v7;
	[tilespmem:s0+$0xB960] =	vst v8  }
0x8c: {  	v62 =	vmul.f32 v10, v21;
	[tilespmem:s0+$0xCCE0] =	vst v9;
	v9 =	vadd.f32 v0, v60  }
0x8d: {  	v10 =	vmul.f32 v10, v19;
	v5 =	vadd.f32 v2, v5;
	[tilespmem:s0+$0xA5E0] =	vst v3  }
0x8e: {  	v3 =	vmul.f32 v12, v21;
	[tilespmem:s0+$0xCCB0] =	vst v9;
	v9 =	vadd.f32 v6, v62  }
0x8f: {  	[tilespmem:s0+$0xB950] =	vst v5;
	v5 =	vmul.f32 v12, v19;
	v6 =	vadd.f32 v6, v10  }
0x90: {  	v3 =	vadd.f32 v0, v3;
	[tilespmem:s0+$0xB970] =	vst v9;
	v9 =	vmul.f32 v11, v19  }
0x91: {  	v0 =	vadd.f32 v0, v5;
	[tilespmem:s0+$0xA5F0] =	vst v6;
	v6 =	vmul.f32 v4, v21;
	v4 =	vmul.f32 v4, v19  }
0x92: {  	[tilespmem:s0+$0xB930] =	vst v3;
	v2 =	vadd.f32 v2, v9  }
0x93: {  	[tilespmem:s0+$0xA5B0] =	vst v0;
	v6 =	vadd.f32 v1, v6;
	v1 =	vadd.f32 v1, v4;
	v4 =	vmul.f32 v13, v19  }
0x94: {  	[tilespmem:s0+$0xA5D0] =	vst v2;
	v2 =	vmul.f32 v13, v21  }
0x95: {  	[tilespmem:s0+$0xA5C0] =	vst v1;
	v1 =	vmul.f32 v14, v21;
	v4 =	vadd.f32 v15, v4  }
0x96: {  	v3 =	vmul.f32 v14, v19;
	[tilespmem:s0+$0xB940] =	vst v6;
	v2 =	vadd.f32 v15, v2  }
0x97: {  	v0 =	vadd.f32 v17, v1;
	[tilespmem:s0+$0xA5A0] =	vst v4  }
0x98: {  	v1 =	vadd.f32 v17, v3;
	[tilespmem:s0+$0xB920] =	vst v2  }
0x99: {  	[tilespmem:s0+$0xB910] =	vst v0  }
0x9a: {  	[tilespmem:s0+$0xA590] =	vst v1;
	s0 =	simm.s32 $0x0  }
0x9b: {  	v0 =	vld [tilespmem:s0+$0x3070]  }
0x9c: {  	v1 =	vld [tilespmem:s0+$0x64F0]  }
0x9d: {  	v2 =	vld [tilespmem:s0+$0x3000]  }
0x9e: {  	v3 =	vld [tilespmem:s0+$0x3D80]  }
0x9f: {  	v4 =	vld [tilespmem:s0+$0x4A80]  }
0xa0: {  	v5 =	vld [tilespmem:s0+$0x5780]  }
0xa1: {  	v6 =	vld [tilespmem:s0+$0x6480]  }
0xa2: {  	v7 =	vld [tilespmem:s0+$0x3010]  }
0xa3: {  	v8 =	vld [tilespmem:s0+$0x3D90];
	v1 =	vadd.f32 v1, v0  }
0xa4: {  	v9 =	vld [tilespmem:s0+$0x64D0];
	v3 =	vadd.f32 v3, v2  }
0xa5: {  	v4 =	vadd.f32 v4, v2;
	[tilespmem:s0+$0xE6F0] =	vst v1;
	v1 =	vld [tilespmem:s0+$0x4A90]  }
0xa6: {  	v5 =	vadd.f32 v5, v2;
	[tilespmem:s0+$0xAC00] =	vst v3;
	v3 =	vld [tilespmem:s0+$0x5790]  }
0xa7: {  	v2 =	vadd.f32 v6, v2;
	[tilespmem:s0+$0xBF80] =	vst v4;
	v4 =	vld [tilespmem:s0+$0x6490]  }
0xa8: {  	v6 =	vld [tilespmem:s0+$0x3DA0];
	[tilespmem:s0+$0xD300] =	vst v5  }
0xa9: {  	v5 =	vld [tilespmem:s0+$0x3020];
	[tilespmem:s0+$0xE680] =	vst v2;
	v2 =	vadd.f32 v8, v7  }
0xaa: {  	v8 =	vld [tilespmem:s0+$0x4AA0];
	v1 =	vadd.f32 v1, v7  }
0xab: {  	[tilespmem:s0+$0xAC10] =	vst v2;
	v2 =	vld [tilespmem:s0+$0x57A0];
	v3 =	vadd.f32 v3, v7  }
0xac: {  	v4 =	vadd.f32 v4, v7;
	v7 =	vld [tilespmem:s0+$0x4AB0];
	[tilespmem:s0+$0xBF90] =	vst v1  }
0xad: {  	v1 =	vld [tilespmem:s0+$0x64A0];
	[tilespmem:s0+$0xD310] =	vst v3  }
0xae: {  	v3 =	vld [tilespmem:s0+$0x3030];
	[tilespmem:s0+$0xE690] =	vst v4;
	v4 =	vadd.f32 v6, v5  }
0xaf: {  	v8 =	vadd.f32 v8, v5;
	v6 =	vld [tilespmem:s0+$0x3DB0]  }
0xb0: {  	v2 =	vadd.f32 v2, v5;
	[tilespmem:s0+$0xAC20] =	vst v4;
	v4 =	vld [tilespmem:s0+$0x57B0]  }
0xb1: {  	[tilespmem:s0+$0xBFA0] =	vst v8;
	v8 =	vld [tilespmem:s0+$0x64B0]  }
0xb2: {  	[tilespmem:s0+$0xD320] =	vst v2;
	v2 =	vld [tilespmem:s0+$0x3040];
	v1 =	vadd.f32 v1, v5  }
0xb3: {  	v5 =	vld [tilespmem:s0+$0x3DC0];
	v7 =	vadd.f32 v7, v3  }
0xb4: {  	[tilespmem:s0+$0xE6A0] =	vst v1;
	v1 =	vadd.f32 v6, v3;
	v6 =	vld [tilespmem:s0+$0x4AC0]  }
0xb5: {  	v4 =	vadd.f32 v4, v3;
	[tilespmem:s0+$0xBFB0] =	vst v7;
	v7 =	vld [tilespmem:s0+$0x64C0]  }
0xb6: {  	v3 =	vadd.f32 v8, v3;
	[tilespmem:s0+$0xAC30] =	vst v1;
	v1 =	vld [tilespmem:s0+$0x57C0]  }
0xb7: {  	[tilespmem:s0+$0xD330] =	vst v4;
	v4 =	vld [tilespmem:s0+$0x3050]  }
0xb8: {  	[tilespmem:s0+$0xE6B0] =	vst v3;
	v3 =	vadd.f32 v5, v2;
	v5 =	vld [tilespmem:s0+$0x3DD0]  }
0xb9: {  	v8 =	vld [tilespmem:s0+$0x4AD0];
	v6 =	vadd.f32 v6, v2  }
0xba: {  	[tilespmem:s0+$0xAC40] =	vst v3;
	v3 =	vld [tilespmem:s0+$0x57D0]  }
0xbb: {  	v1 =	vadd.f32 v1, v2;
	[tilespmem:s0+$0xBFC0] =	vst v6;
	v6 =	vadd.f32 v7, v2;
	v2 =	vld [tilespmem:s0+$0x3060]  }
0xbc: {  	v7 =	vld [tilespmem:s0+$0x3DE0]  }
0xbd: {  	v10 =	vld [tilespmem:s0+$0x4AE0];
	[tilespmem:s0+$0xD340] =	vst v1;
	v1 =	vadd.f32 v5, v4  }
0xbe: {  	[tilespmem:s0+$0xE6C0] =	vst v6;
	v5 =	vadd.f32 v8, v4;
	v8 =	vld [tilespmem:s0+$0x57E0]  }
0xbf: {  	v6 =	vld [tilespmem:s0+$0x64E0];
	[tilespmem:s0+$0xAC50] =	vst v1;
	v1 =	vadd.f32 v3, v4;
	v3 =	vadd.f32 v9, v4  }
0xc0: {  	[tilespmem:s0+$0xBFD0] =	vst v5;
	v5 =	vld [tilespmem:s0+$0x3DF0]  }
0xc1: {  	v9 =	vadd.f32 v7, v2;
	[tilespmem:s0+$0xE6D0] =	vst v3;
	v3 =	vld [tilespmem:s0+$0x4AF0]  }
0xc2: {  	s1 =	simm.s32 $0x80;
	v4 =	vld [tilespmem:s0+$0x57F0];
	v7 =	vadd.f32 v10, v2;
	[tilespmem:s0+$0xD350] =	vst v1  }
0xc3: {  	s3 =	simm.s32 $0x400;
	v1 =	vld [tilespmem:s1+$0x3070];
	[tilespmem:s0+$0xAC60] =	vst v9;
	v8 =	vadd.f32 v8, v2  }
.LBB2_7:
0xc4: {  	p1 =	sne.s32 s3, $0x3200;
	v9 =	vld [tilespmem:s1+$0x64F0];
	[tilespmem:s0+$0xBFE0] =	vst v7;
	v2 =	vadd.f32 v6, v2  }
0xc5: {  	v6 =	vld [tilespmem:s1+$0x3000];
	[tilespmem:s0+$0xD360] =	vst v8;
	v5 =	vadd.f32 v5, v0  }
0xc6: {  	v7 =	vld [tilespmem:s1+$0x3D80];
	[tilespmem:s0+$0xE6E0] =	vst v2;
	v2 =	vadd.f32 v3, v0  }
0xc7: {  	v3 =	vld [tilespmem:s1+$0x4A80];
	[tilespmem:s0+$0xAC70] =	vst v5;
	v4 =	vadd.f32 v4, v0  }
0xc8: {  	v5 =	vld [tilespmem:s1+$0x5780];
	[tilespmem:s0+$0xBFF0] =	vst v2;
	v0 =	vmov v1  }
0xc9: {  	v1 =	vld [tilespmem:s1+$0x6480];
	v2 =	vadd.f32 v9, v0;
	[tilespmem:s0+$0xD370] =	vst v4;
	s0 =	smov.u32 s1  }
0xca: {  	v4 =	vld [tilespmem:s0+$0x3010]  }
0xcb: {  	v7 =	vadd.f32 v7, v6;
	v8 =	vld [tilespmem:s0+$0x3D90];
	[tilespmem:s0+$0xE6F0] =	vst v2  }
0xcc: {  	v2 =	vadd.f32 v3, v6;
	v3 =	vld [tilespmem:s0+$0x4A90]  }
0xcd: {  	[tilespmem:s0+$0xAC00] =	vst v7;
	v5 =	vadd.f32 v5, v6;
	v7 =	vld [tilespmem:s0+$0x5790]  }
0xce: {  	[tilespmem:s0+$0xBF80] =	vst v2;
	v1 =	vadd.f32 v1, v6;
	v2 =	vld [tilespmem:s0+$0x6490]  }
0xcf: {  	[tilespmem:s0+$0xD300] =	vst v5;
	v5 =	vld [tilespmem:s0+$0x3020]  }
0xd0: {  	[tilespmem:s0+$0xE680] =	vst v1;
	v1 =	vadd.f32 v8, v4;
	v6 =	vld [tilespmem:s0+$0x3DA0]  }
0xd1: {  	v3 =	vadd.f32 v3, v4;
	v8 =	vld [tilespmem:s0+$0x4AA0]  }
0xd2: {  	[tilespmem:s0+$0xAC10] =	vst v1;
	v1 =	vadd.f32 v7, v4;
	v7 =	vld [tilespmem:s0+$0x57A0]  }
0xd3: {  	[tilespmem:s0+$0xBF90] =	vst v3;
	v2 =	vadd.f32 v2, v4;
	v3 =	vld [tilespmem:s0+$0x64A0]  }
0xd4: {  	[tilespmem:s0+$0xD310] =	vst v1;
	v1 =	vld [tilespmem:s0+$0x3030]  }
0xd5: {  	[tilespmem:s0+$0xE690] =	vst v2;
	v2 =	vadd.f32 v6, v5;
	v4 =	vld [tilespmem:s0+$0x3DB0]  }
0xd6: {  	v6 =	vadd.f32 v8, v5;
	v8 =	vld [tilespmem:s0+$0x4AB0]  }
0xd7: {  	[tilespmem:s0+$0xAC20] =	vst v2;
	v2 =	vadd.f32 v7, v5;
	v7 =	vld [tilespmem:s0+$0x57B0]  }
0xd8: {  	[tilespmem:s0+$0xBFA0] =	vst v6;
	v3 =	vadd.f32 v3, v5;
	v5 =	vld [tilespmem:s0+$0x64B0]  }
0xd9: {  	[tilespmem:s0+$0xD320] =	vst v2;
	v2 =	vld [tilespmem:s0+$0x3040]  }
0xda: {  	[tilespmem:s0+$0xE6A0] =	vst v3;
	v3 =	vadd.f32 v4, v1;
	v4 =	vld [tilespmem:s0+$0x3DC0]  }
0xdb: {  	v6 =	vadd.f32 v8, v1;
	v8 =	vld [tilespmem:s0+$0x4AC0]  }
0xdc: {  	[tilespmem:s0+$0xAC30] =	vst v3;
	v3 =	vadd.f32 v7, v1;
	v7 =	vld [tilespmem:s0+$0x57C0]  }
0xdd: {  	[tilespmem:s0+$0xBFB0] =	vst v6;
	v1 =	vadd.f32 v5, v1;
	v5 =	vld [tilespmem:s0+$0x64C0]  }
0xde: {  	[tilespmem:s0+$0xD330] =	vst v3;
	v3 =	vld [tilespmem:s0+$0x3050]  }
0xdf: {  	[tilespmem:s0+$0xE6B0] =	vst v1;
	v1 =	vadd.f32 v4, v2;
	v4 =	vld [tilespmem:s0+$0x3DD0]  }
0xe0: {  	v6 =	vadd.f32 v8, v2;
	v8 =	vld [tilespmem:s0+$0x4AD0]  }
0xe1: {  	[tilespmem:s0+$0xAC40] =	vst v1;
	v1 =	vadd.f32 v7, v2;
	v7 =	vld [tilespmem:s0+$0x57D0]  }
0xe2: {  	[tilespmem:s0+$0xBFC0] =	vst v6;
	v5 =	vadd.f32 v5, v2;
	v6 =	vld [tilespmem:s0+$0x64D0]  }
0xe3: {  	[tilespmem:s0+$0xD340] =	vst v1;
	v2 =	vld [tilespmem:s0+$0x3060]  }
0xe4: {  	[tilespmem:s0+$0xE6C0] =	vst v5;
	v1 =	vadd.f32 v4, v3;
	v4 =	vld [tilespmem:s0+$0x3DE0]  }
0xe5: {  	v5 =	vadd.f32 v8, v3;
	v8 =	vld [tilespmem:s0+$0x4AE0]  }
0xe6: {  	[tilespmem:s0+$0xAC50] =	vst v1;
	v1 =	vadd.f32 v7, v3;
	v9 =	vld [tilespmem:s0+$0x57E0]  }
.Ltmp2:
0xe7: {  	[tilespmem:s0+$0xBFD0] =	vst v5;
	v3 =	vadd.f32 v6, v3;
	v6 =	vld [tilespmem:s0+$0x64E0];
	(pc) =	sbr.rel @p1 .LBB2_7-.Ltmp2, $4  }
0xe8: {  	[tilespmem:s0+$0xD350] =	vst v1;
	v5 =	vld [tilespmem:s0+$0x3DF0]  }
0xe9: {  	[tilespmem:s0+$0xE6D0] =	vst v3;
	v10 =	vadd.f32 v4, v2;
	v3 =	vld [tilespmem:s0+$0x4AF0]  }
0xea: {  	s1 =	sshra.s32 s3, $0x2;
	v7 =	vadd.f32 v8, v2;
	v4 =	vld [tilespmem:s0+$0x57F0]  }
0xeb: {  	s3 =	sadd.s32 $0x200, s3;
	v1 =	vld [tilespmem:s1+$0x3070];
	[tilespmem:s0+$0xAC60] =	vst v10;
	v8 =	vadd.f32 v9, v2  }
0xec: {  	v9 =	vld [tilespmem:s1+$0x64F0];
	[tilespmem:s0+$0xBFE0] =	vst v7;
	v2 =	vadd.f32 v6, v2  }
0xed: {  	v7 =	vld [tilespmem:s1+$0x3000];
	[tilespmem:s0+$0xD360] =	vst v8;
	v5 =	vadd.f32 v5, v0  }
0xee: {  	v18 =	vld [tilespmem:s1+$0x3D80];
	[tilespmem:s0+$0xE6E0] =	vst v2;
	v3 =	vadd.f32 v3, v0  }
0xef: {  	v2 =	vld [tilespmem:s1+$0x4A80];
	[tilespmem:s0+$0xAC70] =	vst v5;
	v19 =	vadd.f32 v4, v0  }
0xf0: {  	v5 =	vld [tilespmem:s1+$0x5780];
	[tilespmem:s0+$0xBFF0] =	vst v3  }
0xf1: {  	v3 =	vld [tilespmem:s1+$0x6480];
	[tilespmem:s0+$0xD370] =	vst v19  }
0xf2: {  	v21 =	vld [tilespmem:s1+$0x3010]  }
0xf3: {  	v8 =	vld [tilespmem:s1+$0x3D90]  }
0xf4: {  	v22 =	vld [tilespmem:s1+$0x4A90]  }
0xf5: {  	v23 =	vld [tilespmem:s1+$0x5790]  }
0xf6: {  	v24 =	vld [tilespmem:s1+$0x6490]  }
0xf7: {  	v25 =	vld [tilespmem:s1+$0x3020]  }
0xf8: {  	v20 =	vadd.f32 v9, v1;
	v27 =	vld [tilespmem:s1+$0x3DA0]  }
0xf9: {  	v28 =	vld [tilespmem:s1+$0x4AA0];
	v6 =	vadd.f32 v18, v7  }
0xfa: {  	v31 =	vld [tilespmem:s1+$0x3030];
	[tilespmem:s1+$0xE6F0] =	vst v20;
	v2 =	vadd.f32 v2, v7  }
0xfb: {  	v33 =	vld [tilespmem:s1+$0x3DB0];
	[tilespmem:s1+$0xAC00] =	vst v6;
	v5 =	vadd.f32 v5, v7  }
0xfc: {  	v34 =	vld [tilespmem:s1+$0x4AB0];
	[tilespmem:s1+$0xBF80] =	vst v2;
	v3 =	vadd.f32 v3, v7  }
0xfd: {  	v36 =	vld [tilespmem:s1+$0x64B0];
	[tilespmem:s1+$0xD300] =	vst v5;
	v26 =	vadd.f32 v8, v21  }
0xfe: {  	v37 =	vld [tilespmem:s1+$0x3040];
	v0 =	vadd.f32 v22, v21;
	[tilespmem:s1+$0xE680] =	vst v3  }
0xff: {  	v39 =	vld [tilespmem:s1+$0x3DC0];
	v6 =	vadd.f32 v23, v21;
	[tilespmem:s1+$0xAC10] =	vst v26  }
0x100: {  	v43 =	vld [tilespmem:s1+$0x3050];
	v2 =	vadd.f32 v24, v21;
	[tilespmem:s1+$0xBF90] =	vst v0  }
0x101: {  	v45 =	vld [tilespmem:s1+$0x3DD0];
	v32 =	vadd.f32 v27, v25;
	[tilespmem:s1+$0xD310] =	vst v6  }
0x102: {  	v49 =	vld [tilespmem:s1+$0x3060];
	v8 =	vadd.f32 v28, v25;
	[tilespmem:s1+$0xE690] =	vst v2  }
0x103: {  	v51 =	vld [tilespmem:s1+$0x3DE0];
	v38 =	vadd.f32 v33, v31;
	[tilespmem:s1+$0xAC20] =	vst v32  }
0x104: {  	v52 =	vld [tilespmem:s1+$0x4AE0];
	v7 =	vadd.f32 v34, v31;
	[tilespmem:s1+$0xBFA0] =	vst v8  }
0x105: {  	v53 =	vld [tilespmem:s1+$0x57E0];
	v4 =	vadd.f32 v36, v31;
	[tilespmem:s1+$0xAC30] =	vst v38  }
0x106: {  	v55 =	vld [tilespmem:s1+$0x3DF0];
	v44 =	vadd.f32 v39, v37;
	[tilespmem:s1+$0xBFB0] =	vst v7  }
0x107: {  	v57 =	vld [tilespmem:s1+$0x4AF0];
	v50 =	vadd.f32 v45, v43;
	[tilespmem:s1+$0xE6B0] =	vst v4  }
0x108: {  	v59 =	vld [tilespmem:s1+$0x57F0];
	v56 =	vadd.f32 v51, v49;
	[tilespmem:s1+$0xAC40] =	vst v44  }
0x109: {  	v29 =	vld [tilespmem:s1+$0x57A0];
	v58 =	vadd.f32 v52, v49;
	[tilespmem:s1+$0xAC50] =	vst v50  }
0x10a: {  	v30 =	vld [tilespmem:s1+$0x64A0];
	v60 =	vadd.f32 v53, v49;
	[tilespmem:s1+$0xAC60] =	vst v56  }
0x10b: {  	v35 =	vld [tilespmem:s1+$0x57B0];
	v61 =	vadd.f32 v55, v1;
	[tilespmem:s1+$0xBFE0] =	vst v58  }
0x10c: {  	v40 =	vld [tilespmem:s1+$0x4AC0];
	v62 =	vadd.f32 v57, v1;
	[tilespmem:s1+$0xD360] =	vst v60  }
0x10d: {  	v46 =	vld [tilespmem:s1+$0x4AD0];
	v63 =	vadd.f32 v59, v1;
	[tilespmem:s1+$0xAC70] =	vst v61  }
0x10e: {  	v47 =	vld [tilespmem:s1+$0x57D0];
	v3 =	vadd.f32 v29, v25;
	[tilespmem:s1+$0xBFF0] =	vst v62  }
0x10f: {  	v42 =	vld [tilespmem:s1+$0x64C0];
	v0 =	vadd.f32 v30, v25;
	[tilespmem:s1+$0xD370] =	vst v63  }
0x110: {  	v41 =	vld [tilespmem:s1+$0x57C0];
	v2 =	vadd.f32 v35, v31;
	[tilespmem:s1+$0xD320] =	vst v3  }
0x111: {  	v48 =	vld [tilespmem:s1+$0x64D0];
	v6 =	vadd.f32 v40, v37;
	[tilespmem:s1+$0xE6A0] =	vst v0  }
0x112: {  	v54 =	vld [tilespmem:s1+$0x64E0];
	v8 =	vadd.f32 v46, v43;
	[tilespmem:s1+$0xD330] =	vst v2  }
0x113: {  	v4 =	vadd.f32 v47, v43;
	[tilespmem:s1+$0xBFC0] =	vst v6  }
0x114: {  	v3 =	vadd.f32 v42, v37;
	[tilespmem:s1+$0xBFD0] =	vst v8  }
0x115: {  	s31 =	smul.u32 $0x9C00, s29;
	p1 =	sne.s32 s29, $0xF;
	v0 =	vadd.f32 v41, v37;
	[tilespmem:s1+$0xD350] =	vst v4  }
.Ltmp3:
0x116: {  	v2 =	vadd.f32 v48, v43;
	[tilespmem:s1+$0xE6C0] =	vst v3;
	(pc) =	sbr.rel @p1 .LBB2_10-.Ltmp3, $4  }
0x117: {  	s0 =	sadd.s32 s10, s31;
	[tilespmem:s1+$0xD340] =	vst v0;
	v0 =	vadd.f32 v54, v49  }
0x118: {  	s0 =	sshrl.u32 s0, $0x3;
	[tilespmem:s1+$0xE6D0] =	vst v2  }
0x119: {  	s0 =	sadd.s32 s6, s0;
	[tilespmem:s1+$0xE6E0] =	vst v0  }
0x11a: {  	[hbm4b:s0+s7] =	stream.linear.scatter [tilespmem:s22], [sflag:$0x3], $0x4E00, $0x38;
	[tilespmem:$0x14180] =	vst v63  }
.Ltmp4:
0x11b: {  	(pc) =	sbr.rel .LBB2_11-.Ltmp4, $4  }
0x11c: {  	_ = 	snop  }
0x11d: {  	_ =	swait.ge [sflag:s23], $0x3400  }
0x11e: {  	[sflag:s23] =	ssyncset.done $0x0  }
0x11f: {  	[sflag:s23] =	ssyncadd.s32 $0xFFFFCC00  }
.LBB2_10:
0x120: {  	s0 =	smul.u32 $0x340, s29;
	_ =	sdelay $0x1  }
0x121: {  	s0 =	sshra.s32 s0, $0x2  }
.Ltmp5:
0x122: {  	s0 =	sadd.s32 $0x14D0, s0;
	(pc) =	sbr.rel @p0 .LBB2_12-.Ltmp5, $4  }
0x123: {  	[tilespmem:s19], [sflag:$0x1] =	stream.indirect.gather [hbm4b:s5+s17], $0x80, s0, s17, $0xb8;
	[tilespmem:$0x14180] =	vst v63  }
0x124: {  	_ =	swait.ge [sflag:s23], $0x3400  }
0x125: {  	[sflag:s23] =	ssyncset.done $0x0  }
0x126: {  	[sflag:s23] =	ssyncadd.s32 $0xFFFFCC00  }
.LBB2_11:
0x127: {  	_ =	swait.ge [sflag:s24], $0x4E00  }
0x128: {  	[sflag:s24] =	ssyncset.done $0x0  }
0x129: {  	[sflag:s24] =	ssyncadd.s32 $0xFFFFB200  }
.LBB2_12:
0x12a: {  	s0 =	simm.s32 $0x0;
	v9 =	vld.msk [tilespmem:s2+$0x0 ss:$0x0], $0xffff  }
0x12b: {  	v5 =	vld [tilespmem:s0+$0x2980]  }
0x12c: {  	v0 =	vld [tilespmem:s0+$0x29B0]  }
0x12d: {  	v1 =	vld [tilespmem:s0+$0x29C0]  }
0x12e: {  	v2 =	vld [tilespmem:s0+$0x29D0]  }
0x12f: {  	v3 =	vld [tilespmem:s0+$0x29E0]  }
0x130: {  	v6 =	vld [tilespmem:s0+$0x29F0]  }
0x131: {  	v8 =	vld [tilespmem:s0+$0x2180]  }
0x132: {  	v4 =	vld [tilespmem:s0+$0x21C0]  }
0x133: {  	s3 =	simm.s32 $0x200;
	s1 =	simm.s32 $0x0;
	s31 =	smov.u32 s2;
	v7 =	vld [tilespmem:s0+$0x21E0]  }
.LBB2_13:
0x134: {  	p0 =	sne.s32 s3, $0x1800;
	v10 =	vld [tilespmem:s1+$0x21F0]  }
0x135: {  	v11 =	vld [tilespmem:s1+$0x21D0]  }
0x136: {  	v12 =	vld [tilespmem:s1+$0x21B0]  }
0x137: {  	v13 =	vld [tilespmem:s1+$0x21A0]  }
0x138: {  	v14 =	vld [tilespmem:s1+$0x2190]  }
0x139: {  	v16 =	vmul.f32 v7, v9;
	v15 =	vld [tilespmem:s1+$0x29A0];
	v17 =	vmul.f32 v10, v9  }
0x13a: {  	v19 =	vmul.f32 v4, v9;
	v18 =	vld [tilespmem:s1+$0x2990];
	v20 =	vmul.f32 v11, v9  }
0x13b: {  	v16 =	vadd.f32 v3, v16;
	v21 =	vld.msk [tilespmem:s31+$0xFFFFFFD9 ss:$0x0], $0xffff;
	v22 =	vmul.f32 v12, v9;
	v17 =	vadd.f32 v6, v17  }
0x13c: {  	v19 =	vadd.f32 v1, v19;
	v23 =	vld.msk [tilespmem:s31+$0xFFFFFFE6 ss:$0x0], $0xffff;
	v24 =	vmul.f32 v13, v9;
	v20 =	vadd.f32 v2, v20  }
0x13d: {  	v26 =	vmul.f32 v8, v9;
	v25 =	vld.msk [tilespmem:s31+$0xFFFFFFF3 ss:$0x0], $0xffff;
	v9 =	vmul.f32 v14, v9;
	v22 =	vadd.f32 v0, v22;
	[tilespmem:s1+$0x12E70] =	vst v17  }
0x13e: {  	v17 =	vadd.f32 v15, v24;
	[tilespmem:s1+$0x12E60] =	vst v16  }
0x13f: {  	v16 =	vadd.f32 v5, v26;
	v9 =	vadd.f32 v18, v9;
	[tilespmem:s1+$0x12E50] =	vst v20  }
0x140: {  	[tilespmem:s1+$0x12E40] =	vst v19  }
0x141: {  	v19 =	vmul.f32 v8, v21;
	v20 =	vmul.f32 v10, v21;
	[tilespmem:s1+$0x12E30] =	vst v22  }
0x142: {  	v22 =	vmul.f32 v8, v23;
	[tilespmem:s1+$0x12E20] =	vst v17;
	v17 =	vmul.f32 v10, v23  }
0x143: {  	v19 =	vadd.f32 v5, v19;
	v10 =	vmul.f32 v10, v25;
	[tilespmem:s1+$0x12E10] =	vst v9;
	v9 =	vmul.f32 v13, v25  }
0x144: {  	v24 =	vmul.f32 v7, v25;
	v22 =	vadd.f32 v5, v22;
	[tilespmem:s1+$0x12E00] =	vst v16;
	v16 =	vmul.f32 v11, v25  }
0x145: {  	v10 =	vadd.f32 v6, v10;
	[tilespmem:s1+$0xF380] =	vst v19;
	v9 =	vadd.f32 v15, v9;
	v19 =	vmul.f32 v4, v25  }
0x146: {  	v24 =	vadd.f32 v3, v24;
	[tilespmem:s1+$0x10700] =	vst v22;
	v22 =	vmul.f32 v12, v25;
	v16 =	vadd.f32 v2, v16  }
0x147: {  	v8 =	vmul.f32 v8, v25;
	v25 =	vmul.f32 v14, v25;
	[tilespmem:s1+$0x11AA0] =	vst v9;
	v9 =	vadd.f32 v1, v19  }
0x148: {  	v17 =	vadd.f32 v6, v17;
	v19 =	vadd.f32 v0, v22;
	v22 =	vmul.f32 v7, v23;
	[tilespmem:s1+$0x11AF0] =	vst v10  }
0x149: {  	v5 =	vadd.f32 v5, v8;
	v8 =	vadd.f32 v18, v25;
	v7 =	vmul.f32 v7, v21;
	[tilespmem:s1+$0x11AE0] =	vst v24  }
0x14a: {  	v6 =	vadd.f32 v6, v20;
	v10 =	vmul.f32 v11, v23;
	[tilespmem:s1+$0x11AD0] =	vst v16;
	v16 =	vadd.f32 v3, v22  }
0x14b: {  	v20 =	vmul.f32 v4, v23;
	v3 =	vadd.f32 v3, v7;
	[tilespmem:s1+$0x11AC0] =	vst v9;
	v9 =	vmul.f32 v11, v21  }
0x14c: {  	v4 =	vmul.f32 v4, v21;
	v7 =	vmul.f32 v12, v23;
	v10 =	vadd.f32 v2, v10;
	[tilespmem:s1+$0x11AB0] =	vst v19  }
0x14d: {  	v11 =	vadd.f32 v1, v20;
	[tilespmem:s1+$0x11A90] =	vst v8;
	v8 =	vmul.f32 v12, v21;
	v2 =	vadd.f32 v2, v9  }
0x14e: {  	v4 =	vadd.f32 v1, v4;
	v7 =	vadd.f32 v0, v7;
	[tilespmem:s1+$0x11A80] =	vst v5;
	v5 =	vmul.f32 v13, v23  }
0x14f: {  	v1 =	vmul.f32 v14, v23;
	v9 =	vmul.f32 v13, v21;
	v8 =	vadd.f32 v0, v8;
	[tilespmem:s1+$0x10770] =	vst v17  }
0x150: {  	v0 =	vmul.f32 v14, v21;
	v12 =	vadd.f32 v15, v5;
	[tilespmem:s1+$0xF3F0] =	vst v6  }
0x151: {  	v13 =	vadd.f32 v18, v1;
	v9 =	vadd.f32 v15, v9;
	[tilespmem:s1+$0x10760] =	vst v16  }
0x152: {  	v14 =	vadd.f32 v18, v0;
	[tilespmem:s1+$0xF3E0] =	vst v3  }
0x153: {  	s13 =	sshra.s32 s3, $0x2;
	[tilespmem:s1+$0x10750] =	vst v10  }
0x154: {  	v5 =	vld [tilespmem:s13+$0x2980];
	[tilespmem:s1+$0xF3D0] =	vst v2  }
0x155: {  	v0 =	vld [tilespmem:s13+$0x29B0];
	[tilespmem:s1+$0x10740] =	vst v11  }
0x156: {  	v1 =	vld [tilespmem:s13+$0x29C0];
	[tilespmem:s1+$0xF3C0] =	vst v4  }
0x157: {  	v2 =	vld [tilespmem:s13+$0x29D0];
	[tilespmem:s1+$0x10730] =	vst v7  }
0x158: {  	v3 =	vld [tilespmem:s13+$0x29E0];
	[tilespmem:s1+$0xF3B0] =	vst v8  }
.Ltmp6:
0x159: {  	v6 =	vld [tilespmem:s13+$0x29F0];
	[tilespmem:s1+$0x10720] =	vst v12;
	(pc) =	sbr.rel @p0 .LBB2_13-.Ltmp6, $4  }
0x15a: {  	v8 =	vld [tilespmem:s13+$0x2180];
	[tilespmem:s1+$0xF3A0] =	vst v9  }
0x15b: {  	v4 =	vld [tilespmem:s13+$0x21C0];
	[tilespmem:s1+$0x10710] =	vst v13  }
0x15c: {  	s31 =	sadd.s32 $0x1, s31;
	v7 =	vld [tilespmem:s13+$0x21E0];
	[tilespmem:s1+$0xF390] =	vst v14;
	s1 =	smov.u32 s13  }
0x15d: {  	s3 =	sadd.s32 $0x200, s3;
	v9 =	vld.msk [tilespmem:s31+$0x0 ss:$0x0], $0xffff  }
0x15e: {  	v10 =	vld [tilespmem:s1+$0x21F0]  }
0x15f: {  	v11 =	vld [tilespmem:s1+$0x21D0]  }
0x160: {  	v12 =	vld [tilespmem:s1+$0x21B0]  }
0x161: {  	v13 =	vld [tilespmem:s1+$0x21A0]  }
0x162: {  	v14 =	vld [tilespmem:s1+$0x2190];
	v18 =	vmul.f32 v7, v9  }
0x163: {  	v19 =	vld.msk [tilespmem:s31+$0xFFFFFFD9 ss:$0x0], $0xffff;
	v22 =	vmul.f32 v4, v9  }
0x164: {  	v23 =	vld.msk [tilespmem:s31+$0xFFFFFFF3 ss:$0x0], $0xffff;
	v16 =	vmul.f32 v10, v9;
	v18 =	vadd.f32 v3, v18  }
0x165: {  	v15 =	vld [tilespmem:s1+$0x29A0];
	v20 =	vmul.f32 v11, v9;
	v22 =	vadd.f32 v1, v22  }
0x166: {  	v21 =	vld.msk [tilespmem:s31+$0xFFFFFFE6 ss:$0x0], $0xffff;
	v24 =	vmul.f32 v12, v9;
	v50 =	vmul.f32 v13, v9;
	v16 =	vadd.f32 v6, v16;
	[tilespmem:s1+$0x12E60] =	vst v18  }
0x167: {  	v17 =	vld [tilespmem:s1+$0x2990];
	v51 =	vmul.f32 v14, v9;
	v9 =	vmul.f32 v8, v9;
	v20 =	vadd.f32 v2, v20;
	[tilespmem:s1+$0x12E40] =	vst v22  }
0x168: {  	v52 =	vmul.f32 v8, v19;
	v24 =	vadd.f32 v0, v24;
	[tilespmem:s1+$0x12E70] =	vst v16  }
0x169: {  	v55 =	vmul.f32 v13, v23;
	v9 =	vadd.f32 v5, v9;
	[tilespmem:s1+$0x12E50] =	vst v20  }
0x16a: {  	v61 =	vmul.f32 v14, v23;
	v54 =	vadd.f32 v5, v52;
	[tilespmem:s1+$0x12E30] =	vst v24  }
0x16b: {  	v57 =	vadd.f32 v15, v55;
	[tilespmem:s1+$0x12E00] =	vst v9  }
0x16c: {  	v53 =	vmul.f32 v8, v21;
	v63 =	vadd.f32 v17, v61;
	[tilespmem:s1+$0xF380] =	vst v54  }
0x16d: {  	v8 =	vmul.f32 v8, v23;
	v18 =	vadd.f32 v17, v51;
	[tilespmem:s1+$0x11AA0] =	vst v57  }
0x16e: {  	v22 =	vadd.f32 v5, v53;
	[tilespmem:s1+$0x11A90] =	vst v63  }
0x16f: {  	v56 =	vmul.f32 v10, v23;
	v5 =	vadd.f32 v5, v8;
	[tilespmem:s1+$0x12E10] =	vst v18  }
0x170: {  	v58 =	vmul.f32 v11, v23;
	v16 =	vadd.f32 v15, v50;
	[tilespmem:s1+$0x10700] =	vst v22  }
0x171: {  	v59 =	vmul.f32 v4, v23;
	v20 =	vadd.f32 v6, v56;
	[tilespmem:s1+$0x11A80] =	vst v5  }
0x172: {  	v8 =	vmul.f32 v7, v21;
	v18 =	vadd.f32 v2, v58;
	[tilespmem:s1+$0x12E20] =	vst v16  }
0x173: {  	v9 =	vmul.f32 v7, v23;
	v22 =	vadd.f32 v1, v59;
	[tilespmem:s1+$0x11AF0] =	vst v20  }
0x174: {  	v7 =	vmul.f32 v7, v19;
	v8 =	vadd.f32 v3, v8;
	[tilespmem:s1+$0x11AD0] =	vst v18  }
0x175: {  	v60 =	vmul.f32 v12, v23;
	v9 =	vadd.f32 v3, v9;
	[tilespmem:s1+$0x11AC0] =	vst v22  }
0x176: {  	v5 =	vmul.f32 v11, v21;
	v3 =	vadd.f32 v3, v7;
	[tilespmem:s1+$0x10760] =	vst v8  }
0x177: {  	v62 =	vmul.f32 v10, v21;
	[tilespmem:s1+$0x11AE0] =	vst v9;
	v9 =	vadd.f32 v0, v60  }
0x178: {  	v10 =	vmul.f32 v10, v19;
	v5 =	vadd.f32 v2, v5;
	[tilespmem:s1+$0xF3E0] =	vst v3  }
0x179: {  	v3 =	vmul.f32 v12, v21;
	[tilespmem:s1+$0x11AB0] =	vst v9;
	v9 =	vadd.f32 v6, v62  }
0x17a: {  	[tilespmem:s1+$0x10750] =	vst v5;
	v5 =	vmul.f32 v12, v19;
	v6 =	vadd.f32 v6, v10  }
0x17b: {  	v3 =	vadd.f32 v0, v3;
	[tilespmem:s1+$0x10770] =	vst v9;
	v9 =	vmul.f32 v11, v19  }
0x17c: {  	v0 =	vadd.f32 v0, v5;
	[tilespmem:s1+$0xF3F0] =	vst v6;
	v6 =	vmul.f32 v4, v21;
	v4 =	vmul.f32 v4, v19  }
0x17d: {  	[tilespmem:s1+$0x10730] =	vst v3;
	v2 =	vadd.f32 v2, v9  }
0x17e: {  	[tilespmem:s1+$0xF3B0] =	vst v0;
	v6 =	vadd.f32 v1, v6;
	v1 =	vadd.f32 v1, v4;
	v4 =	vmul.f32 v13, v19  }
0x17f: {  	[tilespmem:s1+$0xF3D0] =	vst v2;
	v2 =	vmul.f32 v13, v21  }
0x180: {  	[tilespmem:s1+$0xF3C0] =	vst v1;
	v1 =	vmul.f32 v14, v21;
	v4 =	vadd.f32 v15, v4  }
0x181: {  	v3 =	vmul.f32 v14, v19;
	[tilespmem:s1+$0x10740] =	vst v6;
	v2 =	vadd.f32 v15, v2  }
0x182: {  	v0 =	vadd.f32 v17, v1;
	[tilespmem:s1+$0xF3A0] =	vst v4  }
0x183: {  	v1 =	vadd.f32 v17, v3;
	[tilespmem:s1+$0x10720] =	vst v2  }
0x184: {  	[tilespmem:s1+$0x10710] =	vst v0  }
0x185: {  	[tilespmem:s1+$0xF390] =	vst v1  }
0x186: {  	v0 =	vld [tilespmem:s0+$0x3070]  }
0x187: {  	v1 =	vld [tilespmem:s0+$0x98F0]  }
0x188: {  	v2 =	vld [tilespmem:s0+$0x3000]  }
0x189: {  	v3 =	vld [tilespmem:s0+$0x7180]  }
0x18a: {  	v4 =	vld [tilespmem:s0+$0x7E80]  }
0x18b: {  	v5 =	vld [tilespmem:s0+$0x8B80]  }
0x18c: {  	v6 =	vld [tilespmem:s0+$0x9880]  }
0x18d: {  	v7 =	vld [tilespmem:s0+$0x3010]  }
0x18e: {  	v8 =	vld [tilespmem:s0+$0x7190];
	v1 =	vadd.f32 v1, v0  }
0x18f: {  	v9 =	vld [tilespmem:s0+$0x98D0];
	v3 =	vadd.f32 v3, v2  }
0x190: {  	v4 =	vadd.f32 v4, v2;
	[tilespmem:s0+$0x134F0] =	vst v1;
	v1 =	vld [tilespmem:s0+$0x7E90]  }
0x191: {  	v5 =	vadd.f32 v5, v2;
	[tilespmem:s0+$0xFA00] =	vst v3;
	v3 =	vld [tilespmem:s0+$0x8B90]  }
0x192: {  	v2 =	vadd.f32 v6, v2;
	[tilespmem:s0+$0x10D80] =	vst v4;
	v4 =	vld [tilespmem:s0+$0x9890]  }
0x193: {  	v6 =	vld [tilespmem:s0+$0x71A0];
	[tilespmem:s0+$0x12100] =	vst v5  }
0x194: {  	v5 =	vld [tilespmem:s0+$0x3020];
	[tilespmem:s0+$0x13480] =	vst v2;
	v2 =	vadd.f32 v8, v7  }
0x195: {  	v8 =	vld [tilespmem:s0+$0x7EA0];
	v1 =	vadd.f32 v1, v7  }
0x196: {  	[tilespmem:s0+$0xFA10] =	vst v2;
	v2 =	vld [tilespmem:s0+$0x8BA0];
	v3 =	vadd.f32 v3, v7  }
0x197: {  	v4 =	vadd.f32 v4, v7;
	v7 =	vld [tilespmem:s0+$0x7EB0];
	[tilespmem:s0+$0x10D90] =	vst v1  }
0x198: {  	v1 =	vld [tilespmem:s0+$0x98A0];
	[tilespmem:s0+$0x12110] =	vst v3  }
0x199: {  	v3 =	vld [tilespmem:s0+$0x3030];
	[tilespmem:s0+$0x13490] =	vst v4;
	v4 =	vadd.f32 v6, v5  }
0x19a: {  	v8 =	vadd.f32 v8, v5;
	v6 =	vld [tilespmem:s0+$0x71B0]  }
0x19b: {  	v2 =	vadd.f32 v2, v5;
	[tilespmem:s0+$0xFA20] =	vst v4;
	v4 =	vld [tilespmem:s0+$0x8BB0]  }
0x19c: {  	[tilespmem:s0+$0x10DA0] =	vst v8;
	v8 =	vld [tilespmem:s0+$0x98B0]  }
0x19d: {  	[tilespmem:s0+$0x12120] =	vst v2;
	v2 =	vld [tilespmem:s0+$0x3040];
	v1 =	vadd.f32 v1, v5  }
0x19e: {  	v5 =	vld [tilespmem:s0+$0x71C0];
	v7 =	vadd.f32 v7, v3  }
0x19f: {  	[tilespmem:s0+$0x134A0] =	vst v1;
	v1 =	vadd.f32 v6, v3;
	v6 =	vld [tilespmem:s0+$0x7EC0]  }
0x1a0: {  	v4 =	vadd.f32 v4, v3;
	[tilespmem:s0+$0x10DB0] =	vst v7;
	v7 =	vld [tilespmem:s0+$0x98C0]  }
0x1a1: {  	v3 =	vadd.f32 v8, v3;
	[tilespmem:s0+$0xFA30] =	vst v1;
	v1 =	vld [tilespmem:s0+$0x8BC0]  }
0x1a2: {  	[tilespmem:s0+$0x12130] =	vst v4;
	v4 =	vld [tilespmem:s0+$0x3050]  }
0x1a3: {  	[tilespmem:s0+$0x134B0] =	vst v3;
	v3 =	vadd.f32 v5, v2;
	v5 =	vld [tilespmem:s0+$0x71D0]  }
0x1a4: {  	v8 =	vld [tilespmem:s0+$0x7ED0];
	v6 =	vadd.f32 v6, v2  }
0x1a5: {  	[tilespmem:s0+$0xFA40] =	vst v3;
	v3 =	vld [tilespmem:s0+$0x8BD0]  }
0x1a6: {  	v1 =	vadd.f32 v1, v2;
	[tilespmem:s0+$0x10DC0] =	vst v6;
	v6 =	vadd.f32 v7, v2;
	v2 =	vld [tilespmem:s0+$0x3060]  }
0x1a7: {  	v7 =	vld [tilespmem:s0+$0x71E0]  }
0x1a8: {  	v10 =	vld [tilespmem:s0+$0x7EE0];
	[tilespmem:s0+$0x12140] =	vst v1;
	v1 =	vadd.f32 v5, v4  }
0x1a9: {  	[tilespmem:s0+$0x134C0] =	vst v6;
	v5 =	vadd.f32 v8, v4;
	v8 =	vld [tilespmem:s0+$0x8BE0]  }
0x1aa: {  	v6 =	vld [tilespmem:s0+$0x98E0];
	[tilespmem:s0+$0xFA50] =	vst v1;
	v1 =	vadd.f32 v3, v4;
	v3 =	vadd.f32 v9, v4  }
0x1ab: {  	[tilespmem:s0+$0x10DD0] =	vst v5;
	v5 =	vld [tilespmem:s0+$0x71F0]  }
0x1ac: {  	v9 =	vadd.f32 v7, v2;
	[tilespmem:s0+$0x134D0] =	vst v3;
	v3 =	vld [tilespmem:s0+$0x7EF0]  }
0x1ad: {  	s1 =	simm.s32 $0x80;
	v4 =	vld [tilespmem:s0+$0x8BF0];
	v7 =	vadd.f32 v10, v2;
	[tilespmem:s0+$0x12150] =	vst v1  }
0x1ae: {  	s3 =	simm.s32 $0x400;
	v1 =	vld [tilespmem:s1+$0x3070];
	[tilespmem:s0+$0xFA60] =	vst v9;
	v8 =	vadd.f32 v8, v2  }
.LBB2_15:
0x1af: {  	p0 =	sne.s32 s3, $0x3200;
	v9 =	vld [tilespmem:s1+$0x98F0];
	[tilespmem:s0+$0x10DE0] =	vst v7;
	v2 =	vadd.f32 v6, v2  }
0x1b0: {  	v6 =	vld [tilespmem:s1+$0x3000];
	[tilespmem:s0+$0x12160] =	vst v8;
	v5 =	vadd.f32 v5, v0  }
0x1b1: {  	v7 =	vld [tilespmem:s1+$0x7180];
	[tilespmem:s0+$0x134E0] =	vst v2;
	v2 =	vadd.f32 v3, v0  }
0x1b2: {  	v3 =	vld [tilespmem:s1+$0x7E80];
	[tilespmem:s0+$0xFA70] =	vst v5;
	v4 =	vadd.f32 v4, v0  }
0x1b3: {  	v5 =	vld [tilespmem:s1+$0x8B80];
	[tilespmem:s0+$0x10DF0] =	vst v2;
	v0 =	vmov v1  }
0x1b4: {  	v1 =	vld [tilespmem:s1+$0x9880];
	v2 =	vadd.f32 v9, v0;
	[tilespmem:s0+$0x12170] =	vst v4;
	s0 =	smov.u32 s1  }
0x1b5: {  	v4 =	vld [tilespmem:s0+$0x3010]  }
0x1b6: {  	v7 =	vadd.f32 v7, v6;
	v8 =	vld [tilespmem:s0+$0x7190];
	[tilespmem:s0+$0x134F0] =	vst v2  }
0x1b7: {  	v2 =	vadd.f32 v3, v6;
	v3 =	vld [tilespmem:s0+$0x7E90]  }
0x1b8: {  	[tilespmem:s0+$0xFA00] =	vst v7;
	v5 =	vadd.f32 v5, v6;
	v7 =	vld [tilespmem:s0+$0x8B90]  }
0x1b9: {  	[tilespmem:s0+$0x10D80] =	vst v2;
	v1 =	vadd.f32 v1, v6;
	v2 =	vld [tilespmem:s0+$0x9890]  }
0x1ba: {  	[tilespmem:s0+$0x12100] =	vst v5;
	v5 =	vld [tilespmem:s0+$0x3020]  }
0x1bb: {  	[tilespmem:s0+$0x13480] =	vst v1;
	v1 =	vadd.f32 v8, v4;
	v6 =	vld [tilespmem:s0+$0x71A0]  }
0x1bc: {  	v3 =	vadd.f32 v3, v4;
	v8 =	vld [tilespmem:s0+$0x7EA0]  }
0x1bd: {  	[tilespmem:s0+$0xFA10] =	vst v1;
	v1 =	vadd.f32 v7, v4;
	v7 =	vld [tilespmem:s0+$0x8BA0]  }
0x1be: {  	[tilespmem:s0+$0x10D90] =	vst v3;
	v2 =	vadd.f32 v2, v4;
	v3 =	vld [tilespmem:s0+$0x98A0]  }
0x1bf: {  	[tilespmem:s0+$0x12110] =	vst v1;
	v1 =	vld [tilespmem:s0+$0x3030]  }
0x1c0: {  	[tilespmem:s0+$0x13490] =	vst v2;
	v2 =	vadd.f32 v6, v5;
	v4 =	vld [tilespmem:s0+$0x71B0]  }
0x1c1: {  	v6 =	vadd.f32 v8, v5;
	v8 =	vld [tilespmem:s0+$0x7EB0]  }
0x1c2: {  	[tilespmem:s0+$0xFA20] =	vst v2;
	v2 =	vadd.f32 v7, v5;
	v7 =	vld [tilespmem:s0+$0x8BB0]  }
0x1c3: {  	[tilespmem:s0+$0x10DA0] =	vst v6;
	v3 =	vadd.f32 v3, v5;
	v5 =	vld [tilespmem:s0+$0x98B0]  }
0x1c4: {  	[tilespmem:s0+$0x12120] =	vst v2;
	v2 =	vld [tilespmem:s0+$0x3040]  }
0x1c5: {  	[tilespmem:s0+$0x134A0] =	vst v3;
	v3 =	vadd.f32 v4, v1;
	v4 =	vld [tilespmem:s0+$0x71C0]  }
0x1c6: {  	v6 =	vadd.f32 v8, v1;
	v8 =	vld [tilespmem:s0+$0x7EC0]  }
0x1c7: {  	[tilespmem:s0+$0xFA30] =	vst v3;
	v3 =	vadd.f32 v7, v1;
	v7 =	vld [tilespmem:s0+$0x8BC0]  }
0x1c8: {  	[tilespmem:s0+$0x10DB0] =	vst v6;
	v1 =	vadd.f32 v5, v1;
	v5 =	vld [tilespmem:s0+$0x98C0]  }
0x1c9: {  	[tilespmem:s0+$0x12130] =	vst v3;
	v3 =	vld [tilespmem:s0+$0x3050]  }
0x1ca: {  	[tilespmem:s0+$0x134B0] =	vst v1;
	v1 =	vadd.f32 v4, v2;
	v4 =	vld [tilespmem:s0+$0x71D0]  }
0x1cb: {  	v6 =	vadd.f32 v8, v2;
	v8 =	vld [tilespmem:s0+$0x7ED0]  }
0x1cc: {  	[tilespmem:s0+$0xFA40] =	vst v1;
	v1 =	vadd.f32 v7, v2;
	v7 =	vld [tilespmem:s0+$0x8BD0]  }
0x1cd: {  	[tilespmem:s0+$0x10DC0] =	vst v6;
	v5 =	vadd.f32 v5, v2;
	v6 =	vld [tilespmem:s0+$0x98D0]  }
0x1ce: {  	[tilespmem:s0+$0x12140] =	vst v1;
	v2 =	vld [tilespmem:s0+$0x3060]  }
0x1cf: {  	[tilespmem:s0+$0x134C0] =	vst v5;
	v1 =	vadd.f32 v4, v3;
	v4 =	vld [tilespmem:s0+$0x71E0]  }
0x1d0: {  	v5 =	vadd.f32 v8, v3;
	v8 =	vld [tilespmem:s0+$0x7EE0]  }
0x1d1: {  	[tilespmem:s0+$0xFA50] =	vst v1;
	v1 =	vadd.f32 v7, v3;
	v9 =	vld [tilespmem:s0+$0x8BE0]  }
.Ltmp7:
0x1d2: {  	[tilespmem:s0+$0x10DD0] =	vst v5;
	v3 =	vadd.f32 v6, v3;
	v6 =	vld [tilespmem:s0+$0x98E0];
	(pc) =	sbr.rel @p0 .LBB2_15-.Ltmp7, $4  }
0x1d3: {  	[tilespmem:s0+$0x12150] =	vst v1;
	v5 =	vld [tilespmem:s0+$0x71F0]  }
0x1d4: {  	[tilespmem:s0+$0x134D0] =	vst v3;
	v10 =	vadd.f32 v4, v2;
	v3 =	vld [tilespmem:s0+$0x7EF0]  }
0x1d5: {  	s1 =	sshra.s32 s3, $0x2;
	v7 =	vadd.f32 v8, v2;
	v4 =	vld [tilespmem:s0+$0x8BF0]  }
0x1d6: {  	s3 =	sadd.s32 $0x200, s3;
	v1 =	vld [tilespmem:s1+$0x3070];
	[tilespmem:s0+$0xFA60] =	vst v10;
	v8 =	vadd.f32 v9, v2  }
0x1d7: {  	v9 =	vld [tilespmem:s1+$0x98F0];
	[tilespmem:s0+$0x10DE0] =	vst v7;
	v2 =	vadd.f32 v6, v2  }
0x1d8: {  	v7 =	vld [tilespmem:s1+$0x3000];
	[tilespmem:s0+$0x12160] =	vst v8;
	v5 =	vadd.f32 v5, v0  }
0x1d9: {  	v18 =	vld [tilespmem:s1+$0x7180];
	[tilespmem:s0+$0x134E0] =	vst v2;
	v3 =	vadd.f32 v3, v0  }
0x1da: {  	v2 =	vld [tilespmem:s1+$0x7E80];
	[tilespmem:s0+$0xFA70] =	vst v5;
	v19 =	vadd.f32 v4, v0  }
0x1db: {  	v5 =	vld [tilespmem:s1+$0x8B80];
	[tilespmem:s0+$0x10DF0] =	vst v3  }
0x1dc: {  	v3 =	vld [tilespmem:s1+$0x9880];
	[tilespmem:s0+$0x12170] =	vst v19  }
0x1dd: {  	v21 =	vld [tilespmem:s1+$0x3010]  }
0x1de: {  	v8 =	vld [tilespmem:s1+$0x7190]  }
0x1df: {  	v22 =	vld [tilespmem:s1+$0x7E90]  }
0x1e0: {  	v23 =	vld [tilespmem:s1+$0x8B90]  }
0x1e1: {  	v24 =	vld [tilespmem:s1+$0x9890]  }
0x1e2: {  	v25 =	vld [tilespmem:s1+$0x3020]  }
0x1e3: {  	v20 =	vadd.f32 v9, v1;
	v27 =	vld [tilespmem:s1+$0x71A0]  }
0x1e4: {  	v28 =	vld [tilespmem:s1+$0x7EA0];
	v6 =	vadd.f32 v18, v7  }
0x1e5: {  	v31 =	vld [tilespmem:s1+$0x3030];
	[tilespmem:s1+$0x134F0] =	vst v20;
	v2 =	vadd.f32 v2, v7  }
0x1e6: {  	v33 =	vld [tilespmem:s1+$0x71B0];
	[tilespmem:s1+$0xFA00] =	vst v6;
	v5 =	vadd.f32 v5, v7  }
0x1e7: {  	v34 =	vld [tilespmem:s1+$0x7EB0];
	[tilespmem:s1+$0x10D80] =	vst v2;
	v3 =	vadd.f32 v3, v7  }
0x1e8: {  	v36 =	vld [tilespmem:s1+$0x98B0];
	[tilespmem:s1+$0x12100] =	vst v5;
	v26 =	vadd.f32 v8, v21  }
0x1e9: {  	v37 =	vld [tilespmem:s1+$0x3040];
	v0 =	vadd.f32 v22, v21;
	[tilespmem:s1+$0x13480] =	vst v3  }
0x1ea: {  	v39 =	vld [tilespmem:s1+$0x71C0];
	v6 =	vadd.f32 v23, v21;
	[tilespmem:s1+$0xFA10] =	vst v26  }
0x1eb: {  	v43 =	vld [tilespmem:s1+$0x3050];
	v2 =	vadd.f32 v24, v21;
	[tilespmem:s1+$0x10D90] =	vst v0  }
0x1ec: {  	v45 =	vld [tilespmem:s1+$0x71D0];
	v32 =	vadd.f32 v27, v25;
	[tilespmem:s1+$0x12110] =	vst v6  }
0x1ed: {  	v49 =	vld [tilespmem:s1+$0x3060];
	v8 =	vadd.f32 v28, v25;
	[tilespmem:s1+$0x13490] =	vst v2  }
0x1ee: {  	v51 =	vld [tilespmem:s1+$0x71E0];
	v38 =	vadd.f32 v33, v31;
	[tilespmem:s1+$0xFA20] =	vst v32  }
0x1ef: {  	v52 =	vld [tilespmem:s1+$0x7EE0];
	v7 =	vadd.f32 v34, v31;
	[tilespmem:s1+$0x10DA0] =	vst v8  }
0x1f0: {  	v53 =	vld [tilespmem:s1+$0x8BE0];
	v4 =	vadd.f32 v36, v31;
	[tilespmem:s1+$0xFA30] =	vst v38  }
0x1f1: {  	v55 =	vld [tilespmem:s1+$0x71F0];
	v44 =	vadd.f32 v39, v37;
	[tilespmem:s1+$0x10DB0] =	vst v7  }
0x1f2: {  	v57 =	vld [tilespmem:s1+$0x7EF0];
	v50 =	vadd.f32 v45, v43;
	[tilespmem:s1+$0x134B0] =	vst v4  }
0x1f3: {  	v59 =	vld [tilespmem:s1+$0x8BF0];
	v56 =	vadd.f32 v51, v49;
	[tilespmem:s1+$0xFA40] =	vst v44  }
0x1f4: {  	v29 =	vld [tilespmem:s1+$0x8BA0];
	v58 =	vadd.f32 v52, v49;
	[tilespmem:s1+$0xFA50] =	vst v50  }
0x1f5: {  	v30 =	vld [tilespmem:s1+$0x98A0];
	v60 =	vadd.f32 v53, v49;
	[tilespmem:s1+$0xFA60] =	vst v56  }
0x1f6: {  	v35 =	vld [tilespmem:s1+$0x8BB0];
	v61 =	vadd.f32 v55, v1;
	[tilespmem:s1+$0x10DE0] =	vst v58  }
0x1f7: {  	v40 =	vld [tilespmem:s1+$0x7EC0];
	v62 =	vadd.f32 v57, v1;
	[tilespmem:s1+$0x12160] =	vst v60  }
0x1f8: {  	v46 =	vld [tilespmem:s1+$0x7ED0];
	v63 =	vadd.f32 v59, v1;
	[tilespmem:s1+$0xFA70] =	vst v61  }
0x1f9: {  	v47 =	vld [tilespmem:s1+$0x8BD0];
	v3 =	vadd.f32 v29, v25;
	[tilespmem:s1+$0x10DF0] =	vst v62  }
0x1fa: {  	v42 =	vld [tilespmem:s1+$0x98C0];
	v0 =	vadd.f32 v30, v25;
	[tilespmem:s1+$0x12170] =	vst v63  }
0x1fb: {  	v41 =	vld [tilespmem:s1+$0x8BC0];
	v2 =	vadd.f32 v35, v31;
	[tilespmem:s1+$0x12120] =	vst v3  }
0x1fc: {  	v48 =	vld [tilespmem:s1+$0x98D0];
	v6 =	vadd.f32 v40, v37;
	[tilespmem:s1+$0x134A0] =	vst v0  }
0x1fd: {  	v54 =	vld [tilespmem:s1+$0x98E0];
	v8 =	vadd.f32 v46, v43;
	[tilespmem:s1+$0x12130] =	vst v2  }
0x1fe: {  	v4 =	vadd.f32 v47, v43;
	[tilespmem:s1+$0x10DC0] =	vst v6  }
0x1ff: {  	s29 =	sadd.s32 $0x1, s29;
	v3 =	vadd.f32 v42, v37;
	[tilespmem:s1+$0x10DD0] =	vst v8  }
0x200: {  	s31 =	smul.u32 $0x4E00, s4;
	p0 =	sne.s32 s29, $0x10;
	v0 =	vadd.f32 v41, v37;
	[tilespmem:s1+$0x12150] =	vst v4  }
.Ltmp8:
0x201: {  	v2 =	vadd.f32 v48, v43;
	[tilespmem:s1+$0x134C0] =	vst v3;
	(pc) =	sbr.rel @p0 .LBB2_4-.Ltmp8, $4  }
0x202: {  	s0 =	sadd.s32 s10, s31;
	[tilespmem:s1+$0x12140] =	vst v0;
	v0 =	vadd.f32 v54, v49  }
0x203: {  	s0 =	sshrl.u32 s0, $0x3;
	[tilespmem:s1+$0x134D0] =	vst v2  }
0x204: {  	s30 =	sadd.s32 $0x68, s30;
	s2 =	sadd.s32 $0x68, s2;
	s0 =	sadd.s32 s6, s0;
	[tilespmem:s1+$0x134E0] =	vst v0  }
0x205: {  	[hbm4b:s0+s7] =	stream.linear.scatter [tilespmem:s25], [sflag:$0x4], $0x4E00, $0x38;
	[tilespmem:$0x14180] =	vst v63  }
0x206: {  	s28 =	sadd.s32 $0x1, s28  }
0x207: {  	_ =	swait.ge [sflag:s26], $0x4E00;
	p0 =	sne.s32 s28, s11  }
.Ltmp9:
0x208: {  	[sflag:s26] =	ssyncset.done $0x0;
	(pc) =	sbr.rel @p0 .LBB2_1-.Ltmp9, $4  }
0x209: {  	[sflag:s26] =	ssyncadd.s32 $0xFFFFB200  }
0x20a: {  	_ =	swait.ge [sflag:s24], $0x4E00  }
0x20b: {  	[sflag:s24] =	ssyncset.done $0x0  }
0x20c: {  	[sflag:s24] =	ssyncadd.s32 $0xFFFFB200  }
0x20d: {  	_ =	sfence.sel $0x180000  }
0x20e: {  	[bflag:$0x0] =	sbarrier.arrive $0xFFFF  }
0x20f: {  	_ =	strace $0x90000047  }
0x210: {  	s0 =	stileid.u32;
	[bflag:$0x2] =	sbarrier.arrive $0xFFFF  }
0x211: {  	p0 =	sne.s32 s0, $0x0;
	s0 =	rddreg [dreg:$0x6]  }
0x212: {  	s0 =	sadd.s32 @!p0 $0x100000, s0  }
0x213: {  	[sflag:s0] =	ssyncadd.tile.s32 @!p0 $0x1;
	_ =	shalt  }
.Lfunc_end2:
_tile_overlayer_lowered:
.L_overlay_start_2:
0x214: {  	(tag) =	ssettag $0x2  }
0x215: {  	s0 =	rddreg [dreg:$0x0];
	s2 =	stileid.u32  }
0x216: {  	s1 =	rddreg [dreg:$0x1];
	p0 =	sne.s32 s2, $0x0  }
0x217: {  	s3 =	rddreg [dreg:$0x2];
	[bflag:$0x3] =	sbarrier.arrive $0xFFFF;
	s2 =	simm.s32 @!p0 $0x1C05  }
0x218: {  	[timem:s3], [sflag:s2] =	dma.local @!p0 [hbm:s0], s1  }
0x219: {  	s0 =	simm.s32 @!p0 $0x5  }
0x21a: {  	_ =	swait.ge @!p0 [sflag:s0], s1  }
0x21b: {  	s1 =	ssub.s32 @!p0 $0x0, s1;
	[sflag:s0] =	ssyncset.done @!p0 $0x0  }
0x21c: {  	[sflag:s0] =	ssyncadd.s32 @!p0 s1  }
0x21d: {  	[bflag:$0x3] =	sbarrier.arrive $0xFFFF  }
0x21e: {  	_ =	shalt  }

</sc_bundles>
